<compile_context>
chip_gen: v7x
topology: tpu7x:2x2x1
jax: 0.10.2.dev20260603
libtpu: 0.0.44.dev20260713+nightly
codegen_flags: <defaults>
</compile_context>

<pallas_src>
import functools

import jax
import jax.numpy as jnp
from jax import lax
from jax.experimental import pallas as pl
from jax.experimental.pallas import tpu as pltpu
from jax.experimental.pallas import tpu_sc as plsc

NE_PAD = 128
LANES = 16


def _make_hist(B, L, num_cores, num_subcores):
    NW = num_cores * num_subcores
    rows = B // NW
    mesh = plsc.VectorSubcoreMesh(core_axis_name="c", subcore_axis_name="s")

    @functools.partial(
        pl.kernel,
        out_type=jax.ShapeDtypeStruct((B, NE_PAD), jnp.float32),
        mesh=mesh,
        compiler_params=pltpu.CompilerParams(needs_layout_passes=False),
        scratch_types=[
            pltpu.VMEM((2 * L, rows), jnp.int32),
            pltpu.VMEM((rows, NE_PAD), jnp.float32),
            pltpu.SemaphoreType.DMA,
            pltpu.SemaphoreType.DMA,
        ],
    )
    def hist(packed_hbm, w_hbm, packed_v, w_v, sem0, sem1):
        wid = lax.axis_index("s") * num_cores + lax.axis_index("c")
        base = wid * rows
        half = rows // 2
        groups = rows // LANES
        cp0 = pltpu.async_copy(packed_hbm.at[:, pl.ds(base, half)],
                               packed_v.at[:, pl.ds(0, half)], sem0)
        cp1 = pltpu.async_copy(packed_hbm.at[:, pl.ds(base + half, half)],
                               packed_v.at[:, pl.ds(half, half)], sem1)

        lane = lax.iota(jnp.int32, LANES)
        zeros = jnp.zeros((LANES,), jnp.float32)

        @plsc.parallel_loop(0, rows // 8)
        def _(z):
            for r in range(8):
                for j in range(NE_PAD // LANES):
                    w_v[z * 8 + r, pl.ds(j * LANES, LANES)] = zeros

        cp0.wait()
        cp1.wait()

        @plsc.parallel_loop(0, groups, unroll=2)
        def _(g):
            row0 = g * LANES
            rowv = row0 + lane
            for l in range(L):
                c = packed_v[l, pl.ds(row0, LANES)]
                mbits = packed_v[L + l, pl.ds(row0, LANES)]
                m = plsc.bitcast(mbits, jnp.float32)
                plsc.addupdate_scatter(w_v, [rowv, c], m)

        pltpu.sync_copy(w_v, w_hbm.at[pl.ds(base, rows), :])

    return hist


def _mm_body(ne_pad, w_ref, e_ref, o_ref):
    ne = e_ref.shape[0]
    epad = jnp.pad(e_ref[...], ((0, ne_pad - ne), (0, 0)))
    o_ref[...] = jnp.dot(w_ref[...], epad,
                         preferred_element_type=jnp.float32)


def kernel(cards, mask, embedding):
    B, L = cards.shape
    NE, D = embedding.shape
    info = plsc.get_sparse_core_info()

    packed = jnp.concatenate(
        [cards.astype(jnp.int32).T,
         lax.bitcast_convert_type(mask, jnp.int32).T], axis=0)

    hist = _make_hist(B, L, info.num_cores, info.num_subcores)
    w = hist(packed)

    BM = 4096
    out = pl.pallas_call(
        functools.partial(_mm_body, NE_PAD),
        grid=(B // BM,),
        in_specs=[
            pl.BlockSpec((BM, NE_PAD), lambda i: (i, 0)),
            pl.BlockSpec((NE, D), lambda i: (0, 0)),
        ],
        out_specs=pl.BlockSpec((BM, D), lambda i: (i, 0)),
        out_shape=jax.ShapeDtypeStruct((B, D), jnp.float32),
    )(w, embedding)
    return out

# --- scband reference (transcript-rebuilt; emitter-appended) ---
"""Pipeline reference for scband-card-encoder-17592186044557 (READ-ONLY COPY).

The authoritative reference and input builder live on the scoring server;
editing this copy changes nothing except your own understanding.
"""

import jax, jax.numpy as jnp
import numpy as np

B = 16384
L = 50
NUM_EMB = 53
DIM = 128


def setup_inputs(seed: int = 0) -> dict:
    key = jax.random.key(seed)
    k1, k2, k3 = jax.random.split(key, 3)
    cards = jax.random.randint(k1, (B, L), 0, NUM_EMB, dtype=jnp.int64 if jax.config.jax_enable_x64 else jnp.int32)
    mask = jax.random.uniform(k2, (B, L), dtype=jnp.float32)
    # nn.Embed default init: variance-scaling-ish normal; scale is irrelevant for correctness
    embedding = jax.random.normal(k3, (NUM_EMB, DIM), dtype=jnp.float32) * 0.02
    return {"cards": cards, "mask": mask, "embedding": embedding}


def reference(cards, mask, embedding):
    # nn.Embed lookup -> gather rows of the table
    embedded_cards = jnp.take(embedding, cards, axis=0)            # [B, L, DIM]
    masked_embedding = embedded_cards * mask[:, :, None]           # [B, L, DIM]
    masked_embedding = masked_embedding.sum(axis=1)                # [B, DIM]
    return masked_embedding

if __name__ == "__main__":
    import jax
    _d = setup_inputs()
    print(jax.jit(kernel)(*tuple(_d.values())))

</pallas_src>

<mosaic_0001>
#map = affine_map<(d0, d1) -> (0, 0)>
module attributes {stable_mosaic.version = 14 : i64} {
  func.func @hist(%arg0: i32, %arg1: i32, %arg2: memref<100x16384xi32, #tpu.memory_space<hbm>>, %arg3: memref<16384x128xf32, #tpu.memory_space<hbm>>, %arg4: memref<100x512xi32, #tpu.memory_space<vmem>>, %arg5: memref<512x128xf32, #tpu.memory_space<vmem>>, %arg6: memref<!tpu.dma_semaphore, #tpu.memory_space<semaphore_mem>>, %arg7: memref<!tpu.dma_semaphore, #tpu.memory_space<semaphore_mem>>) attributes {dimension_semantics = [#tpu.dimension_semantics<core_parallel>, #tpu.dimension_semantics<subcore_parallel>], iteration_bounds = array<i64: 2, 16>, scalar_prefetch = 0 : i64, scratch_operands = 4 : i64, tpu.core_type = #tpu.core_type<sc_vector_subcore>, window_params = [{transform_indices = #map}, {transform_indices = #map}]} {
    %mul3A = arith.constant 2 : i32
    %mul3A_0 = arith.muli %arg1, %mul3A : i32
    %add3A = arith.addi %mul3A_0, %arg0 : i32
    %mul3A_1 = arith.constant 512 : i32
    %mul3A_2 = arith.muli %add3A, %mul3A_1 : i32
    %dma_start3A = arith.constant 0 : i32
    %dma_start3A_3 = arith.constant 0 : i32
    %dma_start3A_4 = tpu.memref_slice %arg4[%dma_start3A, %dma_start3A_3] : memref<100x512xi32, #tpu.memory_space<vmem>> -> memref<100x256xi32, #tpu.memory_space<vmem>>
    %dma_start3A_5 = arith.constant 0 : i32
    %dma_start3A_6 = tpu.memref_slice %arg2[%dma_start3A_5, %mul3A_2] : memref<100x16384xi32, #tpu.memory_space<hbm>> -> memref<100x256xi32, #tpu.memory_space<hbm>>
    %dma_start3A_7 = arith.constant 0 : i32
    %dma_start3A_8 = arith.constant 0 : i32
    %dma_start3A_9 = tpu.memref_slice %arg4[%dma_start3A_7, %dma_start3A_8] : memref<100x512xi32, #tpu.memory_space<vmem>> -> memref<100x256xi32, #tpu.memory_space<vmem>>
    %dma_start3A_10 = arith.constant 0 : i32
    %dma_start3A_11 = tpu.memref_slice %arg2[%dma_start3A_10, %mul3A_2] : memref<100x16384xi32, #tpu.memory_space<hbm>> -> memref<100x256xi32, #tpu.memory_space<hbm>>
    tpu.enqueue_dma source(%dma_start3A_11 : memref<100x256xi32, #tpu.memory_space<hbm>>) target(%dma_start3A_9 : memref<100x256xi32, #tpu.memory_space<vmem>>) target_semaphore(%arg6 : memref<!tpu.dma_semaphore, #tpu.memory_space<semaphore_mem>>)
    %add3A_12 = arith.constant 256 : i32
    %add3A_13 = arith.addi %mul3A_2, %add3A_12 : i32
    %dma_start3A_14 = arith.constant 0 : i32
    %dma_start3A_15 = arith.constant 256 : i32
    %dma_start3A_16 = tpu.memref_slice %arg4[%dma_start3A_14, %dma_start3A_15] : memref<100x512xi32, #tpu.memory_space<vmem>> -> memref<100x256xi32, #tpu.memory_space<vmem>>
    %dma_start3A_17 = arith.constant 0 : i32
    %dma_start3A_18 = tpu.memref_slice %arg2[%dma_start3A_17, %add3A_13] : memref<100x16384xi32, #tpu.memory_space<hbm>> -> memref<100x256xi32, #tpu.memory_space<hbm>>
    %dma_start3A_19 = arith.constant 0 : i32
    %dma_start3A_20 = arith.constant 256 : i32
    %dma_start3A_21 = tpu.memref_slice %arg4[%dma_start3A_19, %dma_start3A_20] : memref<100x512xi32, #tpu.memory_space<vmem>> -> memref<100x256xi32, #tpu.memory_space<vmem>>
    %dma_start3A_22 = arith.constant 0 : i32
    %dma_start3A_23 = tpu.memref_slice %arg2[%dma_start3A_22, %add3A_13] : memref<100x16384xi32, #tpu.memory_space<hbm>> -> memref<100x256xi32, #tpu.memory_space<hbm>>
    tpu.enqueue_dma source(%dma_start3A_23 : memref<100x256xi32, #tpu.memory_space<hbm>>) target(%dma_start3A_21 : memref<100x256xi32, #tpu.memory_space<vmem>>) target_semaphore(%arg7 : memref<!tpu.dma_semaphore, #tpu.memory_space<semaphore_mem>>)
    %iota3A = tpu.iota {dimensions = array<i32: 0>} : vector<16xi32>
    %broadcast_in_dim3A = arith.constant 0.000000e+00 : f32
    %broadcast_in_dim3A_24 = vector.broadcast %broadcast_in_dim3A : f32 to vector<16xf32>
    %parallel_loop3A = arith.constant 0 : i32
    %parallel_loop3A_25 = arith.constant 64 : i32
    %parallel_loop3A_26 = arith.constant 1 : i32
    scf.for %parallel_loop3A_49 = %parallel_loop3A to %parallel_loop3A_25 step %parallel_loop3A_26  : i32 {
      %parallel_loop3A_50 = arith.constant 8 : i32
      %parallel_loop3A_51 = arith.muli %parallel_loop3A_49, %parallel_loop3A_50 : i32
      %parallel_loop3A_52 = arith.constant 0 : i32
      %parallel_loop3A_53 = arith.addi %parallel_loop3A_51, %parallel_loop3A_52 : i32
      %parallel_loop3A_54 = arith.index_cast %parallel_loop3A_53 : i32 to index
      %parallel_loop3A_55 = arith.constant 0 : index
      %parallel_loop3A_56 = tpu.vector_load %arg5[%parallel_loop3A_54, %parallel_loop3A_55] {strides = array<i32>} : memref<512x128xf32, #tpu.memory_space<vmem>>, vector<16xf32>,
      tpu.vector_store %arg5[%parallel_loop3A_54, %parallel_loop3A_55], %broadcast_in_dim3A_24 {strides = array<i32>} : memref<512x128xf32, #tpu.memory_space<vmem>>, vector<16xf32>,
      %parallel_loop3A_57 = arith.constant 8 : i32
      %parallel_loop3A_58 = arith.muli %parallel_loop3A_49, %parallel_loop3A_57 : i32
      %parallel_loop3A_59 = arith.constant 0 : i32
      %parallel_loop3A_60 = arith.addi %parallel_loop3A_58, %parallel_loop3A_59 : i32
      %parallel_loop3A_61 = arith.index_cast %parallel_loop3A_60 : i32 to index
      %parallel_loop3A_62 = arith.constant 16 : index
      %parallel_loop3A_63 = tpu.vector_load %arg5[%parallel_loop3A_61, %parallel_loop3A_62] {strides = array<i32>} : memref<512x128xf32, #tpu.memory_space<vmem>>, vector<16xf32>,
      tpu.vector_store %arg5[%parallel_loop3A_61, %parallel_loop3A_62], %broadcast_in_dim3A_24 {strides = array<i32>} : memref<512x128xf32, #tpu.memory_space<vmem>>, vector<16xf32>,
      %parallel_loop3A_64 = arith.constant 8 : i32
      %parallel_loop3A_65 = arith.muli %parallel_loop3A_49, %parallel_loop3A_64 : i32
      %parallel_loop3A_66 = arith.constant 0 : i32
      %parallel_loop3A_67 = arith.addi %parallel_loop3A_65, %parallel_loop3A_66 : i32
      %parallel_loop3A_68 = arith.index_cast %parallel_loop3A_67 : i32 to index
      %parallel_loop3A_69 = arith.constant 32 : index
      %parallel_loop3A_70 = tpu.vector_load %arg5[%parallel_loop3A_68, %parallel_loop3A_69] {strides = array<i32>} : memref<512x128xf32, #tpu.memory_space<vmem>>, vector<16xf32>,
      tpu.vector_store %arg5[%parallel_loop3A_68, %parallel_loop3A_69], %broadcast_in_dim3A_24 {strides = array<i32>} : memref<512x128xf32, #tpu.memory_space<vmem>>, vector<16xf32>,
      %parallel_loop3A_71 = arith.constant 8 : i32
      %parallel_loop3A_72 = arith.muli %parallel_loop3A_49, %parallel_loop3A_71 : i32
      %parallel_loop3A_73 = arith.constant 0 : i32
      %parallel_loop3A_74 = arith.addi %parallel_loop3A_72, %parallel_loop3A_73 : i32
      %parallel_loop3A_75 = arith.index_cast %parallel_loop3A_74 : i32 to index
      %parallel_loop3A_76 = arith.constant 48 : index
      %parallel_loop3A_77 = tpu.vector_load %arg5[%parallel_loop3A_75, %parallel_loop3A_76] {strides = array<i32>} : memref<512x128xf32, #tpu.memory_space<vmem>>, vector<16xf32>,
      tpu.vector_store %arg5[%parallel_loop3A_75, %parallel_loop3A_76], %broadcast_in_dim3A_24 {strides = array<i32>} : memref<512x128xf32, #tpu.memory_space<vmem>>, vector<16xf32>,
      %parallel_loop3A_78 = arith.constant 8 : i32
      %parallel_loop3A_79 = arith.muli %parallel_loop3A_49, %parallel_loop3A_78 : i32
      %parallel_loop3A_80 = arith.constant 0 : i32
      %parallel_loop3A_81 = arith.addi %parallel_loop3A_79, %parallel_loop3A_80 : i32
      %parallel_loop3A_82 = arith.index_cast %parallel_loop3A_81 : i32 to index
      %parallel_loop3A_83 = arith.constant 64 : index
      %parallel_loop3A_84 = tpu.vector_load %arg5[%parallel_loop3A_82, %parallel_loop3A_83] {strides = array<i32>} : memref<512x128xf32, #tpu.memory_space<vmem>>, vector<16xf32>,
      tpu.vector_store %arg5[%parallel_loop3A_82, %parallel_loop3A_83], %broadcast_in_dim3A_24 {strides = array<i32>} : memref<512x128xf32, #tpu.memory_space<vmem>>, vector<16xf32>,
      %parallel_loop3A_85 = arith.constant 8 : i32
      %parallel_loop3A_86 = arith.muli %parallel_loop3A_49, %parallel_loop3A_85 : i32
      %parallel_loop3A_87 = arith.constant 0 : i32
      %parallel_loop3A_88 = arith.addi %parallel_loop3A_86, %parallel_loop3A_87 : i32
      %parallel_loop3A_89 = arith.index_cast %parallel_loop3A_88 : i32 to index
      %parallel_loop3A_90 = arith.constant 80 : index
      %parallel_loop3A_91 = tpu.vector_load %arg5[%parallel_loop3A_89, %parallel_loop3A_90] {strides = array<i32>} : memref<512x128xf32, #tpu.memory_space<vmem>>, vector<16xf32>,
      tpu.vector_store %arg5[%parallel_loop3A_89, %parallel_loop3A_90], %broadcast_in_dim3A_24 {strides = array<i32>} : memref<512x128xf32, #tpu.memory_space<vmem>>, vector<16xf32>,
      %parallel_loop3A_92 = arith.constant 8 : i32
      %parallel_loop3A_93 = arith.muli %parallel_loop3A_49, %parallel_loop3A_92 : i32
      %parallel_loop3A_94 = arith.constant 0 : i32
      %parallel_loop3A_95 = arith.addi %parallel_loop3A_93, %parallel_loop3A_94 : i32
      %parallel_loop3A_96 = arith.index_cast %parallel_loop3A_95 : i32 to index
      %parallel_loop3A_97 = arith.constant 96 : index
      %parallel_loop3A_98 = tpu.vector_load %arg5[%parallel_loop3A_96, %parallel_loop3A_97] {strides = array<i32>} : memref<512x128xf32, #tpu.memory_space<vmem>>, vector<16xf32>,
      tpu.vector_store %arg5[%parallel_loop3A_96, %parallel_loop3A_97], %broadcast_in_dim3A_24 {strides = array<i32>} : memref<512x128xf32, #tpu.memory_space<vmem>>, vector<16xf32>,
      %parallel_loop3A_99 = arith.constant 8 : i32
      %parallel_loop3A_100 = arith.muli %parallel_loop3A_49, %parallel_loop3A_99 : i32
      %parallel_loop3A_101 = arith.constant 0 : i32
      %parallel_loop3A_102 = arith.addi %parallel_loop3A_100, %parallel_loop3A_101 : i32
      %parallel_loop3A_103 = arith.index_cast %parallel_loop3A_102 : i32 to index
      %parallel_loop3A_104 = arith.constant 112 : index
      %parallel_loop3A_105 = tpu.vector_load %arg5[%parallel_loop3A_103, %parallel_loop3A_104] {strides = array<i32>} : memref<512x128xf32, #tpu.memory_space<vmem>>, vector<16xf32>,
      tpu.vector_store %arg5[%parallel_loop3A_103, %parallel_loop3A_104], %broadcast_in_dim3A_24 {strides = array<i32>} : memref<512x128xf32, #tpu.memory_space<vmem>>, vector<16xf32>,
      %parallel_loop3A_106 = arith.constant 8 : i32
      %parallel_loop3A_107 = arith.muli %parallel_loop3A_49, %parallel_loop3A_106 : i32
      %parallel_loop3A_108 = arith.constant 1 : i32
      %parallel_loop3A_109 = arith.addi %parallel_loop3A_107, %parallel_loop3A_108 : i32
      %parallel_loop3A_110 = arith.index_cast %parallel_loop3A_109 : i32 to index
      %parallel_loop3A_111 = arith.constant 0 : index
      %parallel_loop3A_112 = tpu.vector_load %arg5[%parallel_loop3A_110, %parallel_loop3A_111] {strides = array<i32>} : memref<512x128xf32, #tpu.memory_space<vmem>>, vector<16xf32>,
      tpu.vector_store %arg5[%parallel_loop3A_110, %parallel_loop3A_111], %broadcast_in_dim3A_24 {strides = array<i32>} : memref<512x128xf32, #tpu.memory_space<vmem>>, vector<16xf32>,
      %parallel_loop3A_113 = arith.constant 8 : i32
      %parallel_loop3A_114 = arith.muli %parallel_loop3A_49, %parallel_loop3A_113 : i32
      %parallel_loop3A_115 = arith.constant 1 : i32
      %parallel_loop3A_116 = arith.addi %parallel_loop3A_114, %parallel_loop3A_115 : i32
      %parallel_loop3A_117 = arith.index_cast %parallel_loop3A_116 : i32 to index
      %parallel_loop3A_118 = arith.constant 16 : index
      %parallel_loop3A_119 = tpu.vector_load %arg5[%parallel_loop3A_117, %parallel_loop3A_118] {strides = array<i32>} : memref<512x128xf32, #tpu.memory_space<vmem>>, vector<16xf32>,
      tpu.vector_store %arg5[%parallel_loop3A_117, %parallel_loop3A_118], %broadcast_in_dim3A_24 {strides = array<i32>} : memref<512x128xf32, #tpu.memory_space<vmem>>, vector<16xf32>,
      %parallel_loop3A_120 = arith.constant 8 : i32
      %parallel_loop3A_121 = arith.muli %parallel_loop3A_49, %parallel_loop3A_120 : i32
      %parallel_loop3A_122 = arith.constant 1 : i32
      %parallel_loop3A_123 = arith.addi %parallel_loop3A_121, %parallel_loop3A_122 : i32
      %parallel_loop3A_124 = arith.index_cast %parallel_loop3A_123 : i32 to index
      %parallel_loop3A_125 = arith.constant 32 : index
      %parallel_loop3A_126 = tpu.vector_load %arg5[%parallel_loop3A_124, %parallel_loop3A_125] {strides = array<i32>} : memref<512x128xf32, #tpu.memory_space<vmem>>, vector<16xf32>,
      tpu.vector_store %arg5[%parallel_loop3A_124, %parallel_loop3A_125], %broadcast_in_dim3A_24 {strides = array<i32>} : memref<512x128xf32, #tpu.memory_space<vmem>>, vector<16xf32>,
      %parallel_loop3A_127 = arith.constant 8 : i32
      %parallel_loop3A_128 = arith.muli %parallel_loop3A_49, %parallel_loop3A_127 : i32
      %parallel_loop3A_129 = arith.constant 1 : i32
      %parallel_loop3A_130 = arith.addi %parallel_loop3A_128, %parallel_loop3A_129 : i32
      %parallel_loop3A_131 = arith.index_cast %parallel_loop3A_130 : i32 to index
      %parallel_loop3A_132 = arith.constant 48 : index
      %parallel_loop3A_133 = tpu.vector_load %arg5[%parallel_loop3A_131, %parallel_loop3A_132] {strides = array<i32>} : memref<512x128xf32, #tpu.memory_space<vmem>>, vector<16xf32>,
      tpu.vector_store %arg5[%parallel_loop3A_131, %parallel_loop3A_132], %broadcast_in_dim3A_24 {strides = array<i32>} : memref<512x128xf32, #tpu.memory_space<vmem>>, vector<16xf32>,
      %parallel_loop3A_134 = arith.constant 8 : i32
      %parallel_loop3A_135 = arith.muli %parallel_loop3A_49, %parallel_loop3A_134 : i32
      %parallel_loop3A_136 = arith.constant 1 : i32
      %parallel_loop3A_137 = arith.addi %parallel_loop3A_135, %parallel_loop3A_136 : i32
      %parallel_loop3A_138 = arith.index_cast %parallel_loop3A_137 : i32 to index
      %parallel_loop3A_139 = arith.constant 64 : index
      %parallel_loop3A_140 = tpu.vector_load %arg5[%parallel_loop3A_138, %parallel_loop3A_139] {strides = array<i32>} : memref<512x128xf32, #tpu.memory_space<vmem>>, vector<16xf32>,
      tpu.vector_store %arg5[%parallel_loop3A_138, %parallel_loop3A_139], %broadcast_in_dim3A_24 {strides = array<i32>} : memref<512x128xf32, #tpu.memory_space<vmem>>, vector<16xf32>,
      %parallel_loop3A_141 = arith.constant 8 : i32
      %parallel_loop3A_142 = arith.muli %parallel_loop3A_49, %parallel_loop3A_141 : i32
      %parallel_loop3A_143 = arith.constant 1 : i32
      %parallel_loop3A_144 = arith.addi %parallel_loop3A_142, %parallel_loop3A_143 : i32
      %parallel_loop3A_145 = arith.index_cast %parallel_loop3A_144 : i32 to index
      %parallel_loop3A_146 = arith.constant 80 : index
      %parallel_loop3A_147 = tpu.vector_load %arg5[%parallel_loop3A_145, %parallel_loop3A_146] {strides = array<i32>} : memref<512x128xf32, #tpu.memory_space<vmem>>, vector<16xf32>,
      tpu.vector_store %arg5[%parallel_loop3A_145, %parallel_loop3A_146], %broadcast_in_dim3A_24 {strides = array<i32>} : memref<512x128xf32, #tpu.memory_space<vmem>>, vector<16xf32>,
      %parallel_loop3A_148 = arith.constant 8 : i32
      %parallel_loop3A_149 = arith.muli %parallel_loop3A_49, %parallel_loop3A_148 : i32
      %parallel_loop3A_150 = arith.constant 1 : i32
      %parallel_loop3A_151 = arith.addi %parallel_loop3A_149, %parallel_loop3A_150 : i32
      %parallel_loop3A_152 = arith.index_cast %parallel_loop3A_151 : i32 to index
      %parallel_loop3A_153 = arith.constant 96 : index
      %parallel_loop3A_154 = tpu.vector_load %arg5[%parallel_loop3A_152, %parallel_loop3A_153] {strides = array<i32>} : memref<512x128xf32, #tpu.memory_space<vmem>>, vector<16xf32>,
      tpu.vector_store %arg5[%parallel_loop3A_152, %parallel_loop3A_153], %broadcast_in_dim3A_24 {strides = array<i32>} : memref<512x128xf32, #tpu.memory_space<vmem>>, vector<16xf32>,
      %parallel_loop3A_155 = arith.constant 8 : i32
      %parallel_loop3A_156 = arith.muli %parallel_loop3A_49, %parallel_loop3A_155 : i32
      %parallel_loop3A_157 = arith.constant 1 : i32
      %parallel_loop3A_158 = arith.addi %parallel_loop3A_156, %parallel_loop3A_157 : i32
      %parallel_loop3A_159 = arith.index_cast %parallel_loop3A_158 : i32 to index
      %parallel_loop3A_160 = arith.constant 112 : index
      %parallel_loop3A_161 = tpu.vector_load %arg5[%parallel_loop3A_159, %parallel_loop3A_160] {strides = array<i32>} : memref<512x128xf32, #tpu.memory_space<vmem>>, vector<16xf32>,
      tpu.vector_store %arg5[%parallel_loop3A_159, %parallel_loop3A_160], %broadcast_in_dim3A_24 {strides = array<i32>} : memref<512x128xf32, #tpu.memory_space<vmem>>, vector<16xf32>,
      %parallel_loop3A_162 = arith.constant 8 : i32
      %parallel_loop3A_163 = arith.muli %parallel_loop3A_49, %parallel_loop3A_162 : i32
      %parallel_loop3A_164 = arith.constant 2 : i32
      %parallel_loop3A_165 = arith.addi %parallel_loop3A_163, %parallel_loop3A_164 : i32
      %parallel_loop3A_166 = arith.index_cast %parallel_loop3A_165 : i32 to index
      %parallel_loop3A_167 = arith.constant 0 : index
      %parallel_loop3A_168 = tpu.vector_load %arg5[%parallel_loop3A_166, %parallel_loop3A_167] {strides = array<i32>} : memref<512x128xf32, #tpu.memory_space<vmem>>, vector<16xf32>,
      tpu.vector_store %arg5[%parallel_loop3A_166, %parallel_loop3A_167], %broadcast_in_dim3A_24 {strides = array<i32>} : memref<512x128xf32, #tpu.memory_space<vmem>>, vector<16xf32>,
      %parallel_loop3A_169 = arith.constant 8 : i32
      %parallel_loop3A_170 = arith.muli %parallel_loop3A_49, %parallel_loop3A_169 : i32
      %parallel_loop3A_171 = arith.constant 2 : i32
      %parallel_loop3A_172 = arith.addi %parallel_loop3A_170, %parallel_loop3A_171 : i32
      %parallel_loop3A_173 = arith.index_cast %parallel_loop3A_172 : i32 to index
      %parallel_loop3A_174 = arith.constant 16 : index
      %parallel_loop3A_175 = tpu.vector_load %arg5[%parallel_loop3A_173, %parallel_loop3A_174] {strides = array<i32>} : memref<512x128xf32, #tpu.memory_space<vmem>>, vector<16xf32>,
      tpu.vector_store %arg5[%parallel_loop3A_173, %parallel_loop3A_174], %broadcast_in_dim3A_24 {strides = array<i32>} : memref<512x128xf32, #tpu.memory_space<vmem>>, vector<16xf32>,
      %parallel_loop3A_176 = arith.constant 8 : i32
      %parallel_loop3A_177 = arith.muli %parallel_loop3A_49, %parallel_loop3A_176 : i32
      %parallel_loop3A_178 = arith.constant 2 : i32
      %parallel_loop3A_179 = arith.addi %parallel_loop3A_177, %parallel_loop3A_178 : i32
      %parallel_loop3A_180 = arith.index_cast %parallel_loop3A_179 : i32 to index
      %parallel_loop3A_181 = arith.constant 32 : index
      %parallel_loop3A_182 = tpu.vector_load %arg5[%parallel_loop3A_180, %parallel_loop3A_181] {strides = array<i32>} : memref<512x128xf32, #tpu.memory_space<vmem>>, vector<16xf32>,
      tpu.vector_store %arg5[%parallel_loop3A_180, %parallel_loop3A_181], %broadcast_in_dim3A_24 {strides = array<i32>} : memref<512x128xf32, #tpu.memory_space<vmem>>, vector<16xf32>,
      %parallel_loop3A_183 = arith.constant 8 : i32
      %parallel_loop3A_184 = arith.muli %parallel_loop3A_49, %parallel_loop3A_183 : i32
      %parallel_loop3A_185 = arith.constant 2 : i32
      %parallel_loop3A_186 = arith.addi %parallel_loop3A_184, %parallel_loop3A_185 : i32
      %parallel_loop3A_187 = arith.index_cast %parallel_loop3A_186 : i32 to index
      %parallel_loop3A_188 = arith.constant 48 : index
      %parallel_loop3A_189 = tpu.vector_load %arg5[%parallel_loop3A_187, %parallel_loop3A_188] {strides = array<i32>} : memref<512x128xf32, #tpu.memory_space<vmem>>, vector<16xf32>,
      tpu.vector_store %arg5[%parallel_loop3A_187, %parallel_loop3A_188], %broadcast_in_dim3A_24 {strides = array<i32>} : memref<512x128xf32, #tpu.memory_space<vmem>>, vector<16xf32>,
      %parallel_loop3A_190 = arith.constant 8 : i32
      %parallel_loop3A_191 = arith.muli %parallel_loop3A_49, %parallel_loop3A_190 : i32
      %parallel_loop3A_192 = arith.constant 2 : i32
      %parallel_loop3A_193 = arith.addi %parallel_loop3A_191, %parallel_loop3A_192 : i32
      %parallel_loop3A_194 = arith.index_cast %parallel_loop3A_193 : i32 to index
      %parallel_loop3A_195 = arith.constant 64 : index
      %parallel_loop3A_196 = tpu.vector_load %arg5[%parallel_loop3A_194, %parallel_loop3A_195] {strides = array<i32>} : memref<512x128xf32, #tpu.memory_space<vmem>>, vector<16xf32>,
      tpu.vector_store %arg5[%parallel_loop3A_194, %parallel_loop3A_195], %broadcast_in_dim3A_24 {strides = array<i32>} : memref<512x128xf32, #tpu.memory_space<vmem>>, vector<16xf32>,
      %parallel_loop3A_197 = arith.constant 8 : i32
      %parallel_loop3A_198 = arith.muli %parallel_loop3A_49, %parallel_loop3A_197 : i32
      %parallel_loop3A_199 = arith.constant 2 : i32
      %parallel_loop3A_200 = arith.addi %parallel_loop3A_198, %parallel_loop3A_199 : i32
      %parallel_loop3A_201 = arith.index_cast %parallel_loop3A_200 : i32 to index
      %parallel_loop3A_202 = arith.constant 80 : index
      %parallel_loop3A_203 = tpu.vector_load %arg5[%parallel_loop3A_201, %parallel_loop3A_202] {strides = array<i32>} : memref<512x128xf32, #tpu.memory_space<vmem>>, vector<16xf32>,
      tpu.vector_store %arg5[%parallel_loop3A_201, %parallel_loop3A_202], %broadcast_in_dim3A_24 {strides = array<i32>} : memref<512x128xf32, #tpu.memory_space<vmem>>, vector<16xf32>,
      %parallel_loop3A_204 = arith.constant 8 : i32
      %parallel_loop3A_205 = arith.muli %parallel_loop3A_49, %parallel_loop3A_204 : i32
      %parallel_loop3A_206 = arith.constant 2 : i32
      %parallel_loop3A_207 = arith.addi %parallel_loop3A_205, %parallel_loop3A_206 : i32
      %parallel_loop3A_208 = arith.index_cast %parallel_loop3A_207 : i32 to index
      %parallel_loop3A_209 = arith.constant 96 : index
      %parallel_loop3A_210 = tpu.vector_load %arg5[%parallel_loop3A_208, %parallel_loop3A_209] {strides = array<i32>} : memref<512x128xf32, #tpu.memory_space<vmem>>, vector<16xf32>,
      tpu.vector_store %arg5[%parallel_loop3A_208, %parallel_loop3A_209], %broadcast_in_dim3A_24 {strides = array<i32>} : memref<512x128xf32, #tpu.memory_space<vmem>>, vector<16xf32>,
      %parallel_loop3A_211 = arith.constant 8 : i32
      %parallel_loop3A_212 = arith.muli %parallel_loop3A_49, %parallel_loop3A_211 : i32
      %parallel_loop3A_213 = arith.constant 2 : i32
      %parallel_loop3A_214 = arith.addi %parallel_loop3A_212, %parallel_loop3A_213 : i32
      %parallel_loop3A_215 = arith.index_cast %parallel_loop3A_214 : i32 to index
      %parallel_loop3A_216 = arith.constant 112 : index
      %parallel_loop3A_217 = tpu.vector_load %arg5[%parallel_loop3A_215, %parallel_loop3A_216] {strides = array<i32>} : memref<512x128xf32, #tpu.memory_space<vmem>>, vector<16xf32>,
      tpu.vector_store %arg5[%parallel_loop3A_215, %parallel_loop3A_216], %broadcast_in_dim3A_24 {strides = array<i32>} : memref<512x128xf32, #tpu.memory_space<vmem>>, vector<16xf32>,
      %parallel_loop3A_218 = arith.constant 8 : i32
      %parallel_loop3A_219 = arith.muli %parallel_loop3A_49, %parallel_loop3A_218 : i32
      %parallel_loop3A_220 = arith.constant 3 : i32
      %parallel_loop3A_221 = arith.addi %parallel_loop3A_219, %parallel_loop3A_220 : i32
      %parallel_loop3A_222 = arith.index_cast %parallel_loop3A_221 : i32 to index
      %parallel_loop3A_223 = arith.constant 0 : index
      %parallel_loop3A_224 = tpu.vector_load %arg5[%parallel_loop3A_222, %parallel_loop3A_223] {strides = array<i32>} : memref<512x128xf32, #tpu.memory_space<vmem>>, vector<16xf32>,
      tpu.vector_store %arg5[%parallel_loop3A_222, %parallel_loop3A_223], %broadcast_in_dim3A_24 {strides = array<i32>} : memref<512x128xf32, #tpu.memory_space<vmem>>, vector<16xf32>,
      %parallel_loop3A_225 = arith.constant 8 : i32
      %parallel_loop3A_226 = arith.muli %parallel_loop3A_49, %parallel_loop3A_225 : i32
      %parallel_loop3A_227 = arith.constant 3 : i32
      %parallel_loop3A_228 = arith.addi %parallel_loop3A_226, %parallel_loop3A_227 : i32
      %parallel_loop3A_229 = arith.index_cast %parallel_loop3A_228 : i32 to index
      %parallel_loop3A_230 = arith.constant 16 : index
      %parallel_loop3A_231 = tpu.vector_load %arg5[%parallel_loop3A_229, %parallel_loop3A_230] {strides = array<i32>} : memref<512x128xf32, #tpu.memory_space<vmem>>, vector<16xf32>,
      tpu.vector_store %arg5[%parallel_loop3A_229, %parallel_loop3A_230], %broadcast_in_dim3A_24 {strides = array<i32>} : memref<512x128xf32, #tpu.memory_space<vmem>>, vector<16xf32>,
      %parallel_loop3A_232 = arith.constant 8 : i32
      %parallel_loop3A_233 = arith.muli %parallel_loop3A_49, %parallel_loop3A_232 : i32
      %parallel_loop3A_234 = arith.constant 3 : i32
      %parallel_loop3A_235 = arith.addi %parallel_loop3A_233, %parallel_loop3A_234 : i32
      %parallel_loop3A_236 = arith.index_cast %parallel_loop3A_235 : i32 to index
      %parallel_loop3A_237 = arith.constant 32 : index
      %parallel_loop3A_238 = tpu.vector_load %arg5[%parallel_loop3A_236, %parallel_loop3A_237] {strides = array<i32>} : memref<512x128xf32, #tpu.memory_space<vmem>>, vector<16xf32>,
      tpu.vector_store %arg5[%parallel_loop3A_236, %parallel_loop3A_237], %broadcast_in_dim3A_24 {strides = array<i32>} : memref<512x128xf32, #tpu.memory_space<vmem>>, vector<16xf32>,
      %parallel_loop3A_239 = arith.constant 8 : i32
      %parallel_loop3A_240 = arith.muli %parallel_loop3A_49, %parallel_loop3A_239 : i32
      %parallel_loop3A_241 = arith.constant 3 : i32
      %parallel_loop3A_242 = arith.addi %parallel_loop3A_240, %parallel_loop3A_241 : i32
      %parallel_loop3A_243 = arith.index_cast %parallel_loop3A_242 : i32 to index
      %parallel_loop3A_244 = arith.constant 48 : index
      %parallel_loop3A_245 = tpu.vector_load %arg5[%parallel_loop3A_243, %parallel_loop3A_244] {strides = array<i32>} : memref<512x128xf32, #tpu.memory_space<vmem>>, vector<16xf32>,
      tpu.vector_store %arg5[%parallel_loop3A_243, %parallel_loop3A_244], %broadcast_in_dim3A_24 {strides = array<i32>} : memref<512x128xf32, #tpu.memory_space<vmem>>, vector<16xf32>,
      %parallel_loop3A_246 = arith.constant 8 : i32
      %parallel_loop3A_247 = arith.muli %parallel_loop3A_49, %parallel_loop3A_246 : i32
      %parallel_loop3A_248 = arith.constant 3 : i32
      %parallel_loop3A_249 = arith.addi %parallel_loop3A_247, %parallel_loop3A_248 : i32
      %parallel_loop3A_250 = arith.index_cast %parallel_loop3A_249 : i32 to index
      %parallel_loop3A_251 = arith.constant 64 : index
      %parallel_loop3A_252 = tpu.vector_load %arg5[%parallel_loop3A_250, %parallel_loop3A_251] {strides = array<i32>} : memref<512x128xf32, #tpu.memory_space<vmem>>, vector<16xf32>,
      tpu.vector_store %arg5[%parallel_loop3A_250, %parallel_loop3A_251], %broadcast_in_dim3A_24 {strides = array<i32>} : memref<512x128xf32, #tpu.memory_space<vmem>>, vector<16xf32>,
      %parallel_loop3A_253 = arith.constant 8 : i32
      %parallel_loop3A_254 = arith.muli %parallel_loop3A_49, %parallel_loop3A_253 : i32
      %parallel_loop3A_255 = arith.constant 3 : i32
      %parallel_loop3A_256 = arith.addi %parallel_loop3A_254, %parallel_loop3A_255 : i32
      %parallel_loop3A_257 = arith.index_cast %parallel_loop3A_256 : i32 to index
      %parallel_loop3A_258 = arith.constant 80 : index
      %parallel_loop3A_259 = tpu.vector_load %arg5[%parallel_loop3A_257, %parallel_loop3A_258] {strides = array<i32>} : memref<512x128xf32, #tpu.memory_space<vmem>>, vector<16xf32>,
      tpu.vector_store %arg5[%parallel_loop3A_257, %parallel_loop3A_258], %broadcast_in_dim3A_24 {strides = array<i32>} : memref<512x128xf32, #tpu.memory_space<vmem>>, vector<16xf32>,
      %parallel_loop3A_260 = arith.constant 8 : i32
      %parallel_loop3A_261 = arith.muli %parallel_loop3A_49, %parallel_loop3A_260 : i32
      %parallel_loop3A_262 = arith.constant 3 : i32
      %parallel_loop3A_263 = arith.addi %parallel_loop3A_261, %parallel_loop3A_262 : i32
      %parallel_loop3A_264 = arith.index_cast %parallel_loop3A_263 : i32 to index
      %parallel_loop3A_265 = arith.constant 96 : index
      %parallel_loop3A_266 = tpu.vector_load %arg5[%parallel_loop3A_264, %parallel_loop3A_265] {strides = array<i32>} : memref<512x128xf32, #tpu.memory_space<vmem>>, vector<16xf32>,
      tpu.vector_store %arg5[%parallel_loop3A_264, %parallel_loop3A_265], %broadcast_in_dim3A_24 {strides = array<i32>} : memref<512x128xf32, #tpu.memory_space<vmem>>, vector<16xf32>,
      %parallel_loop3A_267 = arith.constant 8 : i32
      %parallel_loop3A_268 = arith.muli %parallel_loop3A_49, %parallel_loop3A_267 : i32
      %parallel_loop3A_269 = arith.constant 3 : i32
      %parallel_loop3A_270 = arith.addi %parallel_loop3A_268, %parallel_loop3A_269 : i32
      %parallel_loop3A_271 = arith.index_cast %parallel_loop3A_270 : i32 to index
      %parallel_loop3A_272 = arith.constant 112 : index
      %parallel_loop3A_273 = tpu.vector_load %arg5[%parallel_loop3A_271, %parallel_loop3A_272] {strides = array<i32>} : memref<512x128xf32, #tpu.memory_space<vmem>>, vector<16xf32>,
      tpu.vector_store %arg5[%parallel_loop3A_271, %parallel_loop3A_272], %broadcast_in_dim3A_24 {strides = array<i32>} : memref<512x128xf32, #tpu.memory_space<vmem>>, vector<16xf32>,
      %parallel_loop3A_274 = arith.constant 8 : i32
      %parallel_loop3A_275 = arith.muli %parallel_loop3A_49, %parallel_loop3A_274 : i32
      %parallel_loop3A_276 = arith.constant 4 : i32
      %parallel_loop3A_277 = arith.addi %parallel_loop3A_275, %parallel_loop3A_276 : i32
      %parallel_loop3A_278 = arith.index_cast %parallel_loop3A_277 : i32 to index
      %parallel_loop3A_279 = arith.constant 0 : index
      %parallel_loop3A_280 = tpu.vector_load %arg5[%parallel_loop3A_278, %parallel_loop3A_279] {strides = array<i32>} : memref<512x128xf32, #tpu.memory_space<vmem>>, vector<16xf32>,
      tpu.vector_store %arg5[%parallel_loop3A_278, %parallel_loop3A_279], %broadcast_in_dim3A_24 {strides = array<i32>} : memref<512x128xf32, #tpu.memory_space<vmem>>, vector<16xf32>,
      %parallel_loop3A_281 = arith.constant 8 : i32
      %parallel_loop3A_282 = arith.muli %parallel_loop3A_49, %parallel_loop3A_281 : i32
      %parallel_loop3A_283 = arith.constant 4 : i32
      %parallel_loop3A_284 = arith.addi %parallel_loop3A_282, %parallel_loop3A_283 : i32
      %parallel_loop3A_285 = arith.index_cast %parallel_loop3A_284 : i32 to index
      %parallel_loop3A_286 = arith.constant 16 : index
      %parallel_loop3A_287 = tpu.vector_load %arg5[%parallel_loop3A_285, %parallel_loop3A_286] {strides = array<i32>} : memref<512x128xf32, #tpu.memory_space<vmem>>, vector<16xf32>,
      tpu.vector_store %arg5[%parallel_loop3A_285, %parallel_loop3A_286], %broadcast_in_dim3A_24 {strides = array<i32>} : memref<512x128xf32, #tpu.memory_space<vmem>>, vector<16xf32>,
      %parallel_loop3A_288 = arith.constant 8 : i32
      %parallel_loop3A_289 = arith.muli %parallel_loop3A_49, %parallel_loop3A_288 : i32
      %parallel_loop3A_290 = arith.constant 4 : i32
      %parallel_loop3A_291 = arith.addi %parallel_loop3A_289, %parallel_loop3A_290 : i32
      %parallel_loop3A_292 = arith.index_cast %parallel_loop3A_291 : i32 to index
      %parallel_loop3A_293 = arith.constant 32 : index
      %parallel_loop3A_294 = tpu.vector_load %arg5[%parallel_loop3A_292, %parallel_loop3A_293] {strides = array<i32>} : memref<512x128xf32, #tpu.memory_space<vmem>>, vector<16xf32>,
      tpu.vector_store %arg5[%parallel_loop3A_292, %parallel_loop3A_293], %broadcast_in_dim3A_24 {strides = array<i32>} : memref<512x128xf32, #tpu.memory_space<vmem>>, vector<16xf32>,
      %parallel_loop3A_295 = arith.constant 8 : i32
      %parallel_loop3A_296 = arith.muli %parallel_loop3A_49, %parallel_loop3A_295 : i32
      %parallel_loop3A_297 = arith.constant 4 : i32
      %parallel_loop3A_298 = arith.addi %parallel_loop3A_296, %parallel_loop3A_297 : i32
      %parallel_loop3A_299 = arith.index_cast %parallel_loop3A_298 : i32 to index
      %parallel_loop3A_300 = arith.constant 48 : index
      %parallel_loop3A_301 = tpu.vector_load %arg5[%parallel_loop3A_299, %parallel_loop3A_300] {strides = array<i32>} : memref<512x128xf32, #tpu.memory_space<vmem>>, vector<16xf32>,
      tpu.vector_store %arg5[%parallel_loop3A_299, %parallel_loop3A_300], %broadcast_in_dim3A_24 {strides = array<i32>} : memref<512x128xf32, #tpu.memory_space<vmem>>, vector<16xf32>,
      %parallel_loop3A_302 = arith.constant 8 : i32
      %parallel_loop3A_303 = arith.muli %parallel_loop3A_49, %parallel_loop3A_302 : i32
      %parallel_loop3A_304 = arith.constant 4 : i32
      %parallel_loop3A_305 = arith.addi %parallel_loop3A_303, %parallel_loop3A_304 : i32
      %parallel_loop3A_306 = arith.index_cast %parallel_loop3A_305 : i32 to index
      %parallel_loop3A_307 = arith.constant 64 : index
      %parallel_loop3A_308 = tpu.vector_load %arg5[%parallel_loop3A_306, %parallel_loop3A_307] {strides = array<i32>} : memref<512x128xf32, #tpu.memory_space<vmem>>, vector<16xf32>,
      tpu.vector_store %arg5[%parallel_loop3A_306, %parallel_loop3A_307], %broadcast_in_dim3A_24 {strides = array<i32>} : memref<512x128xf32, #tpu.memory_space<vmem>>, vector<16xf32>,
      %parallel_loop3A_309 = arith.constant 8 : i32
      %parallel_loop3A_310 = arith.muli %parallel_loop3A_49, %parallel_loop3A_309 : i32
      %parallel_loop3A_311 = arith.constant 4 : i32
      %parallel_loop3A_312 = arith.addi %parallel_loop3A_310, %parallel_loop3A_311 : i32
      %parallel_loop3A_313 = arith.index_cast %parallel_loop3A_312 : i32 to index
      %parallel_loop3A_314 = arith.constant 80 : index
      %parallel_loop3A_315 = tpu.vector_load %arg5[%parallel_loop3A_313, %parallel_loop3A_314] {strides = array<i32>} : memref<512x128xf32, #tpu.memory_space<vmem>>, vector<16xf32>,
      tpu.vector_store %arg5[%parallel_loop3A_313, %parallel_loop3A_314], %broadcast_in_dim3A_24 {strides = array<i32>} : memref<512x128xf32, #tpu.memory_space<vmem>>, vector<16xf32>,
      %parallel_loop3A_316 = arith.constant 8 : i32
      %parallel_loop3A_317 = arith.muli %parallel_loop3A_49, %parallel_loop3A_316 : i32
      %parallel_loop3A_318 = arith.constant 4 : i32
      %parallel_loop3A_319 = arith.addi %parallel_loop3A_317, %parallel_loop3A_318 : i32
      %parallel_loop3A_320 = arith.index_cast %parallel_loop3A_319 : i32 to index
      %parallel_loop3A_321 = arith.constant 96 : index
      %parallel_loop3A_322 = tpu.vector_load %arg5[%parallel_loop3A_320, %parallel_loop3A_321] {strides = array<i32>} : memref<512x128xf32, #tpu.memory_space<vmem>>, vector<16xf32>,
      tpu.vector_store %arg5[%parallel_loop3A_320, %parallel_loop3A_321], %broadcast_in_dim3A_24 {strides = array<i32>} : memref<512x128xf32, #tpu.memory_space<vmem>>, vector<16xf32>,
      %parallel_loop3A_323 = arith.constant 8 : i32
      %parallel_loop3A_324 = arith.muli %parallel_loop3A_49, %parallel_loop3A_323 : i32
      %parallel_loop3A_325 = arith.constant 4 : i32
      %parallel_loop3A_326 = arith.addi %parallel_loop3A_324, %parallel_loop3A_325 : i32
      %parallel_loop3A_327 = arith.index_cast %parallel_loop3A_326 : i32 to index
      %parallel_loop3A_328 = arith.constant 112 : index
      %parallel_loop3A_329 = tpu.vector_load %arg5[%parallel_loop3A_327, %parallel_loop3A_328] {strides = array<i32>} : memref<512x128xf32, #tpu.memory_space<vmem>>, vector<16xf32>,
      tpu.vector_store %arg5[%parallel_loop3A_327, %parallel_loop3A_328], %broadcast_in_dim3A_24 {strides = array<i32>} : memref<512x128xf32, #tpu.memory_space<vmem>>, vector<16xf32>,
      %parallel_loop3A_330 = arith.constant 8 : i32
      %parallel_loop3A_331 = arith.muli %parallel_loop3A_49, %parallel_loop3A_330 : i32
      %parallel_loop3A_332 = arith.constant 5 : i32
      %parallel_loop3A_333 = arith.addi %parallel_loop3A_331, %parallel_loop3A_332 : i32
      %parallel_loop3A_334 = arith.index_cast %parallel_loop3A_333 : i32 to index
      %parallel_loop3A_335 = arith.constant 0 : index
      %parallel_loop3A_336 = tpu.vector_load %arg5[%parallel_loop3A_334, %parallel_loop3A_335] {strides = array<i32>} : memref<512x128xf32, #tpu.memory_space<vmem>>, vector<16xf32>,
      tpu.vector_store %arg5[%parallel_loop3A_334, %parallel_loop3A_335], %broadcast_in_dim3A_24 {strides = array<i32>} : memref<512x128xf32, #tpu.memory_space<vmem>>, vector<16xf32>,
      %parallel_loop3A_337 = arith.constant 8 : i32
      %parallel_loop3A_338 = arith.muli %parallel_loop3A_49, %parallel_loop3A_337 : i32
      %parallel_loop3A_339 = arith.constant 5 : i32
      %parallel_loop3A_340 = arith.addi %parallel_loop3A_338, %parallel_loop3A_339 : i32
      %parallel_loop3A_341 = arith.index_cast %parallel_loop3A_340 : i32 to index
      %parallel_loop3A_342 = arith.constant 16 : index
      %parallel_loop3A_343 = tpu.vector_load %arg5[%parallel_loop3A_341, %parallel_loop3A_342] {strides = array<i32>} : memref<512x128xf32, #tpu.memory_space<vmem>>, vector<16xf32>,
      tpu.vector_store %arg5[%parallel_loop3A_341, %parallel_loop3A_342], %broadcast_in_dim3A_24 {strides = array<i32>} : memref<512x128xf32, #tpu.memory_space<vmem>>, vector<16xf32>,
      %parallel_loop3A_344 = arith.constant 8 : i32
      %parallel_loop3A_345 = arith.muli %parallel_loop3A_49, %parallel_loop3A_344 : i32
      %parallel_loop3A_346 = arith.constant 5 : i32
      %parallel_loop3A_347 = arith.addi %parallel_loop3A_345, %parallel_loop3A_346 : i32
      %parallel_loop3A_348 = arith.index_cast %parallel_loop3A_347 : i32 to index
      %parallel_loop3A_349 = arith.constant 32 : index
      %parallel_loop3A_350 = tpu.vector_load %arg5[%parallel_loop3A_348, %parallel_loop3A_349] {strides = array<i32>} : memref<512x128xf32, #tpu.memory_space<vmem>>, vector<16xf32>,
      tpu.vector_store %arg5[%parallel_loop3A_348, %parallel_loop3A_349], %broadcast_in_dim3A_24 {strides = array<i32>} : memref<512x128xf32, #tpu.memory_space<vmem>>, vector<16xf32>,
      %parallel_loop3A_351 = arith.constant 8 : i32
      %parallel_loop3A_352 = arith.muli %parallel_loop3A_49, %parallel_loop3A_351 : i32
      %parallel_loop3A_353 = arith.constant 5 : i32
      %parallel_loop3A_354 = arith.addi %parallel_loop3A_352, %parallel_loop3A_353 : i32
      %parallel_loop3A_355 = arith.index_cast %parallel_loop3A_354 : i32 to index
      %parallel_loop3A_356 = arith.constant 48 : index
      %parallel_loop3A_357 = tpu.vector_load %arg5[%parallel_loop3A_355, %parallel_loop3A_356] {strides = array<i32>} : memref<512x128xf32, #tpu.memory_space<vmem>>, vector<16xf32>,
      tpu.vector_store %arg5[%parallel_loop3A_355, %parallel_loop3A_356], %broadcast_in_dim3A_24 {strides = array<i32>} : memref<512x128xf32, #tpu.memory_space<vmem>>, vector<16xf32>,
      %parallel_loop3A_358 = arith.constant 8 : i32
      %parallel_loop3A_359 = arith.muli %parallel_loop3A_49, %parallel_loop3A_358 : i32
      %parallel_loop3A_360 = arith.constant 5 : i32
      %parallel_loop3A_361 = arith.addi %parallel_loop3A_359, %parallel_loop3A_360 : i32
      %parallel_loop3A_362 = arith.index_cast %parallel_loop3A_361 : i32 to index
      %parallel_loop3A_363 = arith.constant 64 : index
      %parallel_loop3A_364 = tpu.vector_load %arg5[%parallel_loop3A_362, %parallel_loop3A_363] {strides = array<i32>} : memref<512x128xf32, #tpu.memory_space<vmem>>, vector<16xf32>,
      tpu.vector_store %arg5[%parallel_loop3A_362, %parallel_loop3A_363], %broadcast_in_dim3A_24 {strides = array<i32>} : memref<512x128xf32, #tpu.memory_space<vmem>>, vector<16xf32>,
      %parallel_loop3A_365 = arith.constant 8 : i32
      %parallel_loop3A_366 = arith.muli %parallel_loop3A_49, %parallel_loop3A_365 : i32
      %parallel_loop3A_367 = arith.constant 5 : i32
      %parallel_loop3A_368 = arith.addi %parallel_loop3A_366, %parallel_loop3A_367 : i32
      %parallel_loop3A_369 = arith.index_cast %parallel_loop3A_368 : i32 to index
      %parallel_loop3A_370 = arith.constant 80 : index
      %parallel_loop3A_371 = tpu.vector_load %arg5[%parallel_loop3A_369, %parallel_loop3A_370] {strides = array<i32>} : memref<512x128xf32, #tpu.memory_space<vmem>>, vector<16xf32>,
      tpu.vector_store %arg5[%parallel_loop3A_369, %parallel_loop3A_370], %broadcast_in_dim3A_24 {strides = array<i32>} : memref<512x128xf32, #tpu.memory_space<vmem>>, vector<16xf32>,
      %parallel_loop3A_372 = arith.constant 8 : i32
      %parallel_loop3A_373 = arith.muli %parallel_loop3A_49, %parallel_loop3A_372 : i32
      %parallel_loop3A_374 = arith.constant 5 : i32
      %parallel_loop3A_375 = arith.addi %parallel_loop3A_373, %parallel_loop3A_374 : i32
      %parallel_loop3A_376 = arith.index_cast %parallel_loop3A_375 : i32 to index
      %parallel_loop3A_377 = arith.constant 96 : index
      %parallel_loop3A_378 = tpu.vector_load %arg5[%parallel_loop3A_376, %parallel_loop3A_377] {strides = array<i32>} : memref<512x128xf32, #tpu.memory_space<vmem>>, vector<16xf32>,
      tpu.vector_store %arg5[%parallel_loop3A_376, %parallel_loop3A_377], %broadcast_in_dim3A_24 {strides = array<i32>} : memref<512x128xf32, #tpu.memory_space<vmem>>, vector<16xf32>,
      %parallel_loop3A_379 = arith.constant 8 : i32
      %parallel_loop3A_380 = arith.muli %parallel_loop3A_49, %parallel_loop3A_379 : i32
      %parallel_loop3A_381 = arith.constant 5 : i32
      %parallel_loop3A_382 = arith.addi %parallel_loop3A_380, %parallel_loop3A_381 : i32
      %parallel_loop3A_383 = arith.index_cast %parallel_loop3A_382 : i32 to index
      %parallel_loop3A_384 = arith.constant 112 : index
      %parallel_loop3A_385 = tpu.vector_load %arg5[%parallel_loop3A_383, %parallel_loop3A_384] {strides = array<i32>} : memref<512x128xf32, #tpu.memory_space<vmem>>, vector<16xf32>,
      tpu.vector_store %arg5[%parallel_loop3A_383, %parallel_loop3A_384], %broadcast_in_dim3A_24 {strides = array<i32>} : memref<512x128xf32, #tpu.memory_space<vmem>>, vector<16xf32>,
      %parallel_loop3A_386 = arith.constant 8 : i32
      %parallel_loop3A_387 = arith.muli %parallel_loop3A_49, %parallel_loop3A_386 : i32
      %parallel_loop3A_388 = arith.constant 6 : i32
      %parallel_loop3A_389 = arith.addi %parallel_loop3A_387, %parallel_loop3A_388 : i32
      %parallel_loop3A_390 = arith.index_cast %parallel_loop3A_389 : i32 to index
      %parallel_loop3A_391 = arith.constant 0 : index
      %parallel_loop3A_392 = tpu.vector_load %arg5[%parallel_loop3A_390, %parallel_loop3A_391] {strides = array<i32>} : memref<512x128xf32, #tpu.memory_space<vmem>>, vector<16xf32>,
      tpu.vector_store %arg5[%parallel_loop3A_390, %parallel_loop3A_391], %broadcast_in_dim3A_24 {strides = array<i32>} : memref<512x128xf32, #tpu.memory_space<vmem>>, vector<16xf32>,
      %parallel_loop3A_393 = arith.constant 8 : i32
      %parallel_loop3A_394 = arith.muli %parallel_loop3A_49, %parallel_loop3A_393 : i32
      %parallel_loop3A_395 = arith.constant 6 : i32
      %parallel_loop3A_396 = arith.addi %parallel_loop3A_394, %parallel_loop3A_395 : i32
      %parallel_loop3A_397 = arith.index_cast %parallel_loop3A_396 : i32 to index
      %parallel_loop3A_398 = arith.constant 16 : index
      %parallel_loop3A_399 = tpu.vector_load %arg5[%parallel_loop3A_397, %parallel_loop3A_398] {strides = array<i32>} : memref<512x128xf32, #tpu.memory_space<vmem>>, vector<16xf32>,
      tpu.vector_store %arg5[%parallel_loop3A_397, %parallel_loop3A_398], %broadcast_in_dim3A_24 {strides = array<i32>} : memref<512x128xf32, #tpu.memory_space<vmem>>, vector<16xf32>,
      %parallel_loop3A_400 = arith.constant 8 : i32
      %parallel_loop3A_401 = arith.muli %parallel_loop3A_49, %parallel_loop3A_400 : i32
      %parallel_loop3A_402 = arith.constant 6 : i32
      %parallel_loop3A_403 = arith.addi %parallel_loop3A_401, %parallel_loop3A_402 : i32
      %parallel_loop3A_404 = arith.index_cast %parallel_loop3A_403 : i32 to index
      %parallel_loop3A_405 = arith.constant 32 : index
      %parallel_loop3A_406 = tpu.vector_load %arg5[%parallel_loop3A_404, %parallel_loop3A_405] {strides = array<i32>} : memref<512x128xf32, #tpu.memory_space<vmem>>, vector<16xf32>,
      tpu.vector_store %arg5[%parallel_loop3A_404, %parallel_loop3A_405], %broadcast_in_dim3A_24 {strides = array<i32>} : memref<512x128xf32, #tpu.memory_space<vmem>>, vector<16xf32>,
      %parallel_loop3A_407 = arith.constant 8 : i32
      %parallel_loop3A_408 = arith.muli %parallel_loop3A_49, %parallel_loop3A_407 : i32
      %parallel_loop3A_409 = arith.constant 6 : i32
      %parallel_loop3A_410 = arith.addi %parallel_loop3A_408, %parallel_loop3A_409 : i32
      %parallel_loop3A_411 = arith.index_cast %parallel_loop3A_410 : i32 to index
      %parallel_loop3A_412 = arith.constant 48 : index
      %parallel_loop3A_413 = tpu.vector_load %arg5[%parallel_loop3A_411, %parallel_loop3A_412] {strides = array<i32>} : memref<512x128xf32, #tpu.memory_space<vmem>>, vector<16xf32>,
      tpu.vector_store %arg5[%parallel_loop3A_411, %parallel_loop3A_412], %broadcast_in_dim3A_24 {strides = array<i32>} : memref<512x128xf32, #tpu.memory_space<vmem>>, vector<16xf32>,
      %parallel_loop3A_414 = arith.constant 8 : i32
      %parallel_loop3A_415 = arith.muli %parallel_loop3A_49, %parallel_loop3A_414 : i32
      %parallel_loop3A_416 = arith.constant 6 : i32
      %parallel_loop3A_417 = arith.addi %parallel_loop3A_415, %parallel_loop3A_416 : i32
      %parallel_loop3A_418 = arith.index_cast %parallel_loop3A_417 : i32 to index
      %parallel_loop3A_419 = arith.constant 64 : index
      %parallel_loop3A_420 = tpu.vector_load %arg5[%parallel_loop3A_418, %parallel_loop3A_419] {strides = array<i32>} : memref<512x128xf32, #tpu.memory_space<vmem>>, vector<16xf32>,
      tpu.vector_store %arg5[%parallel_loop3A_418, %parallel_loop3A_419], %broadcast_in_dim3A_24 {strides = array<i32>} : memref<512x128xf32, #tpu.memory_space<vmem>>, vector<16xf32>,
      %parallel_loop3A_421 = arith.constant 8 : i32
      %parallel_loop3A_422 = arith.muli %parallel_loop3A_49, %parallel_loop3A_421 : i32
      %parallel_loop3A_423 = arith.constant 6 : i32
      %parallel_loop3A_424 = arith.addi %parallel_loop3A_422, %parallel_loop3A_423 : i32
      %parallel_loop3A_425 = arith.index_cast %parallel_loop3A_424 : i32 to index
      %parallel_loop3A_426 = arith.constant 80 : index
      %parallel_loop3A_427 = tpu.vector_load %arg5[%parallel_loop3A_425, %parallel_loop3A_426] {strides = array<i32>} : memref<512x128xf32, #tpu.memory_space<vmem>>, vector<16xf32>,
      tpu.vector_store %arg5[%parallel_loop3A_425, %parallel_loop3A_426], %broadcast_in_dim3A_24 {strides = array<i32>} : memref<512x128xf32, #tpu.memory_space<vmem>>, vector<16xf32>,
      %parallel_loop3A_428 = arith.constant 8 : i32
      %parallel_loop3A_429 = arith.muli %parallel_loop3A_49, %parallel_loop3A_428 : i32
      %parallel_loop3A_430 = arith.constant 6 : i32
      %parallel_loop3A_431 = arith.addi %parallel_loop3A_429, %parallel_loop3A_430 : i32
      %parallel_loop3A_432 = arith.index_cast %parallel_loop3A_431 : i32 to index
      %parallel_loop3A_433 = arith.constant 96 : index
      %parallel_loop3A_434 = tpu.vector_load %arg5[%parallel_loop3A_432, %parallel_loop3A_433] {strides = array<i32>} : memref<512x128xf32, #tpu.memory_space<vmem>>, vector<16xf32>,
      tpu.vector_store %arg5[%parallel_loop3A_432, %parallel_loop3A_433], %broadcast_in_dim3A_24 {strides = array<i32>} : memref<512x128xf32, #tpu.memory_space<vmem>>, vector<16xf32>,
      %parallel_loop3A_435 = arith.constant 8 : i32
      %parallel_loop3A_436 = arith.muli %parallel_loop3A_49, %parallel_loop3A_435 : i32
      %parallel_loop3A_437 = arith.constant 6 : i32
      %parallel_loop3A_438 = arith.addi %parallel_loop3A_436, %parallel_loop3A_437 : i32
      %parallel_loop3A_439 = arith.index_cast %parallel_loop3A_438 : i32 to index
      %parallel_loop3A_440 = arith.constant 112 : index
      %parallel_loop3A_441 = tpu.vector_load %arg5[%parallel_loop3A_439, %parallel_loop3A_440] {strides = array<i32>} : memref<512x128xf32, #tpu.memory_space<vmem>>, vector<16xf32>,
      tpu.vector_store %arg5[%parallel_loop3A_439, %parallel_loop3A_440], %broadcast_in_dim3A_24 {strides = array<i32>} : memref<512x128xf32, #tpu.memory_space<vmem>>, vector<16xf32>,
      %parallel_loop3A_442 = arith.constant 8 : i32
      %parallel_loop3A_443 = arith.muli %parallel_loop3A_49, %parallel_loop3A_442 : i32
      %parallel_loop3A_444 = arith.constant 7 : i32
      %parallel_loop3A_445 = arith.addi %parallel_loop3A_443, %parallel_loop3A_444 : i32
      %parallel_loop3A_446 = arith.index_cast %parallel_loop3A_445 : i32 to index
      %parallel_loop3A_447 = arith.constant 0 : index
      %parallel_loop3A_448 = tpu.vector_load %arg5[%parallel_loop3A_446, %parallel_loop3A_447] {strides = array<i32>} : memref<512x128xf32, #tpu.memory_space<vmem>>, vector<16xf32>,
      tpu.vector_store %arg5[%parallel_loop3A_446, %parallel_loop3A_447], %broadcast_in_dim3A_24 {strides = array<i32>} : memref<512x128xf32, #tpu.memory_space<vmem>>, vector<16xf32>,
      %parallel_loop3A_449 = arith.constant 8 : i32
      %parallel_loop3A_450 = arith.muli %parallel_loop3A_49, %parallel_loop3A_449 : i32
      %parallel_loop3A_451 = arith.constant 7 : i32
      %parallel_loop3A_452 = arith.addi %parallel_loop3A_450, %parallel_loop3A_451 : i32
      %parallel_loop3A_453 = arith.index_cast %parallel_loop3A_452 : i32 to index
      %parallel_loop3A_454 = arith.constant 16 : index
      %parallel_loop3A_455 = tpu.vector_load %arg5[%parallel_loop3A_453, %parallel_loop3A_454] {strides = array<i32>} : memref<512x128xf32, #tpu.memory_space<vmem>>, vector<16xf32>,
      tpu.vector_store %arg5[%parallel_loop3A_453, %parallel_loop3A_454], %broadcast_in_dim3A_24 {strides = array<i32>} : memref<512x128xf32, #tpu.memory_space<vmem>>, vector<16xf32>,
      %parallel_loop3A_456 = arith.constant 8 : i32
      %parallel_loop3A_457 = arith.muli %parallel_loop3A_49, %parallel_loop3A_456 : i32
      %parallel_loop3A_458 = arith.constant 7 : i32
      %parallel_loop3A_459 = arith.addi %parallel_loop3A_457, %parallel_loop3A_458 : i32
      %parallel_loop3A_460 = arith.index_cast %parallel_loop3A_459 : i32 to index
      %parallel_loop3A_461 = arith.constant 32 : index
      %parallel_loop3A_462 = tpu.vector_load %arg5[%parallel_loop3A_460, %parallel_loop3A_461] {strides = array<i32>} : memref<512x128xf32, #tpu.memory_space<vmem>>, vector<16xf32>,
      tpu.vector_store %arg5[%parallel_loop3A_460, %parallel_loop3A_461], %broadcast_in_dim3A_24 {strides = array<i32>} : memref<512x128xf32, #tpu.memory_space<vmem>>, vector<16xf32>,
      %parallel_loop3A_463 = arith.constant 8 : i32
      %parallel_loop3A_464 = arith.muli %parallel_loop3A_49, %parallel_loop3A_463 : i32
      %parallel_loop3A_465 = arith.constant 7 : i32
      %parallel_loop3A_466 = arith.addi %parallel_loop3A_464, %parallel_loop3A_465 : i32
      %parallel_loop3A_467 = arith.index_cast %parallel_loop3A_466 : i32 to index
      %parallel_loop3A_468 = arith.constant 48 : index
      %parallel_loop3A_469 = tpu.vector_load %arg5[%parallel_loop3A_467, %parallel_loop3A_468] {strides = array<i32>} : memref<512x128xf32, #tpu.memory_space<vmem>>, vector<16xf32>,
      tpu.vector_store %arg5[%parallel_loop3A_467, %parallel_loop3A_468], %broadcast_in_dim3A_24 {strides = array<i32>} : memref<512x128xf32, #tpu.memory_space<vmem>>, vector<16xf32>,
      %parallel_loop3A_470 = arith.constant 8 : i32
      %parallel_loop3A_471 = arith.muli %parallel_loop3A_49, %parallel_loop3A_470 : i32
      %parallel_loop3A_472 = arith.constant 7 : i32
      %parallel_loop3A_473 = arith.addi %parallel_loop3A_471, %parallel_loop3A_472 : i32
      %parallel_loop3A_474 = arith.index_cast %parallel_loop3A_473 : i32 to index
      %parallel_loop3A_475 = arith.constant 64 : index
      %parallel_loop3A_476 = tpu.vector_load %arg5[%parallel_loop3A_474, %parallel_loop3A_475] {strides = array<i32>} : memref<512x128xf32, #tpu.memory_space<vmem>>, vector<16xf32>,
      tpu.vector_store %arg5[%parallel_loop3A_474, %parallel_loop3A_475], %broadcast_in_dim3A_24 {strides = array<i32>} : memref<512x128xf32, #tpu.memory_space<vmem>>, vector<16xf32>,
      %parallel_loop3A_477 = arith.constant 8 : i32
      %parallel_loop3A_478 = arith.muli %parallel_loop3A_49, %parallel_loop3A_477 : i32
      %parallel_loop3A_479 = arith.constant 7 : i32
      %parallel_loop3A_480 = arith.addi %parallel_loop3A_478, %parallel_loop3A_479 : i32
      %parallel_loop3A_481 = arith.index_cast %parallel_loop3A_480 : i32 to index
      %parallel_loop3A_482 = arith.constant 80 : index
      %parallel_loop3A_483 = tpu.vector_load %arg5[%parallel_loop3A_481, %parallel_loop3A_482] {strides = array<i32>} : memref<512x128xf32, #tpu.memory_space<vmem>>, vector<16xf32>,
      tpu.vector_store %arg5[%parallel_loop3A_481, %parallel_loop3A_482], %broadcast_in_dim3A_24 {strides = array<i32>} : memref<512x128xf32, #tpu.memory_space<vmem>>, vector<16xf32>,
      %parallel_loop3A_484 = arith.constant 8 : i32
      %parallel_loop3A_485 = arith.muli %parallel_loop3A_49, %parallel_loop3A_484 : i32
      %parallel_loop3A_486 = arith.constant 7 : i32
      %parallel_loop3A_487 = arith.addi %parallel_loop3A_485, %parallel_loop3A_486 : i32
      %parallel_loop3A_488 = arith.index_cast %parallel_loop3A_487 : i32 to index
      %parallel_loop3A_489 = arith.constant 96 : index
      %parallel_loop3A_490 = tpu.vector_load %arg5[%parallel_loop3A_488, %parallel_loop3A_489] {strides = array<i32>} : memref<512x128xf32, #tpu.memory_space<vmem>>, vector<16xf32>,
      tpu.vector_store %arg5[%parallel_loop3A_488, %parallel_loop3A_489], %broadcast_in_dim3A_24 {strides = array<i32>} : memref<512x128xf32, #tpu.memory_space<vmem>>, vector<16xf32>,
      %parallel_loop3A_491 = arith.constant 8 : i32
      %parallel_loop3A_492 = arith.muli %parallel_loop3A_49, %parallel_loop3A_491 : i32
      %parallel_loop3A_493 = arith.constant 7 : i32
      %parallel_loop3A_494 = arith.addi %parallel_loop3A_492, %parallel_loop3A_493 : i32
      %parallel_loop3A_495 = arith.index_cast %parallel_loop3A_494 : i32 to index
      %parallel_loop3A_496 = arith.constant 112 : index
      %parallel_loop3A_497 = tpu.vector_load %arg5[%parallel_loop3A_495, %parallel_loop3A_496] {strides = array<i32>} : memref<512x128xf32, #tpu.memory_space<vmem>>, vector<16xf32>,
      tpu.vector_store %arg5[%parallel_loop3A_495, %parallel_loop3A_496], %broadcast_in_dim3A_24 {strides = array<i32>} : memref<512x128xf32, #tpu.memory_space<vmem>>, vector<16xf32>,
    } {sc.loop_unroll_factor = 1 : i64, sc.parallel_access}
    %dma_wait3A = arith.constant 0 : i32
    %dma_wait3A_27 = arith.constant 0 : i32
    %dma_wait3A_28 = tpu.memref_slice %arg4[%dma_wait3A, %dma_wait3A_27] : memref<100x512xi32, #tpu.memory_space<vmem>> -> memref<100x256xi32, #tpu.memory_space<vmem>>
    %dma_wait3A_29 = arith.constant 0 : i32
    %dma_wait3A_30 = tpu.memref_slice %arg2[%dma_wait3A_29, %mul3A_2] : memref<100x16384xi32, #tpu.memory_space<hbm>> -> memref<100x256xi32, #tpu.memory_space<hbm>>
    %dma_wait3A_31 = arith.constant 0 : i32
    %dma_wait3A_32 = arith.constant 0 : i32
    %dma_wait3A_33 = tpu.memref_slice %arg4[%dma_wait3A_31, %dma_wait3A_32] : memref<100x512xi32, #tpu.memory_space<vmem>> -> memref<100x256xi32, #tpu.memory_space<vmem>>
    %dma_wait3A_34 = arith.constant 0 : i32
    %dma_wait3A_35 = tpu.memref_slice %arg2[%dma_wait3A_34, %mul3A_2] : memref<100x16384xi32, #tpu.memory_space<hbm>> -> memref<100x256xi32, #tpu.memory_space<hbm>>
    tpu.wait_dma2 semaphore(%arg6 : memref<!tpu.dma_semaphore, #tpu.memory_space<semaphore_mem>>) src(%dma_wait3A_35 : memref<100x256xi32, #tpu.memory_space<hbm>>) dst(%dma_wait3A_33 : memref<100x256xi32, #tpu.memory_space<vmem>>)
    %dma_wait3A_36 = arith.constant 0 : i32
    %dma_wait3A_37 = arith.constant 256 : i32
    %dma_wait3A_38 = tpu.memref_slice %arg4[%dma_wait3A_36, %dma_wait3A_37] : memref<100x512xi32, #tpu.memory_space<vmem>> -> memref<100x256xi32, #tpu.memory_space<vmem>>
    %dma_wait3A_39 = arith.constant 0 : i32
    %dma_wait3A_40 = tpu.memref_slice %arg2[%dma_wait3A_39, %add3A_13] : memref<100x16384xi32, #tpu.memory_space<hbm>> -> memref<100x256xi32, #tpu.memory_space<hbm>>
    %dma_wait3A_41 = arith.constant 0 : i32
    %dma_wait3A_42 = arith.constant 256 : i32
    %dma_wait3A_43 = tpu.memref_slice %arg4[%dma_wait3A_41, %dma_wait3A_42] : memref<100x512xi32, #tpu.memory_space<vmem>> -> memref<100x256xi32, #tpu.memory_space<vmem>>
    %dma_wait3A_44 = arith.constant 0 : i32
    %dma_wait3A_45 = tpu.memref_slice %arg2[%dma_wait3A_44, %add3A_13] : memref<100x16384xi32, #tpu.memory_space<hbm>> -> memref<100x256xi32, #tpu.memory_space<hbm>>
    tpu.wait_dma2 semaphore(%arg7 : memref<!tpu.dma_semaphore, #tpu.memory_space<semaphore_mem>>) src(%dma_wait3A_45 : memref<100x256xi32, #tpu.memory_space<hbm>>) dst(%dma_wait3A_43 : memref<100x256xi32, #tpu.memory_space<vmem>>)
    %parallel_loop3A_46 = arith.constant 0 : i32
    %parallel_loop3A_47 = arith.constant 32 : i32
    %parallel_loop3A_48 = arith.constant 1 : i32
    scf.for %parallel_loop3A_49 = %parallel_loop3A_46 to %parallel_loop3A_47 step %parallel_loop3A_48  : i32 {
      %parallel_loop3A_50 = arith.constant 16 : i32
      %parallel_loop3A_51 = arith.muli %parallel_loop3A_49, %parallel_loop3A_50 : i32
      %parallel_loop3A_52 = vector.broadcast %parallel_loop3A_51 : i32 to vector<16xi32>
      %parallel_loop3A_53 = arith.addi %parallel_loop3A_52, %iota3A : vector<16xi32>
      %parallel_loop3A_54 = arith.constant 0 : i32
      %parallel_loop3A_55 = arith.index_cast %parallel_loop3A_54 : i32 to index
      %parallel_loop3A_56 = arith.index_cast %parallel_loop3A_51 : i32 to index
      %parallel_loop3A_57 = tpu.vector_load %arg4[%parallel_loop3A_55, %parallel_loop3A_56] {strides = array<i32>} : memref<100x512xi32, #tpu.memory_space<vmem>>, vector<16xi32>,
      %parallel_loop3A_58 = arith.constant 50 : i32
      %parallel_loop3A_59 = arith.index_cast %parallel_loop3A_58 : i32 to index
      %parallel_loop3A_60 = arith.index_cast %parallel_loop3A_51 : i32 to index
      %parallel_loop3A_61 = tpu.vector_load %arg4[%parallel_loop3A_59, %parallel_loop3A_60] {strides = array<i32>} : memref<100x512xi32, #tpu.memory_space<vmem>>, vector<16xi32>,
      %parallel_loop3A_62 = vector.bitcast %parallel_loop3A_61 : vector<16xi32> to vector<16xf32>
      tpu.vector_store_idx %arg5[%parallel_loop3A_53, %parallel_loop3A_57], %parallel_loop3A_62 {add = true} : memref<512x128xf32, #tpu.memory_space<vmem>>[vector<16xi32>, vector<16xi32>], vector<16xf32>,
      %parallel_loop3A_63 = arith.constant 1 : i32
      %parallel_loop3A_64 = arith.index_cast %parallel_loop3A_63 : i32 to index
      %parallel_loop3A_65 = arith.index_cast %parallel_loop3A_51 : i32 to index
      %parallel_loop3A_66 = tpu.vector_load %arg4[%parallel_loop3A_64, %parallel_loop3A_65] {strides = array<i32>} : memref<100x512xi32, #tpu.memory_space<vmem>>, vector<16xi32>,
      %parallel_loop3A_67 = arith.constant 51 : i32
      %parallel_loop3A_68 = arith.index_cast %parallel_loop3A_67 : i32 to index
      %parallel_loop3A_69 = arith.index_cast %parallel_loop3A_51 : i32 to index
      %parallel_loop3A_70 = tpu.vector_load %arg4[%parallel_loop3A_68, %parallel_loop3A_69] {strides = array<i32>} : memref<100x512xi32, #tpu.memory_space<vmem>>, vector<16xi32>,
      %parallel_loop3A_71 = vector.bitcast %parallel_loop3A_70 : vector<16xi32> to vector<16xf32>
      tpu.vector_store_idx %arg5[%parallel_loop3A_53, %parallel_loop3A_66], %parallel_loop3A_71 {add = true} : memref<512x128xf32, #tpu.memory_space<vmem>>[vector<16xi32>, vector<16xi32>], vector<16xf32>,
      %parallel_loop3A_72 = arith.constant 2 : i32
      %parallel_loop3A_73 = arith.index_cast %parallel_loop3A_72 : i32 to index
      %parallel_loop3A_74 = arith.index_cast %parallel_loop3A_51 : i32 to index
      %parallel_loop3A_75 = tpu.vector_load %arg4[%parallel_loop3A_73, %parallel_loop3A_74] {strides = array<i32>} : memref<100x512xi32, #tpu.memory_space<vmem>>, vector<16xi32>,
      %parallel_loop3A_76 = arith.constant 52 : i32
      %parallel_loop3A_77 = arith.index_cast %parallel_loop3A_76 : i32 to index
      %parallel_loop3A_78 = arith.index_cast %parallel_loop3A_51 : i32 to index
      %parallel_loop3A_79 = tpu.vector_load %arg4[%parallel_loop3A_77, %parallel_loop3A_78] {strides = array<i32>} : memref<100x512xi32, #tpu.memory_space<vmem>>, vector<16xi32>,
      %parallel_loop3A_80 = vector.bitcast %parallel_loop3A_79 : vector<16xi32> to vector<16xf32>
      tpu.vector_store_idx %arg5[%parallel_loop3A_53, %parallel_loop3A_75], %parallel_loop3A_80 {add = true} : memref<512x128xf32, #tpu.memory_space<vmem>>[vector<16xi32>, vector<16xi32>], vector<16xf32>,
      %parallel_loop3A_81 = arith.constant 3 : i32
      %parallel_loop3A_82 = arith.index_cast %parallel_loop3A_81 : i32 to index
      %parallel_loop3A_83 = arith.index_cast %parallel_loop3A_51 : i32 to index
      %parallel_loop3A_84 = tpu.vector_load %arg4[%parallel_loop3A_82, %parallel_loop3A_83] {strides = array<i32>} : memref<100x512xi32, #tpu.memory_space<vmem>>, vector<16xi32>,
      %parallel_loop3A_85 = arith.constant 53 : i32
      %parallel_loop3A_86 = arith.index_cast %parallel_loop3A_85 : i32 to index
      %parallel_loop3A_87 = arith.index_cast %parallel_loop3A_51 : i32 to index
      %parallel_loop3A_88 = tpu.vector_load %arg4[%parallel_loop3A_86, %parallel_loop3A_87] {strides = array<i32>} : memref<100x512xi32, #tpu.memory_space<vmem>>, vector<16xi32>,
      %parallel_loop3A_89 = vector.bitcast %parallel_loop3A_88 : vector<16xi32> to vector<16xf32>
      tpu.vector_store_idx %arg5[%parallel_loop3A_53, %parallel_loop3A_84], %parallel_loop3A_89 {add = true} : memref<512x128xf32, #tpu.memory_space<vmem>>[vector<16xi32>, vector<16xi32>], vector<16xf32>,
      %parallel_loop3A_90 = arith.constant 4 : i32
      %parallel_loop3A_91 = arith.index_cast %parallel_loop3A_90 : i32 to index
      %parallel_loop3A_92 = arith.index_cast %parallel_loop3A_51 : i32 to index
      %parallel_loop3A_93 = tpu.vector_load %arg4[%parallel_loop3A_91, %parallel_loop3A_92] {strides = array<i32>} : memref<100x512xi32, #tpu.memory_space<vmem>>, vector<16xi32>,
      %parallel_loop3A_94 = arith.constant 54 : i32
      %parallel_loop3A_95 = arith.index_cast %parallel_loop3A_94 : i32 to index
      %parallel_loop3A_96 = arith.index_cast %parallel_loop3A_51 : i32 to index
      %parallel_loop3A_97 = tpu.vector_load %arg4[%parallel_loop3A_95, %parallel_loop3A_96] {strides = array<i32>} : memref<100x512xi32, #tpu.memory_space<vmem>>, vector<16xi32>,
      %parallel_loop3A_98 = vector.bitcast %parallel_loop3A_97 : vector<16xi32> to vector<16xf32>
      tpu.vector_store_idx %arg5[%parallel_loop3A_53, %parallel_loop3A_93], %parallel_loop3A_98 {add = true} : memref<512x128xf32, #tpu.memory_space<vmem>>[vector<16xi32>, vector<16xi32>], vector<16xf32>,
      %parallel_loop3A_99 = arith.constant 5 : i32
      %parallel_loop3A_100 = arith.index_cast %parallel_loop3A_99 : i32 to index
      %parallel_loop3A_101 = arith.index_cast %parallel_loop3A_51 : i32 to index
      %parallel_loop3A_102 = tpu.vector_load %arg4[%parallel_loop3A_100, %parallel_loop3A_101] {strides = array<i32>} : memref<100x512xi32, #tpu.memory_space<vmem>>, vector<16xi32>,
      %parallel_loop3A_103 = arith.constant 55 : i32
      %parallel_loop3A_104 = arith.index_cast %parallel_loop3A_103 : i32 to index
      %parallel_loop3A_105 = arith.index_cast %parallel_loop3A_51 : i32 to index
      %parallel_loop3A_106 = tpu.vector_load %arg4[%parallel_loop3A_104, %parallel_loop3A_105] {strides = array<i32>} : memref<100x512xi32, #tpu.memory_space<vmem>>, vector<16xi32>,
      %parallel_loop3A_107 = vector.bitcast %parallel_loop3A_106 : vector<16xi32> to vector<16xf32>
      tpu.vector_store_idx %arg5[%parallel_loop3A_53, %parallel_loop3A_102], %parallel_loop3A_107 {add = true} : memref<512x128xf32, #tpu.memory_space<vmem>>[vector<16xi32>, vector<16xi32>], vector<16xf32>,
      %parallel_loop3A_108 = arith.constant 6 : i32
      %parallel_loop3A_109 = arith.index_cast %parallel_loop3A_108 : i32 to index
      %parallel_loop3A_110 = arith.index_cast %parallel_loop3A_51 : i32 to index
      %parallel_loop3A_111 = tpu.vector_load %arg4[%parallel_loop3A_109, %parallel_loop3A_110] {strides = array<i32>} : memref<100x512xi32, #tpu.memory_space<vmem>>, vector<16xi32>,
      %parallel_loop3A_112 = arith.constant 56 : i32
      %parallel_loop3A_113 = arith.index_cast %parallel_loop3A_112 : i32 to index
      %parallel_loop3A_114 = arith.index_cast %parallel_loop3A_51 : i32 to index
      %parallel_loop3A_115 = tpu.vector_load %arg4[%parallel_loop3A_113, %parallel_loop3A_114] {strides = array<i32>} : memref<100x512xi32, #tpu.memory_space<vmem>>, vector<16xi32>,
      %parallel_loop3A_116 = vector.bitcast %parallel_loop3A_115 : vector<16xi32> to vector<16xf32>
      tpu.vector_store_idx %arg5[%parallel_loop3A_53, %parallel_loop3A_111], %parallel_loop3A_116 {add = true} : memref<512x128xf32, #tpu.memory_space<vmem>>[vector<16xi32>, vector<16xi32>], vector<16xf32>,
      %parallel_loop3A_117 = arith.constant 7 : i32
      %parallel_loop3A_118 = arith.index_cast %parallel_loop3A_117 : i32 to index
      %parallel_loop3A_119 = arith.index_cast %parallel_loop3A_51 : i32 to index
      %parallel_loop3A_120 = tpu.vector_load %arg4[%parallel_loop3A_118, %parallel_loop3A_119] {strides = array<i32>} : memref<100x512xi32, #tpu.memory_space<vmem>>, vector<16xi32>,
      %parallel_loop3A_121 = arith.constant 57 : i32
      %parallel_loop3A_122 = arith.index_cast %parallel_loop3A_121 : i32 to index
      %parallel_loop3A_123 = arith.index_cast %parallel_loop3A_51 : i32 to index
      %parallel_loop3A_124 = tpu.vector_load %arg4[%parallel_loop3A_122, %parallel_loop3A_123] {strides = array<i32>} : memref<100x512xi32, #tpu.memory_space<vmem>>, vector<16xi32>,
      %parallel_loop3A_125 = vector.bitcast %parallel_loop3A_124 : vector<16xi32> to vector<16xf32>
      tpu.vector_store_idx %arg5[%parallel_loop3A_53, %parallel_loop3A_120], %parallel_loop3A_125 {add = true} : memref<512x128xf32, #tpu.memory_space<vmem>>[vector<16xi32>, vector<16xi32>], vector<16xf32>,
      %parallel_loop3A_126 = arith.constant 8 : i32
      %parallel_loop3A_127 = arith.index_cast %parallel_loop3A_126 : i32 to index
      %parallel_loop3A_128 = arith.index_cast %parallel_loop3A_51 : i32 to index
      %parallel_loop3A_129 = tpu.vector_load %arg4[%parallel_loop3A_127, %parallel_loop3A_128] {strides = array<i32>} : memref<100x512xi32, #tpu.memory_space<vmem>>, vector<16xi32>,
      %parallel_loop3A_130 = arith.constant 58 : i32
      %parallel_loop3A_131 = arith.index_cast %parallel_loop3A_130 : i32 to index
      %parallel_loop3A_132 = arith.index_cast %parallel_loop3A_51 : i32 to index
      %parallel_loop3A_133 = tpu.vector_load %arg4[%parallel_loop3A_131, %parallel_loop3A_132] {strides = array<i32>} : memref<100x512xi32, #tpu.memory_space<vmem>>, vector<16xi32>,
      %parallel_loop3A_134 = vector.bitcast %parallel_loop3A_133 : vector<16xi32> to vector<16xf32>
      tpu.vector_store_idx %arg5[%parallel_loop3A_53, %parallel_loop3A_129], %parallel_loop3A_134 {add = true} : memref<512x128xf32, #tpu.memory_space<vmem>>[vector<16xi32>, vector<16xi32>], vector<16xf32>,
      %parallel_loop3A_135 = arith.constant 9 : i32
      %parallel_loop3A_136 = arith.index_cast %parallel_loop3A_135 : i32 to index
      %parallel_loop3A_137 = arith.index_cast %parallel_loop3A_51 : i32 to index
      %parallel_loop3A_138 = tpu.vector_load %arg4[%parallel_loop3A_136, %parallel_loop3A_137] {strides = array<i32>} : memref<100x512xi32, #tpu.memory_space<vmem>>, vector<16xi32>,
      %parallel_loop3A_139 = arith.constant 59 : i32
      %parallel_loop3A_140 = arith.index_cast %parallel_loop3A_139 : i32 to index
      %parallel_loop3A_141 = arith.index_cast %parallel_loop3A_51 : i32 to index
      %parallel_loop3A_142 = tpu.vector_load %arg4[%parallel_loop3A_140, %parallel_loop3A_141] {strides = array<i32>} : memref<100x512xi32, #tpu.memory_space<vmem>>, vector<16xi32>,
      %parallel_loop3A_143 = vector.bitcast %parallel_loop3A_142 : vector<16xi32> to vector<16xf32>
      tpu.vector_store_idx %arg5[%parallel_loop3A_53, %parallel_loop3A_138], %parallel_loop3A_143 {add = true} : memref<512x128xf32, #tpu.memory_space<vmem>>[vector<16xi32>, vector<16xi32>], vector<16xf32>,
      %parallel_loop3A_144 = arith.constant 10 : i32
      %parallel_loop3A_145 = arith.index_cast %parallel_loop3A_144 : i32 to index
      %parallel_loop3A_146 = arith.index_cast %parallel_loop3A_51 : i32 to index
      %parallel_loop3A_147 = tpu.vector_load %arg4[%parallel_loop3A_145, %parallel_loop3A_146] {strides = array<i32>} : memref<100x512xi32, #tpu.memory_space<vmem>>, vector<16xi32>,
      %parallel_loop3A_148 = arith.constant 60 : i32
      %parallel_loop3A_149 = arith.index_cast %parallel_loop3A_148 : i32 to index
      %parallel_loop3A_150 = arith.index_cast %parallel_loop3A_51 : i32 to index
      %parallel_loop3A_151 = tpu.vector_load %arg4[%parallel_loop3A_149, %parallel_loop3A_150] {strides = array<i32>} : memref<100x512xi32, #tpu.memory_space<vmem>>, vector<16xi32>,
      %parallel_loop3A_152 = vector.bitcast %parallel_loop3A_151 : vector<16xi32> to vector<16xf32>
      tpu.vector_store_idx %arg5[%parallel_loop3A_53, %parallel_loop3A_147], %parallel_loop3A_152 {add = true} : memref<512x128xf32, #tpu.memory_space<vmem>>[vector<16xi32>, vector<16xi32>], vector<16xf32>,
      %parallel_loop3A_153 = arith.constant 11 : i32
      %parallel_loop3A_154 = arith.index_cast %parallel_loop3A_153 : i32 to index
      %parallel_loop3A_155 = arith.index_cast %parallel_loop3A_51 : i32 to index
      %parallel_loop3A_156 = tpu.vector_load %arg4[%parallel_loop3A_154, %parallel_loop3A_155] {strides = array<i32>} : memref<100x512xi32, #tpu.memory_space<vmem>>, vector<16xi32>,
      %parallel_loop3A_157 = arith.constant 61 : i32
      %parallel_loop3A_158 = arith.index_cast %parallel_loop3A_157 : i32 to index
      %parallel_loop3A_159 = arith.index_cast %parallel_loop3A_51 : i32 to index
      %parallel_loop3A_160 = tpu.vector_load %arg4[%parallel_loop3A_158, %parallel_loop3A_159] {strides = array<i32>} : memref<100x512xi32, #tpu.memory_space<vmem>>, vector<16xi32>,
      %parallel_loop3A_161 = vector.bitcast %parallel_loop3A_160 : vector<16xi32> to vector<16xf32>
      tpu.vector_store_idx %arg5[%parallel_loop3A_53, %parallel_loop3A_156], %parallel_loop3A_161 {add = true} : memref<512x128xf32, #tpu.memory_space<vmem>>[vector<16xi32>, vector<16xi32>], vector<16xf32>,
      %parallel_loop3A_162 = arith.constant 12 : i32
      %parallel_loop3A_163 = arith.index_cast %parallel_loop3A_162 : i32 to index
      %parallel_loop3A_164 = arith.index_cast %parallel_loop3A_51 : i32 to index
      %parallel_loop3A_165 = tpu.vector_load %arg4[%parallel_loop3A_163, %parallel_loop3A_164] {strides = array<i32>} : memref<100x512xi32, #tpu.memory_space<vmem>>, vector<16xi32>,
      %parallel_loop3A_166 = arith.constant 62 : i32
      %parallel_loop3A_167 = arith.index_cast %parallel_loop3A_166 : i32 to index
      %parallel_loop3A_168 = arith.index_cast %parallel_loop3A_51 : i32 to index
      %parallel_loop3A_169 = tpu.vector_load %arg4[%parallel_loop3A_167, %parallel_loop3A_168] {strides = array<i32>} : memref<100x512xi32, #tpu.memory_space<vmem>>, vector<16xi32>,
      %parallel_loop3A_170 = vector.bitcast %parallel_loop3A_169 : vector<16xi32> to vector<16xf32>
      tpu.vector_store_idx %arg5[%parallel_loop3A_53, %parallel_loop3A_165], %parallel_loop3A_170 {add = true} : memref<512x128xf32, #tpu.memory_space<vmem>>[vector<16xi32>, vector<16xi32>], vector<16xf32>,
      %parallel_loop3A_171 = arith.constant 13 : i32
      %parallel_loop3A_172 = arith.index_cast %parallel_loop3A_171 : i32 to index
      %parallel_loop3A_173 = arith.index_cast %parallel_loop3A_51 : i32 to index
      %parallel_loop3A_174 = tpu.vector_load %arg4[%parallel_loop3A_172, %parallel_loop3A_173] {strides = array<i32>} : memref<100x512xi32, #tpu.memory_space<vmem>>, vector<16xi32>,
      %parallel_loop3A_175 = arith.constant 63 : i32
      %parallel_loop3A_176 = arith.index_cast %parallel_loop3A_175 : i32 to index
      %parallel_loop3A_177 = arith.index_cast %parallel_loop3A_51 : i32 to index
      %parallel_loop3A_178 = tpu.vector_load %arg4[%parallel_loop3A_176, %parallel_loop3A_177] {strides = array<i32>} : memref<100x512xi32, #tpu.memory_space<vmem>>, vector<16xi32>,
      %parallel_loop3A_179 = vector.bitcast %parallel_loop3A_178 : vector<16xi32> to vector<16xf32>
      tpu.vector_store_idx %arg5[%parallel_loop3A_53, %parallel_loop3A_174], %parallel_loop3A_179 {add = true} : memref<512x128xf32, #tpu.memory_space<vmem>>[vector<16xi32>, vector<16xi32>], vector<16xf32>,
      %parallel_loop3A_180 = arith.constant 14 : i32
      %parallel_loop3A_181 = arith.index_cast %parallel_loop3A_180 : i32 to index
      %parallel_loop3A_182 = arith.index_cast %parallel_loop3A_51 : i32 to index
      %parallel_loop3A_183 = tpu.vector_load %arg4[%parallel_loop3A_181, %parallel_loop3A_182] {strides = array<i32>} : memref<100x512xi32, #tpu.memory_space<vmem>>, vector<16xi32>,
      %parallel_loop3A_184 = arith.constant 64 : i32
      %parallel_loop3A_185 = arith.index_cast %parallel_loop3A_184 : i32 to index
      %parallel_loop3A_186 = arith.index_cast %parallel_loop3A_51 : i32 to index
      %parallel_loop3A_187 = tpu.vector_load %arg4[%parallel_loop3A_185, %parallel_loop3A_186] {strides = array<i32>} : memref<100x512xi32, #tpu.memory_space<vmem>>, vector<16xi32>,
      %parallel_loop3A_188 = vector.bitcast %parallel_loop3A_187 : vector<16xi32> to vector<16xf32>
      tpu.vector_store_idx %arg5[%parallel_loop3A_53, %parallel_loop3A_183], %parallel_loop3A_188 {add = true} : memref<512x128xf32, #tpu.memory_space<vmem>>[vector<16xi32>, vector<16xi32>], vector<16xf32>,
      %parallel_loop3A_189 = arith.constant 15 : i32
      %parallel_loop3A_190 = arith.index_cast %parallel_loop3A_189 : i32 to index
      %parallel_loop3A_191 = arith.index_cast %parallel_loop3A_51 : i32 to index
      %parallel_loop3A_192 = tpu.vector_load %arg4[%parallel_loop3A_190, %parallel_loop3A_191] {strides = array<i32>} : memref<100x512xi32, #tpu.memory_space<vmem>>, vector<16xi32>,
      %parallel_loop3A_193 = arith.constant 65 : i32
      %parallel_loop3A_194 = arith.index_cast %parallel_loop3A_193 : i32 to index
      %parallel_loop3A_195 = arith.index_cast %parallel_loop3A_51 : i32 to index
      %parallel_loop3A_196 = tpu.vector_load %arg4[%parallel_loop3A_194, %parallel_loop3A_195] {strides = array<i32>} : memref<100x512xi32, #tpu.memory_space<vmem>>, vector<16xi32>,
      %parallel_loop3A_197 = vector.bitcast %parallel_loop3A_196 : vector<16xi32> to vector<16xf32>
      tpu.vector_store_idx %arg5[%parallel_loop3A_53, %parallel_loop3A_192], %parallel_loop3A_197 {add = true} : memref<512x128xf32, #tpu.memory_space<vmem>>[vector<16xi32>, vector<16xi32>], vector<16xf32>,
      %parallel_loop3A_198 = arith.constant 16 : i32
      %parallel_loop3A_199 = arith.index_cast %parallel_loop3A_198 : i32 to index
      %parallel_loop3A_200 = arith.index_cast %parallel_loop3A_51 : i32 to index
      %parallel_loop3A_201 = tpu.vector_load %arg4[%parallel_loop3A_199, %parallel_loop3A_200] {strides = array<i32>} : memref<100x512xi32, #tpu.memory_space<vmem>>, vector<16xi32>,
      %parallel_loop3A_202 = arith.constant 66 : i32
      %parallel_loop3A_203 = arith.index_cast %parallel_loop3A_202 : i32 to index
      %parallel_loop3A_204 = arith.index_cast %parallel_loop3A_51 : i32 to index
      %parallel_loop3A_205 = tpu.vector_load %arg4[%parallel_loop3A_203, %parallel_loop3A_204] {strides = array<i32>} : memref<100x512xi32, #tpu.memory_space<vmem>>, vector<16xi32>,
      %parallel_loop3A_206 = vector.bitcast %parallel_loop3A_205 : vector<16xi32> to vector<16xf32>
      tpu.vector_store_idx %arg5[%parallel_loop3A_53, %parallel_loop3A_201], %parallel_loop3A_206 {add = true} : memref<512x128xf32, #tpu.memory_space<vmem>>[vector<16xi32>, vector<16xi32>], vector<16xf32>,
      %parallel_loop3A_207 = arith.constant 17 : i32
      %parallel_loop3A_208 = arith.index_cast %parallel_loop3A_207 : i32 to index
      %parallel_loop3A_209 = arith.index_cast %parallel_loop3A_51 : i32 to index
      %parallel_loop3A_210 = tpu.vector_load %arg4[%parallel_loop3A_208, %parallel_loop3A_209] {strides = array<i32>} : memref<100x512xi32, #tpu.memory_space<vmem>>, vector<16xi32>,
      %parallel_loop3A_211 = arith.constant 67 : i32
      %parallel_loop3A_212 = arith.index_cast %parallel_loop3A_211 : i32 to index
      %parallel_loop3A_213 = arith.index_cast %parallel_loop3A_51 : i32 to index
      %parallel_loop3A_214 = tpu.vector_load %arg4[%parallel_loop3A_212, %parallel_loop3A_213] {strides = array<i32>} : memref<100x512xi32, #tpu.memory_space<vmem>>, vector<16xi32>,
      %parallel_loop3A_215 = vector.bitcast %parallel_loop3A_214 : vector<16xi32> to vector<16xf32>
      tpu.vector_store_idx %arg5[%parallel_loop3A_53, %parallel_loop3A_210], %parallel_loop3A_215 {add = true} : memref<512x128xf32, #tpu.memory_space<vmem>>[vector<16xi32>, vector<16xi32>], vector<16xf32>,
      %parallel_loop3A_216 = arith.constant 18 : i32
      %parallel_loop3A_217 = arith.index_cast %parallel_loop3A_216 : i32 to index
      %parallel_loop3A_218 = arith.index_cast %parallel_loop3A_51 : i32 to index
      %parallel_loop3A_219 = tpu.vector_load %arg4[%parallel_loop3A_217, %parallel_loop3A_218] {strides = array<i32>} : memref<100x512xi32, #tpu.memory_space<vmem>>, vector<16xi32>,
      %parallel_loop3A_220 = arith.constant 68 : i32
      %parallel_loop3A_221 = arith.index_cast %parallel_loop3A_220 : i32 to index
      %parallel_loop3A_222 = arith.index_cast %parallel_loop3A_51 : i32 to index
      %parallel_loop3A_223 = tpu.vector_load %arg4[%parallel_loop3A_221, %parallel_loop3A_222] {strides = array<i32>} : memref<100x512xi32, #tpu.memory_space<vmem>>, vector<16xi32>,
      %parallel_loop3A_224 = vector.bitcast %parallel_loop3A_223 : vector<16xi32> to vector<16xf32>
      tpu.vector_store_idx %arg5[%parallel_loop3A_53, %parallel_loop3A_219], %parallel_loop3A_224 {add = true} : memref<512x128xf32, #tpu.memory_space<vmem>>[vector<16xi32>, vector<16xi32>], vector<16xf32>,
      %parallel_loop3A_225 = arith.constant 19 : i32
      %parallel_loop3A_226 = arith.index_cast %parallel_loop3A_225 : i32 to index
      %parallel_loop3A_227 = arith.index_cast %parallel_loop3A_51 : i32 to index
      %parallel_loop3A_228 = tpu.vector_load %arg4[%parallel_loop3A_226, %parallel_loop3A_227] {strides = array<i32>} : memref<100x512xi32, #tpu.memory_space<vmem>>, vector<16xi32>,
      %parallel_loop3A_229 = arith.constant 69 : i32
      %parallel_loop3A_230 = arith.index_cast %parallel_loop3A_229 : i32 to index
      %parallel_loop3A_231 = arith.index_cast %parallel_loop3A_51 : i32 to index
      %parallel_loop3A_232 = tpu.vector_load %arg4[%parallel_loop3A_230, %parallel_loop3A_231] {strides = array<i32>} : memref<100x512xi32, #tpu.memory_space<vmem>>, vector<16xi32>,
      %parallel_loop3A_233 = vector.bitcast %parallel_loop3A_232 : vector<16xi32> to vector<16xf32>
      tpu.vector_store_idx %arg5[%parallel_loop3A_53, %parallel_loop3A_228], %parallel_loop3A_233 {add = true} : memref<512x128xf32, #tpu.memory_space<vmem>>[vector<16xi32>, vector<16xi32>], vector<16xf32>,
      %parallel_loop3A_234 = arith.constant 20 : i32
      %parallel_loop3A_235 = arith.index_cast %parallel_loop3A_234 : i32 to index
      %parallel_loop3A_236 = arith.index_cast %parallel_loop3A_51 : i32 to index
      %parallel_loop3A_237 = tpu.vector_load %arg4[%parallel_loop3A_235, %parallel_loop3A_236] {strides = array<i32>} : memref<100x512xi32, #tpu.memory_space<vmem>>, vector<16xi32>,
      %parallel_loop3A_238 = arith.constant 70 : i32
      %parallel_loop3A_239 = arith.index_cast %parallel_loop3A_238 : i32 to index
      %parallel_loop3A_240 = arith.index_cast %parallel_loop3A_51 : i32 to index
      %parallel_loop3A_241 = tpu.vector_load %arg4[%parallel_loop3A_239, %parallel_loop3A_240] {strides = array<i32>} : memref<100x512xi32, #tpu.memory_space<vmem>>, vector<16xi32>,
      %parallel_loop3A_242 = vector.bitcast %parallel_loop3A_241 : vector<16xi32> to vector<16xf32>
      tpu.vector_store_idx %arg5[%parallel_loop3A_53, %parallel_loop3A_237], %parallel_loop3A_242 {add = true} : memref<512x128xf32, #tpu.memory_space<vmem>>[vector<16xi32>, vector<16xi32>], vector<16xf32>,
      %parallel_loop3A_243 = arith.constant 21 : i32
      %parallel_loop3A_244 = arith.index_cast %parallel_loop3A_243 : i32 to index
      %parallel_loop3A_245 = arith.index_cast %parallel_loop3A_51 : i32 to index
      %parallel_loop3A_246 = tpu.vector_load %arg4[%parallel_loop3A_244, %parallel_loop3A_245] {strides = array<i32>} : memref<100x512xi32, #tpu.memory_space<vmem>>, vector<16xi32>,
      %parallel_loop3A_247 = arith.constant 71 : i32
      %parallel_loop3A_248 = arith.index_cast %parallel_loop3A_247 : i32 to index
      %parallel_loop3A_249 = arith.index_cast %parallel_loop3A_51 : i32 to index
      %parallel_loop3A_250 = tpu.vector_load %arg4[%parallel_loop3A_248, %parallel_loop3A_249] {strides = array<i32>} : memref<100x512xi32, #tpu.memory_space<vmem>>, vector<16xi32>,
      %parallel_loop3A_251 = vector.bitcast %parallel_loop3A_250 : vector<16xi32> to vector<16xf32>
      tpu.vector_store_idx %arg5[%parallel_loop3A_53, %parallel_loop3A_246], %parallel_loop3A_251 {add = true} : memref<512x128xf32, #tpu.memory_space<vmem>>[vector<16xi32>, vector<16xi32>], vector<16xf32>,
      %parallel_loop3A_252 = arith.constant 22 : i32
      %parallel_loop3A_253 = arith.index_cast %parallel_loop3A_252 : i32 to index
      %parallel_loop3A_254 = arith.index_cast %parallel_loop3A_51 : i32 to index
      %parallel_loop3A_255 = tpu.vector_load %arg4[%parallel_loop3A_253, %parallel_loop3A_254] {strides = array<i32>} : memref<100x512xi32, #tpu.memory_space<vmem>>, vector<16xi32>,
      %parallel_loop3A_256 = arith.constant 72 : i32
      %parallel_loop3A_257 = arith.index_cast %parallel_loop3A_256 : i32 to index
      %parallel_loop3A_258 = arith.index_cast %parallel_loop3A_51 : i32 to index
      %parallel_loop3A_259 = tpu.vector_load %arg4[%parallel_loop3A_257, %parallel_loop3A_258] {strides = array<i32>} : memref<100x512xi32, #tpu.memory_space<vmem>>, vector<16xi32>,
      %parallel_loop3A_260 = vector.bitcast %parallel_loop3A_259 : vector<16xi32> to vector<16xf32>
      tpu.vector_store_idx %arg5[%parallel_loop3A_53, %parallel_loop3A_255], %parallel_loop3A_260 {add = true} : memref<512x128xf32, #tpu.memory_space<vmem>>[vector<16xi32>, vector<16xi32>], vector<16xf32>,
      %parallel_loop3A_261 = arith.constant 23 : i32
      %parallel_loop3A_262 = arith.index_cast %parallel_loop3A_261 : i32 to index
      %parallel_loop3A_263 = arith.index_cast %parallel_loop3A_51 : i32 to index
      %parallel_loop3A_264 = tpu.vector_load %arg4[%parallel_loop3A_262, %parallel_loop3A_263] {strides = array<i32>} : memref<100x512xi32, #tpu.memory_space<vmem>>, vector<16xi32>,
      %parallel_loop3A_265 = arith.constant 73 : i32
      %parallel_loop3A_266 = arith.index_cast %parallel_loop3A_265 : i32 to index
      %parallel_loop3A_267 = arith.index_cast %parallel_loop3A_51 : i32 to index
      %parallel_loop3A_268 = tpu.vector_load %arg4[%parallel_loop3A_266, %parallel_loop3A_267] {strides = array<i32>} : memref<100x512xi32, #tpu.memory_space<vmem>>, vector<16xi32>,
      %parallel_loop3A_269 = vector.bitcast %parallel_loop3A_268 : vector<16xi32> to vector<16xf32>
      tpu.vector_store_idx %arg5[%parallel_loop3A_53, %parallel_loop3A_264], %parallel_loop3A_269 {add = true} : memref<512x128xf32, #tpu.memory_space<vmem>>[vector<16xi32>, vector<16xi32>], vector<16xf32>,
      %parallel_loop3A_270 = arith.constant 24 : i32
      %parallel_loop3A_271 = arith.index_cast %parallel_loop3A_270 : i32 to index
      %parallel_loop3A_272 = arith.index_cast %parallel_loop3A_51 : i32 to index
      %parallel_loop3A_273 = tpu.vector_load %arg4[%parallel_loop3A_271, %parallel_loop3A_272] {strides = array<i32>} : memref<100x512xi32, #tpu.memory_space<vmem>>, vector<16xi32>,
      %parallel_loop3A_274 = arith.constant 74 : i32
      %parallel_loop3A_275 = arith.index_cast %parallel_loop3A_274 : i32 to index
      %parallel_loop3A_276 = arith.index_cast %parallel_loop3A_51 : i32 to index
      %parallel_loop3A_277 = tpu.vector_load %arg4[%parallel_loop3A_275, %parallel_loop3A_276] {strides = array<i32>} : memref<100x512xi32, #tpu.memory_space<vmem>>, vector<16xi32>,
      %parallel_loop3A_278 = vector.bitcast %parallel_loop3A_277 : vector<16xi32> to vector<16xf32>
      tpu.vector_store_idx %arg5[%parallel_loop3A_53, %parallel_loop3A_273], %parallel_loop3A_278 {add = true} : memref<512x128xf32, #tpu.memory_space<vmem>>[vector<16xi32>, vector<16xi32>], vector<16xf32>,
      %parallel_loop3A_279 = arith.constant 25 : i32
      %parallel_loop3A_280 = arith.index_cast %parallel_loop3A_279 : i32 to index
      %parallel_loop3A_281 = arith.index_cast %parallel_loop3A_51 : i32 to index
      %parallel_loop3A_282 = tpu.vector_load %arg4[%parallel_loop3A_280, %parallel_loop3A_281] {strides = array<i32>} : memref<100x512xi32, #tpu.memory_space<vmem>>, vector<16xi32>,
      %parallel_loop3A_283 = arith.constant 75 : i32
      %parallel_loop3A_284 = arith.index_cast %parallel_loop3A_283 : i32 to index
      %parallel_loop3A_285 = arith.index_cast %parallel_loop3A_51 : i32 to index
      %parallel_loop3A_286 = tpu.vector_load %arg4[%parallel_loop3A_284, %parallel_loop3A_285] {strides = array<i32>} : memref<100x512xi32, #tpu.memory_space<vmem>>, vector<16xi32>,
      %parallel_loop3A_287 = vector.bitcast %parallel_loop3A_286 : vector<16xi32> to vector<16xf32>
      tpu.vector_store_idx %arg5[%parallel_loop3A_53, %parallel_loop3A_282], %parallel_loop3A_287 {add = true} : memref<512x128xf32, #tpu.memory_space<vmem>>[vector<16xi32>, vector<16xi32>], vector<16xf32>,
      %parallel_loop3A_288 = arith.constant 26 : i32
      %parallel_loop3A_289 = arith.index_cast %parallel_loop3A_288 : i32 to index
      %parallel_loop3A_290 = arith.index_cast %parallel_loop3A_51 : i32 to index
      %parallel_loop3A_291 = tpu.vector_load %arg4[%parallel_loop3A_289, %parallel_loop3A_290] {strides = array<i32>} : memref<100x512xi32, #tpu.memory_space<vmem>>, vector<16xi32>,
      %parallel_loop3A_292 = arith.constant 76 : i32
      %parallel_loop3A_293 = arith.index_cast %parallel_loop3A_292 : i32 to index
      %parallel_loop3A_294 = arith.index_cast %parallel_loop3A_51 : i32 to index
      %parallel_loop3A_295 = tpu.vector_load %arg4[%parallel_loop3A_293, %parallel_loop3A_294] {strides = array<i32>} : memref<100x512xi32, #tpu.memory_space<vmem>>, vector<16xi32>,
      %parallel_loop3A_296 = vector.bitcast %parallel_loop3A_295 : vector<16xi32> to vector<16xf32>
      tpu.vector_store_idx %arg5[%parallel_loop3A_53, %parallel_loop3A_291], %parallel_loop3A_296 {add = true} : memref<512x128xf32, #tpu.memory_space<vmem>>[vector<16xi32>, vector<16xi32>], vector<16xf32>,
      %parallel_loop3A_297 = arith.constant 27 : i32
      %parallel_loop3A_298 = arith.index_cast %parallel_loop3A_297 : i32 to index
      %parallel_loop3A_299 = arith.index_cast %parallel_loop3A_51 : i32 to index
      %parallel_loop3A_300 = tpu.vector_load %arg4[%parallel_loop3A_298, %parallel_loop3A_299] {strides = array<i32>} : memref<100x512xi32, #tpu.memory_space<vmem>>, vector<16xi32>,
      %parallel_loop3A_301 = arith.constant 77 : i32
      %parallel_loop3A_302 = arith.index_cast %parallel_loop3A_301 : i32 to index
      %parallel_loop3A_303 = arith.index_cast %parallel_loop3A_51 : i32 to index
      %parallel_loop3A_304 = tpu.vector_load %arg4[%parallel_loop3A_302, %parallel_loop3A_303] {strides = array<i32>} : memref<100x512xi32, #tpu.memory_space<vmem>>, vector<16xi32>,
      %parallel_loop3A_305 = vector.bitcast %parallel_loop3A_304 : vector<16xi32> to vector<16xf32>
      tpu.vector_store_idx %arg5[%parallel_loop3A_53, %parallel_loop3A_300], %parallel_loop3A_305 {add = true} : memref<512x128xf32, #tpu.memory_space<vmem>>[vector<16xi32>, vector<16xi32>], vector<16xf32>,
      %parallel_loop3A_306 = arith.constant 28 : i32
      %parallel_loop3A_307 = arith.index_cast %parallel_loop3A_306 : i32 to index
      %parallel_loop3A_308 = arith.index_cast %parallel_loop3A_51 : i32 to index
      %parallel_loop3A_309 = tpu.vector_load %arg4[%parallel_loop3A_307, %parallel_loop3A_308] {strides = array<i32>} : memref<100x512xi32, #tpu.memory_space<vmem>>, vector<16xi32>,
      %parallel_loop3A_310 = arith.constant 78 : i32
      %parallel_loop3A_311 = arith.index_cast %parallel_loop3A_310 : i32 to index
      %parallel_loop3A_312 = arith.index_cast %parallel_loop3A_51 : i32 to index
      %parallel_loop3A_313 = tpu.vector_load %arg4[%parallel_loop3A_311, %parallel_loop3A_312] {strides = array<i32>} : memref<100x512xi32, #tpu.memory_space<vmem>>, vector<16xi32>,
      %parallel_loop3A_314 = vector.bitcast %parallel_loop3A_313 : vector<16xi32> to vector<16xf32>
      tpu.vector_store_idx %arg5[%parallel_loop3A_53, %parallel_loop3A_309], %parallel_loop3A_314 {add = true} : memref<512x128xf32, #tpu.memory_space<vmem>>[vector<16xi32>, vector<16xi32>], vector<16xf32>,
      %parallel_loop3A_315 = arith.constant 29 : i32
      %parallel_loop3A_316 = arith.index_cast %parallel_loop3A_315 : i32 to index
      %parallel_loop3A_317 = arith.index_cast %parallel_loop3A_51 : i32 to index
      %parallel_loop3A_318 = tpu.vector_load %arg4[%parallel_loop3A_316, %parallel_loop3A_317] {strides = array<i32>} : memref<100x512xi32, #tpu.memory_space<vmem>>, vector<16xi32>,
      %parallel_loop3A_319 = arith.constant 79 : i32
      %parallel_loop3A_320 = arith.index_cast %parallel_loop3A_319 : i32 to index
      %parallel_loop3A_321 = arith.index_cast %parallel_loop3A_51 : i32 to index
      %parallel_loop3A_322 = tpu.vector_load %arg4[%parallel_loop3A_320, %parallel_loop3A_321] {strides = array<i32>} : memref<100x512xi32, #tpu.memory_space<vmem>>, vector<16xi32>,
      %parallel_loop3A_323 = vector.bitcast %parallel_loop3A_322 : vector<16xi32> to vector<16xf32>
      tpu.vector_store_idx %arg5[%parallel_loop3A_53, %parallel_loop3A_318], %parallel_loop3A_323 {add = true} : memref<512x128xf32, #tpu.memory_space<vmem>>[vector<16xi32>, vector<16xi32>], vector<16xf32>,
      %parallel_loop3A_324 = arith.constant 30 : i32
      %parallel_loop3A_325 = arith.index_cast %parallel_loop3A_324 : i32 to index
      %parallel_loop3A_326 = arith.index_cast %parallel_loop3A_51 : i32 to index
      %parallel_loop3A_327 = tpu.vector_load %arg4[%parallel_loop3A_325, %parallel_loop3A_326] {strides = array<i32>} : memref<100x512xi32, #tpu.memory_space<vmem>>, vector<16xi32>,
      %parallel_loop3A_328 = arith.constant 80 : i32
      %parallel_loop3A_329 = arith.index_cast %parallel_loop3A_328 : i32 to index
      %parallel_loop3A_330 = arith.index_cast %parallel_loop3A_51 : i32 to index
      %parallel_loop3A_331 = tpu.vector_load %arg4[%parallel_loop3A_329, %parallel_loop3A_330] {strides = array<i32>} : memref<100x512xi32, #tpu.memory_space<vmem>>, vector<16xi32>,
      %parallel_loop3A_332 = vector.bitcast %parallel_loop3A_331 : vector<16xi32> to vector<16xf32>
      tpu.vector_store_idx %arg5[%parallel_loop3A_53, %parallel_loop3A_327], %parallel_loop3A_332 {add = true} : memref<512x128xf32, #tpu.memory_space<vmem>>[vector<16xi32>, vector<16xi32>], vector<16xf32>,
      %parallel_loop3A_333 = arith.constant 31 : i32
      %parallel_loop3A_334 = arith.index_cast %parallel_loop3A_333 : i32 to index
      %parallel_loop3A_335 = arith.index_cast %parallel_loop3A_51 : i32 to index
      %parallel_loop3A_336 = tpu.vector_load %arg4[%parallel_loop3A_334, %parallel_loop3A_335] {strides = array<i32>} : memref<100x512xi32, #tpu.memory_space<vmem>>, vector<16xi32>,
      %parallel_loop3A_337 = arith.constant 81 : i32
      %parallel_loop3A_338 = arith.index_cast %parallel_loop3A_337 : i32 to index
      %parallel_loop3A_339 = arith.index_cast %parallel_loop3A_51 : i32 to index
      %parallel_loop3A_340 = tpu.vector_load %arg4[%parallel_loop3A_338, %parallel_loop3A_339] {strides = array<i32>} : memref<100x512xi32, #tpu.memory_space<vmem>>, vector<16xi32>,
      %parallel_loop3A_341 = vector.bitcast %parallel_loop3A_340 : vector<16xi32> to vector<16xf32>
      tpu.vector_store_idx %arg5[%parallel_loop3A_53, %parallel_loop3A_336], %parallel_loop3A_341 {add = true} : memref<512x128xf32, #tpu.memory_space<vmem>>[vector<16xi32>, vector<16xi32>], vector<16xf32>,
      %parallel_loop3A_342 = arith.constant 32 : i32
      %parallel_loop3A_343 = arith.index_cast %parallel_loop3A_342 : i32 to index
      %parallel_loop3A_344 = arith.index_cast %parallel_loop3A_51 : i32 to index
      %parallel_loop3A_345 = tpu.vector_load %arg4[%parallel_loop3A_343, %parallel_loop3A_344] {strides = array<i32>} : memref<100x512xi32, #tpu.memory_space<vmem>>, vector<16xi32>,
      %parallel_loop3A_346 = arith.constant 82 : i32
      %parallel_loop3A_347 = arith.index_cast %parallel_loop3A_346 : i32 to index
      %parallel_loop3A_348 = arith.index_cast %parallel_loop3A_51 : i32 to index
      %parallel_loop3A_349 = tpu.vector_load %arg4[%parallel_loop3A_347, %parallel_loop3A_348] {strides = array<i32>} : memref<100x512xi32, #tpu.memory_space<vmem>>, vector<16xi32>,
      %parallel_loop3A_350 = vector.bitcast %parallel_loop3A_349 : vector<16xi32> to vector<16xf32>
      tpu.vector_store_idx %arg5[%parallel_loop3A_53, %parallel_loop3A_345], %parallel_loop3A_350 {add = true} : memref<512x128xf32, #tpu.memory_space<vmem>>[vector<16xi32>, vector<16xi32>], vector<16xf32>,
      %parallel_loop3A_351 = arith.constant 33 : i32
      %parallel_loop3A_352 = arith.index_cast %parallel_loop3A_351 : i32 to index
      %parallel_loop3A_353 = arith.index_cast %parallel_loop3A_51 : i32 to index
      %parallel_loop3A_354 = tpu.vector_load %arg4[%parallel_loop3A_352, %parallel_loop3A_353] {strides = array<i32>} : memref<100x512xi32, #tpu.memory_space<vmem>>, vector<16xi32>,
      %parallel_loop3A_355 = arith.constant 83 : i32
      %parallel_loop3A_356 = arith.index_cast %parallel_loop3A_355 : i32 to index
      %parallel_loop3A_357 = arith.index_cast %parallel_loop3A_51 : i32 to index
      %parallel_loop3A_358 = tpu.vector_load %arg4[%parallel_loop3A_356, %parallel_loop3A_357] {strides = array<i32>} : memref<100x512xi32, #tpu.memory_space<vmem>>, vector<16xi32>,
      %parallel_loop3A_359 = vector.bitcast %parallel_loop3A_358 : vector<16xi32> to vector<16xf32>
      tpu.vector_store_idx %arg5[%parallel_loop3A_53, %parallel_loop3A_354], %parallel_loop3A_359 {add = true} : memref<512x128xf32, #tpu.memory_space<vmem>>[vector<16xi32>, vector<16xi32>], vector<16xf32>,
      %parallel_loop3A_360 = arith.constant 34 : i32
      %parallel_loop3A_361 = arith.index_cast %parallel_loop3A_360 : i32 to index
      %parallel_loop3A_362 = arith.index_cast %parallel_loop3A_51 : i32 to index
      %parallel_loop3A_363 = tpu.vector_load %arg4[%parallel_loop3A_361, %parallel_loop3A_362] {strides = array<i32>} : memref<100x512xi32, #tpu.memory_space<vmem>>, vector<16xi32>,
      %parallel_loop3A_364 = arith.constant 84 : i32
      %parallel_loop3A_365 = arith.index_cast %parallel_loop3A_364 : i32 to index
      %parallel_loop3A_366 = arith.index_cast %parallel_loop3A_51 : i32 to index
      %parallel_loop3A_367 = tpu.vector_load %arg4[%parallel_loop3A_365, %parallel_loop3A_366] {strides = array<i32>} : memref<100x512xi32, #tpu.memory_space<vmem>>, vector<16xi32>,
      %parallel_loop3A_368 = vector.bitcast %parallel_loop3A_367 : vector<16xi32> to vector<16xf32>
      tpu.vector_store_idx %arg5[%parallel_loop3A_53, %parallel_loop3A_363], %parallel_loop3A_368 {add = true} : memref<512x128xf32, #tpu.memory_space<vmem>>[vector<16xi32>, vector<16xi32>], vector<16xf32>,
      %parallel_loop3A_369 = arith.constant 35 : i32
      %parallel_loop3A_370 = arith.index_cast %parallel_loop3A_369 : i32 to index
      %parallel_loop3A_371 = arith.index_cast %parallel_loop3A_51 : i32 to index
      %parallel_loop3A_372 = tpu.vector_load %arg4[%parallel_loop3A_370, %parallel_loop3A_371] {strides = array<i32>} : memref<100x512xi32, #tpu.memory_space<vmem>>, vector<16xi32>,
      %parallel_loop3A_373 = arith.constant 85 : i32
      %parallel_loop3A_374 = arith.index_cast %parallel_loop3A_373 : i32 to index
      %parallel_loop3A_375 = arith.index_cast %parallel_loop3A_51 : i32 to index
      %parallel_loop3A_376 = tpu.vector_load %arg4[%parallel_loop3A_374, %parallel_loop3A_375] {strides = array<i32>} : memref<100x512xi32, #tpu.memory_space<vmem>>, vector<16xi32>,
      %parallel_loop3A_377 = vector.bitcast %parallel_loop3A_376 : vector<16xi32> to vector<16xf32>
      tpu.vector_store_idx %arg5[%parallel_loop3A_53, %parallel_loop3A_372], %parallel_loop3A_377 {add = true} : memref<512x128xf32, #tpu.memory_space<vmem>>[vector<16xi32>, vector<16xi32>], vector<16xf32>,
      %parallel_loop3A_378 = arith.constant 36 : i32
      %parallel_loop3A_379 = arith.index_cast %parallel_loop3A_378 : i32 to index
      %parallel_loop3A_380 = arith.index_cast %parallel_loop3A_51 : i32 to index
      %parallel_loop3A_381 = tpu.vector_load %arg4[%parallel_loop3A_379, %parallel_loop3A_380] {strides = array<i32>} : memref<100x512xi32, #tpu.memory_space<vmem>>, vector<16xi32>,
      %parallel_loop3A_382 = arith.constant 86 : i32
      %parallel_loop3A_383 = arith.index_cast %parallel_loop3A_382 : i32 to index
      %parallel_loop3A_384 = arith.index_cast %parallel_loop3A_51 : i32 to index
      %parallel_loop3A_385 = tpu.vector_load %arg4[%parallel_loop3A_383, %parallel_loop3A_384] {strides = array<i32>} : memref<100x512xi32, #tpu.memory_space<vmem>>, vector<16xi32>,
      %parallel_loop3A_386 = vector.bitcast %parallel_loop3A_385 : vector<16xi32> to vector<16xf32>
      tpu.vector_store_idx %arg5[%parallel_loop3A_53, %parallel_loop3A_381], %parallel_loop3A_386 {add = true} : memref<512x128xf32, #tpu.memory_space<vmem>>[vector<16xi32>, vector<16xi32>], vector<16xf32>,
      %parallel_loop3A_387 = arith.constant 37 : i32
      %parallel_loop3A_388 = arith.index_cast %parallel_loop3A_387 : i32 to index
      %parallel_loop3A_389 = arith.index_cast %parallel_loop3A_51 : i32 to index
      %parallel_loop3A_390 = tpu.vector_load %arg4[%parallel_loop3A_388, %parallel_loop3A_389] {strides = array<i32>} : memref<100x512xi32, #tpu.memory_space<vmem>>, vector<16xi32>,
      %parallel_loop3A_391 = arith.constant 87 : i32
      %parallel_loop3A_392 = arith.index_cast %parallel_loop3A_391 : i32 to index
      %parallel_loop3A_393 = arith.index_cast %parallel_loop3A_51 : i32 to index
      %parallel_loop3A_394 = tpu.vector_load %arg4[%parallel_loop3A_392, %parallel_loop3A_393] {strides = array<i32>} : memref<100x512xi32, #tpu.memory_space<vmem>>, vector<16xi32>,
      %parallel_loop3A_395 = vector.bitcast %parallel_loop3A_394 : vector<16xi32> to vector<16xf32>
      tpu.vector_store_idx %arg5[%parallel_loop3A_53, %parallel_loop3A_390], %parallel_loop3A_395 {add = true} : memref<512x128xf32, #tpu.memory_space<vmem>>[vector<16xi32>, vector<16xi32>], vector<16xf32>,
      %parallel_loop3A_396 = arith.constant 38 : i32
      %parallel_loop3A_397 = arith.index_cast %parallel_loop3A_396 : i32 to index
      %parallel_loop3A_398 = arith.index_cast %parallel_loop3A_51 : i32 to index
      %parallel_loop3A_399 = tpu.vector_load %arg4[%parallel_loop3A_397, %parallel_loop3A_398] {strides = array<i32>} : memref<100x512xi32, #tpu.memory_space<vmem>>, vector<16xi32>,
      %parallel_loop3A_400 = arith.constant 88 : i32
      %parallel_loop3A_401 = arith.index_cast %parallel_loop3A_400 : i32 to index
      %parallel_loop3A_402 = arith.index_cast %parallel_loop3A_51 : i32 to index
      %parallel_loop3A_403 = tpu.vector_load %arg4[%parallel_loop3A_401, %parallel_loop3A_402] {strides = array<i32>} : memref<100x512xi32, #tpu.memory_space<vmem>>, vector<16xi32>,
      %parallel_loop3A_404 = vector.bitcast %parallel_loop3A_403 : vector<16xi32> to vector<16xf32>
      tpu.vector_store_idx %arg5[%parallel_loop3A_53, %parallel_loop3A_399], %parallel_loop3A_404 {add = true} : memref<512x128xf32, #tpu.memory_space<vmem>>[vector<16xi32>, vector<16xi32>], vector<16xf32>,
      %parallel_loop3A_405 = arith.constant 39 : i32
      %parallel_loop3A_406 = arith.index_cast %parallel_loop3A_405 : i32 to index
      %parallel_loop3A_407 = arith.index_cast %parallel_loop3A_51 : i32 to index
      %parallel_loop3A_408 = tpu.vector_load %arg4[%parallel_loop3A_406, %parallel_loop3A_407] {strides = array<i32>} : memref<100x512xi32, #tpu.memory_space<vmem>>, vector<16xi32>,
      %parallel_loop3A_409 = arith.constant 89 : i32
      %parallel_loop3A_410 = arith.index_cast %parallel_loop3A_409 : i32 to index
      %parallel_loop3A_411 = arith.index_cast %parallel_loop3A_51 : i32 to index
      %parallel_loop3A_412 = tpu.vector_load %arg4[%parallel_loop3A_410, %parallel_loop3A_411] {strides = array<i32>} : memref<100x512xi32, #tpu.memory_space<vmem>>, vector<16xi32>,
      %parallel_loop3A_413 = vector.bitcast %parallel_loop3A_412 : vector<16xi32> to vector<16xf32>
      tpu.vector_store_idx %arg5[%parallel_loop3A_53, %parallel_loop3A_408], %parallel_loop3A_413 {add = true} : memref<512x128xf32, #tpu.memory_space<vmem>>[vector<16xi32>, vector<16xi32>], vector<16xf32>,
      %parallel_loop3A_414 = arith.constant 40 : i32
      %parallel_loop3A_415 = arith.index_cast %parallel_loop3A_414 : i32 to index
      %parallel_loop3A_416 = arith.index_cast %parallel_loop3A_51 : i32 to index
      %parallel_loop3A_417 = tpu.vector_load %arg4[%parallel_loop3A_415, %parallel_loop3A_416] {strides = array<i32>} : memref<100x512xi32, #tpu.memory_space<vmem>>, vector<16xi32>,
      %parallel_loop3A_418 = arith.constant 90 : i32
      %parallel_loop3A_419 = arith.index_cast %parallel_loop3A_418 : i32 to index
      %parallel_loop3A_420 = arith.index_cast %parallel_loop3A_51 : i32 to index
      %parallel_loop3A_421 = tpu.vector_load %arg4[%parallel_loop3A_419, %parallel_loop3A_420] {strides = array<i32>} : memref<100x512xi32, #tpu.memory_space<vmem>>, vector<16xi32>,
      %parallel_loop3A_422 = vector.bitcast %parallel_loop3A_421 : vector<16xi32> to vector<16xf32>
      tpu.vector_store_idx %arg5[%parallel_loop3A_53, %parallel_loop3A_417], %parallel_loop3A_422 {add = true} : memref<512x128xf32, #tpu.memory_space<vmem>>[vector<16xi32>, vector<16xi32>], vector<16xf32>,
      %parallel_loop3A_423 = arith.constant 41 : i32
      %parallel_loop3A_424 = arith.index_cast %parallel_loop3A_423 : i32 to index
      %parallel_loop3A_425 = arith.index_cast %parallel_loop3A_51 : i32 to index
      %parallel_loop3A_426 = tpu.vector_load %arg4[%parallel_loop3A_424, %parallel_loop3A_425] {strides = array<i32>} : memref<100x512xi32, #tpu.memory_space<vmem>>, vector<16xi32>,
      %parallel_loop3A_427 = arith.constant 91 : i32
      %parallel_loop3A_428 = arith.index_cast %parallel_loop3A_427 : i32 to index
      %parallel_loop3A_429 = arith.index_cast %parallel_loop3A_51 : i32 to index
      %parallel_loop3A_430 = tpu.vector_load %arg4[%parallel_loop3A_428, %parallel_loop3A_429] {strides = array<i32>} : memref<100x512xi32, #tpu.memory_space<vmem>>, vector<16xi32>,
      %parallel_loop3A_431 = vector.bitcast %parallel_loop3A_430 : vector<16xi32> to vector<16xf32>
      tpu.vector_store_idx %arg5[%parallel_loop3A_53, %parallel_loop3A_426], %parallel_loop3A_431 {add = true} : memref<512x128xf32, #tpu.memory_space<vmem>>[vector<16xi32>, vector<16xi32>], vector<16xf32>,
      %parallel_loop3A_432 = arith.constant 42 : i32
      %parallel_loop3A_433 = arith.index_cast %parallel_loop3A_432 : i32 to index
      %parallel_loop3A_434 = arith.index_cast %parallel_loop3A_51 : i32 to index
      %parallel_loop3A_435 = tpu.vector_load %arg4[%parallel_loop3A_433, %parallel_loop3A_434] {strides = array<i32>} : memref<100x512xi32, #tpu.memory_space<vmem>>, vector<16xi32>,
      %parallel_loop3A_436 = arith.constant 92 : i32
      %parallel_loop3A_437 = arith.index_cast %parallel_loop3A_436 : i32 to index
      %parallel_loop3A_438 = arith.index_cast %parallel_loop3A_51 : i32 to index
      %parallel_loop3A_439 = tpu.vector_load %arg4[%parallel_loop3A_437, %parallel_loop3A_438] {strides = array<i32>} : memref<100x512xi32, #tpu.memory_space<vmem>>, vector<16xi32>,
      %parallel_loop3A_440 = vector.bitcast %parallel_loop3A_439 : vector<16xi32> to vector<16xf32>
      tpu.vector_store_idx %arg5[%parallel_loop3A_53, %parallel_loop3A_435], %parallel_loop3A_440 {add = true} : memref<512x128xf32, #tpu.memory_space<vmem>>[vector<16xi32>, vector<16xi32>], vector<16xf32>,
      %parallel_loop3A_441 = arith.constant 43 : i32
      %parallel_loop3A_442 = arith.index_cast %parallel_loop3A_441 : i32 to index
      %parallel_loop3A_443 = arith.index_cast %parallel_loop3A_51 : i32 to index
      %parallel_loop3A_444 = tpu.vector_load %arg4[%parallel_loop3A_442, %parallel_loop3A_443] {strides = array<i32>} : memref<100x512xi32, #tpu.memory_space<vmem>>, vector<16xi32>,
      %parallel_loop3A_445 = arith.constant 93 : i32
      %parallel_loop3A_446 = arith.index_cast %parallel_loop3A_445 : i32 to index
      %parallel_loop3A_447 = arith.index_cast %parallel_loop3A_51 : i32 to index
      %parallel_loop3A_448 = tpu.vector_load %arg4[%parallel_loop3A_446, %parallel_loop3A_447] {strides = array<i32>} : memref<100x512xi32, #tpu.memory_space<vmem>>, vector<16xi32>,
      %parallel_loop3A_449 = vector.bitcast %parallel_loop3A_448 : vector<16xi32> to vector<16xf32>
      tpu.vector_store_idx %arg5[%parallel_loop3A_53, %parallel_loop3A_444], %parallel_loop3A_449 {add = true} : memref<512x128xf32, #tpu.memory_space<vmem>>[vector<16xi32>, vector<16xi32>], vector<16xf32>,
      %parallel_loop3A_450 = arith.constant 44 : i32
      %parallel_loop3A_451 = arith.index_cast %parallel_loop3A_450 : i32 to index
      %parallel_loop3A_452 = arith.index_cast %parallel_loop3A_51 : i32 to index
      %parallel_loop3A_453 = tpu.vector_load %arg4[%parallel_loop3A_451, %parallel_loop3A_452] {strides = array<i32>} : memref<100x512xi32, #tpu.memory_space<vmem>>, vector<16xi32>,
      %parallel_loop3A_454 = arith.constant 94 : i32
      %parallel_loop3A_455 = arith.index_cast %parallel_loop3A_454 : i32 to index
      %parallel_loop3A_456 = arith.index_cast %parallel_loop3A_51 : i32 to index
      %parallel_loop3A_457 = tpu.vector_load %arg4[%parallel_loop3A_455, %parallel_loop3A_456] {strides = array<i32>} : memref<100x512xi32, #tpu.memory_space<vmem>>, vector<16xi32>,
      %parallel_loop3A_458 = vector.bitcast %parallel_loop3A_457 : vector<16xi32> to vector<16xf32>
      tpu.vector_store_idx %arg5[%parallel_loop3A_53, %parallel_loop3A_453], %parallel_loop3A_458 {add = true} : memref<512x128xf32, #tpu.memory_space<vmem>>[vector<16xi32>, vector<16xi32>], vector<16xf32>,
      %parallel_loop3A_459 = arith.constant 45 : i32
      %parallel_loop3A_460 = arith.index_cast %parallel_loop3A_459 : i32 to index
      %parallel_loop3A_461 = arith.index_cast %parallel_loop3A_51 : i32 to index
      %parallel_loop3A_462 = tpu.vector_load %arg4[%parallel_loop3A_460, %parallel_loop3A_461] {strides = array<i32>} : memref<100x512xi32, #tpu.memory_space<vmem>>, vector<16xi32>,
      %parallel_loop3A_463 = arith.constant 95 : i32
      %parallel_loop3A_464 = arith.index_cast %parallel_loop3A_463 : i32 to index
      %parallel_loop3A_465 = arith.index_cast %parallel_loop3A_51 : i32 to index
      %parallel_loop3A_466 = tpu.vector_load %arg4[%parallel_loop3A_464, %parallel_loop3A_465] {strides = array<i32>} : memref<100x512xi32, #tpu.memory_space<vmem>>, vector<16xi32>,
      %parallel_loop3A_467 = vector.bitcast %parallel_loop3A_466 : vector<16xi32> to vector<16xf32>
      tpu.vector_store_idx %arg5[%parallel_loop3A_53, %parallel_loop3A_462], %parallel_loop3A_467 {add = true} : memref<512x128xf32, #tpu.memory_space<vmem>>[vector<16xi32>, vector<16xi32>], vector<16xf32>,
      %parallel_loop3A_468 = arith.constant 46 : i32
      %parallel_loop3A_469 = arith.index_cast %parallel_loop3A_468 : i32 to index
      %parallel_loop3A_470 = arith.index_cast %parallel_loop3A_51 : i32 to index
      %parallel_loop3A_471 = tpu.vector_load %arg4[%parallel_loop3A_469, %parallel_loop3A_470] {strides = array<i32>} : memref<100x512xi32, #tpu.memory_space<vmem>>, vector<16xi32>,
      %parallel_loop3A_472 = arith.constant 96 : i32
      %parallel_loop3A_473 = arith.index_cast %parallel_loop3A_472 : i32 to index
      %parallel_loop3A_474 = arith.index_cast %parallel_loop3A_51 : i32 to index
      %parallel_loop3A_475 = tpu.vector_load %arg4[%parallel_loop3A_473, %parallel_loop3A_474] {strides = array<i32>} : memref<100x512xi32, #tpu.memory_space<vmem>>, vector<16xi32>,
      %parallel_loop3A_476 = vector.bitcast %parallel_loop3A_475 : vector<16xi32> to vector<16xf32>
      tpu.vector_store_idx %arg5[%parallel_loop3A_53, %parallel_loop3A_471], %parallel_loop3A_476 {add = true} : memref<512x128xf32, #tpu.memory_space<vmem>>[vector<16xi32>, vector<16xi32>], vector<16xf32>,
      %parallel_loop3A_477 = arith.constant 47 : i32
      %parallel_loop3A_478 = arith.index_cast %parallel_loop3A_477 : i32 to index
      %parallel_loop3A_479 = arith.index_cast %parallel_loop3A_51 : i32 to index
      %parallel_loop3A_480 = tpu.vector_load %arg4[%parallel_loop3A_478, %parallel_loop3A_479] {strides = array<i32>} : memref<100x512xi32, #tpu.memory_space<vmem>>, vector<16xi32>,
      %parallel_loop3A_481 = arith.constant 97 : i32
      %parallel_loop3A_482 = arith.index_cast %parallel_loop3A_481 : i32 to index
      %parallel_loop3A_483 = arith.index_cast %parallel_loop3A_51 : i32 to index
      %parallel_loop3A_484 = tpu.vector_load %arg4[%parallel_loop3A_482, %parallel_loop3A_483] {strides = array<i32>} : memref<100x512xi32, #tpu.memory_space<vmem>>, vector<16xi32>,
      %parallel_loop3A_485 = vector.bitcast %parallel_loop3A_484 : vector<16xi32> to vector<16xf32>
      tpu.vector_store_idx %arg5[%parallel_loop3A_53, %parallel_loop3A_480], %parallel_loop3A_485 {add = true} : memref<512x128xf32, #tpu.memory_space<vmem>>[vector<16xi32>, vector<16xi32>], vector<16xf32>,
      %parallel_loop3A_486 = arith.constant 48 : i32
      %parallel_loop3A_487 = arith.index_cast %parallel_loop3A_486 : i32 to index
      %parallel_loop3A_488 = arith.index_cast %parallel_loop3A_51 : i32 to index
      %parallel_loop3A_489 = tpu.vector_load %arg4[%parallel_loop3A_487, %parallel_loop3A_488] {strides = array<i32>} : memref<100x512xi32, #tpu.memory_space<vmem>>, vector<16xi32>,
      %parallel_loop3A_490 = arith.constant 98 : i32
      %parallel_loop3A_491 = arith.index_cast %parallel_loop3A_490 : i32 to index
      %parallel_loop3A_492 = arith.index_cast %parallel_loop3A_51 : i32 to index
      %parallel_loop3A_493 = tpu.vector_load %arg4[%parallel_loop3A_491, %parallel_loop3A_492] {strides = array<i32>} : memref<100x512xi32, #tpu.memory_space<vmem>>, vector<16xi32>,
      %parallel_loop3A_494 = vector.bitcast %parallel_loop3A_493 : vector<16xi32> to vector<16xf32>
      tpu.vector_store_idx %arg5[%parallel_loop3A_53, %parallel_loop3A_489], %parallel_loop3A_494 {add = true} : memref<512x128xf32, #tpu.memory_space<vmem>>[vector<16xi32>, vector<16xi32>], vector<16xf32>,
      %parallel_loop3A_495 = arith.constant 49 : i32
      %parallel_loop3A_496 = arith.index_cast %parallel_loop3A_495 : i32 to index
      %parallel_loop3A_497 = arith.index_cast %parallel_loop3A_51 : i32 to index
      %parallel_loop3A_498 = tpu.vector_load %arg4[%parallel_loop3A_496, %parallel_loop3A_497] {strides = array<i32>} : memref<100x512xi32, #tpu.memory_space<vmem>>, vector<16xi32>,
      %parallel_loop3A_499 = arith.constant 99 : i32
      %parallel_loop3A_500 = arith.index_cast %parallel_loop3A_499 : i32 to index
      %parallel_loop3A_501 = arith.index_cast %parallel_loop3A_51 : i32 to index
      %parallel_loop3A_502 = tpu.vector_load %arg4[%parallel_loop3A_500, %parallel_loop3A_501] {strides = array<i32>} : memref<100x512xi32, #tpu.memory_space<vmem>>, vector<16xi32>,
      %parallel_loop3A_503 = vector.bitcast %parallel_loop3A_502 : vector<16xi32> to vector<16xf32>
      tpu.vector_store_idx %arg5[%parallel_loop3A_53, %parallel_loop3A_498], %parallel_loop3A_503 {add = true} : memref<512x128xf32, #tpu.memory_space<vmem>>[vector<16xi32>, vector<16xi32>], vector<16xf32>,
    } {sc.loop_unroll_factor = 2 : i64, sc.parallel_access}
    "tpu.region"() ({
      %run_scoped3A = tpu.sem_alloc : memref<!tpu.dma_semaphore, #tpu.memory_space<semaphore_mem>>
      %dma_start3A_49 = arith.constant 0 : i32
      %dma_start3A_50 = tpu.memref_slice %arg3[%mul3A_2, %dma_start3A_49] : memref<16384x128xf32, #tpu.memory_space<hbm>> -> memref<512x128xf32, #tpu.memory_space<hbm>>
      %dma_start3A_51 = arith.constant 0 : i32
      %dma_start3A_52 = tpu.memref_slice %arg3[%mul3A_2, %dma_start3A_51] : memref<16384x128xf32, #tpu.memory_space<hbm>> -> memref<512x128xf32, #tpu.memory_space<hbm>>
      tpu.enqueue_dma source(%arg5 : memref<512x128xf32, #tpu.memory_space<vmem>>) target(%dma_start3A_52 : memref<512x128xf32, #tpu.memory_space<hbm>>) target_semaphore(%run_scoped3A : memref<!tpu.dma_semaphore, #tpu.memory_space<semaphore_mem>>)
      %dma_wait3A_53 = arith.constant 0 : i32
      %dma_wait3A_54 = tpu.memref_slice %arg3[%mul3A_2, %dma_wait3A_53] : memref<16384x128xf32, #tpu.memory_space<hbm>> -> memref<512x128xf32, #tpu.memory_space<hbm>>
      %dma_wait3A_55 = arith.constant 0 : i32
      %dma_wait3A_56 = tpu.memref_slice %arg3[%mul3A_2, %dma_wait3A_55] : memref<16384x128xf32, #tpu.memory_space<hbm>> -> memref<512x128xf32, #tpu.memory_space<hbm>>
      tpu.wait_dma2 semaphore(%run_scoped3A : memref<!tpu.dma_semaphore, #tpu.memory_space<semaphore_mem>>) src(%arg5 : memref<512x128xf32, #tpu.memory_space<vmem>>) dst(%dma_wait3A_56 : memref<512x128xf32, #tpu.memory_space<hbm>>)
      tpu.yield
    }) : () -> ()
    return
  }
}

module attributes {stable_mosaic.version = 14 : i64} {
  func.func @_mm_body(%arg0: i32, %arg1: memref<4096x128xf32, #tpu.memory_space<vmem>>, %arg2: memref<53x128xf32, #tpu.memory_space<vmem>>, %arg3: memref<4096x128xf32, #tpu.memory_space<vmem>>) attributes {dimension_semantics = [#tpu.dimension_semantics<arbitrary>], iteration_bounds = array<i64: 4>, scalar_prefetch = 0 : i64, scratch_operands = 0 : i64, tpu.core_type = #tpu.core_type<tc>, window_params = [{transform_indices = @transform_0, window_bounds = array<i64: 4096, 128>}, {pipeline_mode = #tpu.pipeline_mode<synchronous>, transform_indices = @transform_1, window_bounds = array<i64: 53, 128>}, {transform_indices = @transform_2, window_bounds = array<i64: 4096, 128>}]} {
    %get3A = arith.constant 0 : index
    %get3A_0 = arith.constant 0 : index
    %get3A_1 = vector.load %arg2[%get3A, %get3A_0] : memref<53x128xf32, #tpu.memory_space<vmem>>, vector<53x128xf32>
    %jit3A = arith.constant 0 : i32
    %convert_element_type3A = arith.sitofp %jit3A : i32 to f32
    %pad3A = vector.broadcast %convert_element_type3A : f32 to vector<75x128xf32>
    %pad3A_2 = tpu.concatenate %get3A_1, %pad3A in 0 : vector<53x128xf32>, vector<75x128xf32> -> vector<128x128xf32>
    %get3A_3 = arith.constant 0 : index
    %get3A_4 = arith.constant 0 : index
    %get3A_5 = vector.load %arg1[%get3A_3, %get3A_4] : memref<4096x128xf32, #tpu.memory_space<vmem>>, vector<4096x128xf32>
    %dot_general3A = arith.constant dense<0.000000e+00> : vector<4096x128xf32>
    %dot_general3A_6 = tpu.matmul %get3A_5, %pad3A_2, %dot_general3A {dimension_numbers = #tpu.dot_dimension_numbers<[1], [0], [0], [1], [0, 0, 1, 1], [], []>, transpose_lhs_hint = false} : vector<4096x128xf32>, vector<128x128xf32>, vector<4096x128xf32> -> vector<4096x128xf32>
    %swap3A = arith.constant 0 : index
    %swap3A_7 = arith.constant 0 : index
    %swap3A_8 = vector.load %arg3[%swap3A, %swap3A_7] : memref<4096x128xf32, #tpu.memory_space<vmem>>, vector<4096x128xf32>
    tpu.vector_store %arg3[%swap3A, %swap3A_7], %dot_general3A_6 {strides = array<i32>} : memref<4096x128xf32, #tpu.memory_space<vmem>>, vector<4096x128xf32>,
    return
  }
  func.func @transform_0(%arg0: i32) -> (i32, i32) {
    %c0_i32 = arith.constant 0 : i32
    %c0_i32_0 = arith.constant 0 : i32
    return %arg0, %c0_i32 : i32, i32
  }
  func.func @transform_1(%arg0: i32) -> (i32, i32) {
    %c0_i32 = arith.constant 0 : i32
    %c0_i32_0 = arith.constant 0 : i32
    %c0_i32_1 = arith.constant 0 : i32
    return %c0_i32, %c0_i32_0 : i32, i32
  }
  func.func @transform_2(%arg0: i32) -> (i32, i32) {
    %c0_i32 = arith.constant 0 : i32
    %c0_i32_0 = arith.constant 0 : i32
    return %arg0, %c0_i32 : i32, i32
  }
}

</mosaic_0001>

<sc_bundles>
// kernel: kernel.4.cloned.1.call-start
scs
__scs_entry_jumppad:
0x0: {  	(pc) =	sbr.rel $0x88, $3  }
0x1: {  	(tag) =	ssettag $0x0;
	lr =	simm.s32 $0x1  }
0x2: {  	[smem:$0x3F9E] =	sst lr;
	_ =	strace $0xD0000000  }
0x3: {  	_ = 	snop  }
0x4: {  	_ = 	snop  }
0x5: {  	_ = 	snop  }
0x6: {  	_ = 	snop  }
0x7: {  	_ = 	snop  }
__scs_overlays_trampoline_lowered:
0x8: {  	[smem:$0x3FAD] =	sst s0  }
0x9: {  	[smem:$0x3FAE] =	sst s1  }
0xa: {  	[smem:$0x3FAF] =	sst s2  }
0xb: {  	[smem:$0x3FB0] =	sst s3  }
0xc: {  	[smem:$0x3FB1] =	sst s4  }
0xd: {  	[smem:$0x3FB2] =	sst s5  }
0xe: {  	[smem:$0x3FB3] =	sst s6  }
0xf: {  	[smem:$0x3FB4] =	sst s7  }
0x10: {  	[smem:$0x3FB5] =	sst s8  }
0x11: {  	[smem:$0x3FB6] =	sst s9;
	s0 =	simm.s32 @!p0 $0x0  }
0x12: {  	s1 =	sld [smem:$0x3F9C];
	s0 =	simm.s32 @p0 $0x1  }
0x13: {  	[smem:$0x3FB7] =	sst s0;
	s0 =	simm.s32 @!p1 $0x0  }
0x14: {  	s2 =	sld [smem:$0x3F9B];
	s0 =	simm.s32 @p1 $0x1  }
0x15: {  	[smem:$0x3FB8] =	sst s0;
	s0 =	simm.s32 @!p2 $0x0  }
0x16: {  	s3 =	sld [smem:$0x3FDB];
	s0 =	simm.s32 @p2 $0x1  }
0x17: {  	s4 =	simm.s32 $0x1BF5;
	[smem:$0x3FBA] =	sst s0  }
0x18: {  	s0 =	sld [smem:$0x3F9D];
	_ =	swait.ge [sflag:s4], $0x0  }
0x19: {  	s7 =	sld [smem:$0x3F9E]  }
0x1a: {  	s8 =	sadd.s32 $0xFFFFE003, lr  }
0x1b: {  	s9 =	sadd.s32 $0xFFFFFEF7, lr;
	s5 =	simm.s32 $0xFFFFFFFF;
	p2 =	slt.u32 s8, $0xFFFFF086  }
0x1c: {  	p1 =	slt.u32 s9, $0xF7A;
	s5 =	simm.s32 @!p2 $0x0  }
0x1d: {  	s5 =	simm.s32 @p1 $0x1;
	p0 =	seq.s32 s7, s2  }
0x1e: {  	s7 =	smul.u32 @!p0 $0xF7A, s2;
	p2 =	seq.s32 @!p0 s5, $0x0  }
0x1f: {  	s9 =	smul.u32 $0xF7A, s1;
	s8 =	simm.s32 @!p0 $0x1BF5;
	p2 =	por !p2, p0  }
0x20: {  	[sflag:s8] =	ssyncset.s32 @!p0 $0xFFFFF086;
	s6 =	sadd.s32 @!p0 s3, s7;
	s7 =	simm.s32 @!p0 $0x108  }
0x21: {  	s3 =	sadd.s32 s3, s9;
	s6 =	sadd.s32 @!p0 $0x88, s6;
	s7 =	simm.s32 @p2 $0x1082  }
0x22: {  	[simem:s7], [sflag:s8] =	dma.local @!p0 [hbm:s6], $0xF7A  }
0x23: {  	s9 =	sor.u32 $0xD0000000, s2;
	s6 =	simm.s32 $0x108;
	_ =	swait.ge @!p0 [sflag:s8], $0x0  }
0x24: {  	s3 =	sadd.s32 $0x88, s3;
	s6 =	simm.s32 @!p1 $0x1082;
	[sflag:s4] =	ssyncset.s32 $0xFFFFF086  }
0x25: {  	[simem:s6], [sflag:s4] =	dma.local [hbm:s3], $0xF7A  }
0x26: {  	[smem:$0x3F9E] =	sst s1;
	(tag) =	ssettag s2;
	_ =	strace s9  }
0x27: {  	s1 =	sld [smem:$0x3FAE]  }
0x28: {  	s2 =	sld [smem:$0x3FAF]  }
0x29: {  	s4 =	sld [smem:$0x3FB1]  }
0x2a: {  	p0 =	seq.s32 s5, $0x0;
	s5 =	sld [smem:$0x3FB2]  }
0x2b: {  	s6 =	sld [smem:$0x3FB3]  }
0x2c: {  	s7 =	sld [smem:$0x3FB4]  }
0x2d: {  	s3 =	simm.s32 $0x108;
	s8 =	sld [smem:$0x3FB5]  }
0x2e: {  	s3 =	simm.s32 @!p0 $0x1082;
	s9 =	sld [smem:$0x3FB6]  }
0x2f: {  	lr =	sadd.s32 s0, s3;
	s0 =	sld [smem:$0x3FAD]  }
0x30: {  	s3 =	sld [smem:$0x3FB0]  }
0x31: {  	[smem:$0x3FB9] =	sst s10  }
0x32: {  	s10 =	sld [smem:$0x3FB7];
	_ =	sdelay $0x3  }
0x33: {  	p0 =	seq.s32 s10, $0x1;
	s10 =	sld [smem:$0x3FB9];
	_ =	sdelay $0x3  }
0x34: {  	[smem:$0x3FB9] =	sst s10  }
0x35: {  	s10 =	sld [smem:$0x3FB8];
	_ =	sdelay $0x3  }
0x36: {  	p1 =	seq.s32 s10, $0x1;
	s10 =	sld [smem:$0x3FB9];
	_ =	sdelay $0x3  }
0x37: {  	[smem:$0x3FB9] =	sst s10  }
0x38: {  	s10 =	sld [smem:$0x3FBA]  }
0x39: {  	_ = 	snop;
	(pc) =	sbr.ind lr, $3  }
0x3a: {  	_ = 	snop  }
0x3b: {  	_ = 	snop  }
0x3c: {  	p2 =	seq.s32 s10, $0x1;
	s10 =	sld [smem:$0x3FB9]  }
0x3d: {  	_ =	shalt  }
0x3e: {  	_ =	shalt  }
0x3f: {  	_ =	shalt  }
0x40: {  	_ =	shalt  }
0x41: {  	_ =	shalt  }
0x42: {  	_ =	shalt  }
0x43: {  	_ =	shalt  }
0x44: {  	_ =	shalt  }
0x45: {  	_ =	shalt  }
0x46: {  	_ =	shalt  }
0x47: {  	_ =	shalt  }
0x48: {  	_ =	shalt  }
0x49: {  	_ =	shalt  }
0x4a: {  	_ =	shalt  }
0x4b: {  	_ =	shalt  }
0x4c: {  	_ =	shalt  }
0x4d: {  	_ =	shalt  }
0x4e: {  	_ =	shalt  }
0x4f: {  	_ =	shalt  }
0x50: {  	_ =	shalt  }
0x51: {  	_ =	shalt  }
0x52: {  	_ =	shalt  }
0x53: {  	_ =	shalt  }
0x54: {  	_ =	shalt  }
0x55: {  	_ =	shalt  }
0x56: {  	_ =	shalt  }
0x57: {  	_ =	shalt  }
0x58: {  	_ =	shalt  }
0x59: {  	_ =	shalt  }
0x5a: {  	_ =	shalt  }
0x5b: {  	_ =	shalt  }
0x5c: {  	_ =	shalt  }
0x5d: {  	_ =	shalt  }
0x5e: {  	_ =	shalt  }
0x5f: {  	_ =	shalt  }
0x60: {  	_ =	shalt  }
0x61: {  	_ =	shalt  }
0x62: {  	_ =	shalt  }
0x63: {  	_ =	shalt  }
0x64: {  	_ =	shalt  }
0x65: {  	_ =	shalt  }
0x66: {  	_ =	shalt  }
0x67: {  	_ =	shalt  }
0x68: {  	_ =	shalt  }
0x69: {  	_ =	shalt  }
0x6a: {  	_ =	shalt  }
0x6b: {  	_ =	shalt  }
0x6c: {  	_ =	shalt  }
0x6d: {  	_ =	shalt  }
0x6e: {  	_ =	shalt  }
0x6f: {  	_ =	shalt  }
0x70: {  	_ =	shalt  }
0x71: {  	_ =	shalt  }
0x72: {  	_ =	shalt  }
0x73: {  	_ =	shalt  }
0x74: {  	_ =	shalt  }
0x75: {  	_ =	shalt  }
0x76: {  	_ =	shalt  }
0x77: {  	_ =	shalt  }
0x78: {  	_ =	shalt  }
0x79: {  	_ =	shalt  }
0x7a: {  	_ =	shalt  }
0x7b: {  	_ =	shalt  }
0x7c: {  	_ =	shalt  }
0x7d: {  	_ =	shalt  }
0x7e: {  	_ =	shalt  }
0x7f: {  	_ =	shalt  }
0x80: {  	_ =	shalt  }
0x81: {  	_ =	shalt  }
0x82: {  	_ =	shalt  }
0x83: {  	_ =	shalt  }
0x84: {  	_ =	shalt  }
0x85: {  	_ =	shalt  }
0x86: {  	_ =	shalt  }
0x87: {  	_ =	shalt  }
.Lfunc_end0:
.L_simem_size_0:
called_computation_lowered:
.L_overlay_start_0:
0x88: {  	s2 =	sld [smem:$0x3FD9]  }
0x89: {  	s3 =	sld [smem:$0x3FFE];
	_ =	sdelay $0x1  }
0x8a: {  	s1 =	srdreg.scid  }
0x8b: {  	s0 =	sand.u32 $0x1, s1  }
0x8c: {  	s17 =	sshll.u32 s0, $0xA;
	s2 =	sadd.s32 s3, s2  }
0x8d: {  	s2 =	sadd.s32 s2, s17  }
0x8e: {  	[smem:$0x3FC5] =	sst s2  }
0x8f: {  	_ = 	snop  }
0x90: {  	s2 =	sld [smem:$0x3FD0];
	(tm) =	ssettm $0x1  }
0x91: {  	s18 =	sld [smem:$0x3FFB];
	_ =	sdelay $0x3  }
0x92: {  	_ =	strace s18  }
0x93: {  	s3 =	sld [smem:$0x3FFC];
	_ =	sdelay $0x3  }
0x94: {  	_ =	strace s3  }
0x95: {  	s3 =	sld [smem:$0x3FFD];
	_ =	sdelay $0x3  }
0x96: {  	_ =	strace s3  }
0x97: {  	_ =	strace $0x8FFFFFFF  }
0x98: {  	s19 =	sld [smem:$0x3FDB];
	_ =	sdelay $0x1  }
0x99: {  	s4 =	simm.s32 $_scs_section_size  }
0x9a: {  	s5 =	simm.s32 $_size__tile_overlayer_lowered;
	s6 =	simm.s32 $_tile_overlayer_lowered  }
0x9b: {  	s22 =	simm.s32 $0x1BFF;
	s21 =	sshll.u32 s6, $0x1;
	s3 =	sadd.s32 s4, s19  }
0x9c: {  	s7 =	simm.s32 $0x0;
	s20 =	sshll.u32 s5, $0x1;
	s5 =	sadd.s32 s21, s3  }
0x9d: {  	[timem:s7], [sflag:s22] =	dma.local [hbm:s5], s20  }
0x9e: {  	_ =	swait.ge [sflag:s22], s20  }
0x9f: {  	s4 =	ssub.s32 $0x0, s20;
	[sflag:s22] =	ssyncset.done $0x0  }
0xa0: {  	[sflag:s22] =	ssyncadd.s32 s4;
	_ =	sdelay $0x1  }
0xa1: {  	s23 =	simm.s32 $0x1B8B  }
0xa2: {  	_ =	swait.ge [sflag:s23], $0x1  }
0xa3: {  	[sflag:s23] =	ssyncset.done $0x0  }
0xa4: {  	s25 =	simm.s32 $0x1B8E;
	s24 =	sld [smem:$0x3FFE];
	[sflag:s23] =	ssyncadd.s32 $0xFFFFFFFF  }
0xa5: {  	s26 =	simm.s32 $execute0_lowered;
	[smem:$0x3FD2] =	sst s25  }
0xa6: {  	s5 =	sshll.u32 s26, $0x1;
	_ =	strace $0x80000046;
	[dreg:$0x1] =	wrdreg $0xFFFFFFFF  }
0xa7: {  	s28 =	simm.s32 $_size_execute0_lowered;
	s3 =	sadd.s32 s3, s5;
	[dreg:$0x0] =	wrdreg $0x0  }
0xa8: {  	s5 =	sshll.u32 s28, $0x1;
	[dreg:$0x2] =	wrdreg s3  }
0xa9: {  	[dreg:$0x3] =	wrdreg s5  }
0xaa: {  	[dreg:$0x4] =	wrdreg $0xC0  }
0xab: {  	_ =	task [dreg:s7], $0x5FFFF  }
0xac: {  	[dreg:$0x1] =	wrdreg $0xFFFFFFFF  }
0xad: {  	[dreg:$0x0] =	wrdreg $0x60  }
0xae: {  	[dreg:$0x2] =	wrdreg s24  }
0xaf: {  	[dreg:$0x3] =	wrdreg s2  }
0xb0: {  	[dreg:$0x4] =	wrdreg $0x9  }
0xb1: {  	_ =	task.clear_ibuf [dreg:s7], $0x5FFFF;
	_ =	strace $0x90000046  }
0xb2: {  	s29 =	simm.s32 $0x9;
	_ =	strace $0x80000048  }
0xb3: {  	_ =	swait.ge [sflag:s29], $0x1  }
0xb4: {  	[sflag:s29] =	ssyncadd.s32 $0xFFFFFFFF  }
0xb5: {  	_ =	strace $0x90000048  }
0xb6: {  	_ =	sfence  }
0xb7: {  	s30 =	sld [smem:$0x0];
	_ =	sdelay $0x2  }
0xb8: {  	s31 =	sshll.u32 s1, $0xD;
	s1 =	sshrl.u32 s1, $0x2  }
0xb9: {  	s3 =	sand.u32 $0x4000, s31;
	s1 =	sadd.s32 s1, s30  }
0xba: {  	s0 =	sor.u32 s3, s0;
	s1 =	sshll.u32 s1, $0x11  }
0xbb: {  	s0 =	sor.u32 s1, s0  }
0xbc: {  	s0 =	sadd.s32 $0x8F2B, s0  }
0xbd: {  	[sflag:s0] =	ssyncadd.remote.s32 $0x1  }
0xbe: {  	_ =	sfence.sel $0xFFFF  }
0xbf: {  	[dreg:$0x0] =	wrdreg $0xFFFFFFFF;
	(pc) =	sbr.abs _section_cstart, $3  }
0xc0: {  	[dreg:$0x1] =	wrdreg $0xFFFFFFFF  }
0xc1: {  	_ =	task.clear_ibuf [dreg:s7], $0x2FFFF;
	_ =	strace $0x9FFFFFFF  }
0xc2: {  	(tm) =	ssettm $0x7FFFFFFF  }
0xc3: {  	_ =	shalt  }
tec
execute0_lowered:
.L_overlay_start_1:
0x0: {  	(tag) =	ssettag $0x1  }
0x1: {  	s2 =	srdreg.scid  }
0x2: {  	s3 =	stileid.u32;
	s2 =	sand.u32 $0x1, s2  }
0x3: {  	s0 =	rddreg [dreg:$0x0];
	s3 =	sshll.u32 s3, $0xA;
	s4 =	sshll.u32 s2, $0x9  }
0x4: {  	s1 =	rddreg [dreg:$0x1];
	s5 =	simm.s32 $0x0;
	s3 =	sor.u32 s4, s3  }
0x5: {  	[smem:$0x7FF] =	sst s5;
	s2 =	ssub.s32 $0x2, s2;
	s0 =	sadd.s32 s3, s0  }
0x6: {  	_ =	strace $0x80000047;
	s30 =	sshrl.u32 s2, $0x1;
	s31 =	sadd.s32 $0xA00, s0  }
0x7: {  	s3 =	sshll.u32 s3, $0x4;
	s6 =	sadd.s32 $0xB00, s0;
	[dreg:$0x9] =	wrdreg s31  }
0x8: {  	s2 =	ssub.s32 s2, s30;
	s1 =	sadd.s32 s1, s3;
	[dreg:$0xa] =	wrdreg s6  }
0x9: {  	s7 =	smax.u32 s2, $0x1;
	[dreg:$0xb] =	wrdreg s1  }
0xa: {  	s8 =	sadd.s32 $0x4A00, s0;
	[dreg:$0xc] =	wrdreg s7  }
0xb: {  	s9 =	sadd.s32 $0x8A00, s0;
	[dreg:$0xd] =	wrdreg s8  }
0xc: {  	s10 =	sadd.s32 $0xCA00, s0;
	[dreg:$0xe] =	wrdreg s9  }
0xd: {  	s11 =	sadd.s32 $0x10A00, s0;
	[dreg:$0xf] =	wrdreg s10  }
0xe: {  	s12 =	sadd.s32 $0x14A00, s0;
	[dreg:$0x10] =	wrdreg s11  }
0xf: {  	s13 =	sadd.s32 $0x18A00, s0;
	[dreg:$0x11] =	wrdreg s12  }
0x10: {  	s14 =	sadd.s32 $0x1CA00, s0;
	[dreg:$0x12] =	wrdreg s13  }
0x11: {  	s15 =	sadd.s32 $0x20A00, s0;
	[dreg:$0x13] =	wrdreg s14  }
0x12: {  	s16 =	sadd.s32 $0x24A00, s0;
	[dreg:$0x14] =	wrdreg s15  }
0x13: {  	s17 =	sadd.s32 $0x28A00, s0;
	[dreg:$0x15] =	wrdreg s16  }
0x14: {  	s18 =	sadd.s32 $0x2CA00, s0;
	[dreg:$0x16] =	wrdreg s17  }
0x15: {  	s19 =	sadd.s32 $0x30A00, s0;
	[dreg:$0x17] =	wrdreg s18  }
0x16: {  	s20 =	sadd.s32 $0x4B00, s0;
	[dreg:$0x18] =	wrdreg s19  }
0x17: {  	s21 =	sadd.s32 $0x8B00, s0;
	[dreg:$0x19] =	wrdreg s20  }
0x18: {  	s22 =	sadd.s32 $0xCB00, s0;
	[dreg:$0x1a] =	wrdreg s21  }
0x19: {  	s23 =	sadd.s32 $0x10B00, s0;
	[dreg:$0x1b] =	wrdreg s22  }
0x1a: {  	s24 =	sadd.s32 $0x14B00, s0;
	[dreg:$0x1c] =	wrdreg s23  }
0x1b: {  	s25 =	sadd.s32 $0x18B00, s0;
	[dreg:$0x1d] =	wrdreg s24  }
0x1c: {  	s26 =	sadd.s32 $0x1CB00, s0;
	[dreg:$0x1e] =	wrdreg s25  }
0x1d: {  	s28 =	sadd.s32 $0x20B00, s0;
	[dreg:$0x1f] =	wrdreg s26  }
0x1e: {  	s29 =	sadd.s32 $0x24B00, s0;
	[smem:$0x7F9] =	sst s28  }
0x1f: {  	s30 =	sadd.s32 $0x28B00, s0;
	[smem:$0x7FA] =	sst s29  }
0x20: {  	[smem:$0x7FB] =	sst s30;
	s31 =	sadd.s32 $0x2CB00, s0  }
0x21: {  	v1 =	vlaneseq.u32;
	s0 =	sadd.s32 $0x30B00, s0;
	[smem:$0x7FC] =	sst s31  }
0x22: {  	v0 =	vimm.f32 $0.0e+00;
	v1 =	vmul.u32 $0x80, v1;
	s3 =	simm.s32 $0xD000;
	s2 =	simm.s32 $0x0;
	[smem:$0x7FD] =	sst s0  }
.LBB2_1:
0x23: {  	[smem:$0x7F8] =	sst s2  }
0x24: {  	s0 =	rddreg [dreg:$0x9]  }
0x25: {  	s10 =	rddreg [dreg:$0xd]  }
0x26: {  	[tilespmem:s5], [sflag:$0x1] =	stream.linear.gather [hbm4b:s0+s5], $0x800, $0x38;
	[tilespmem:$0x1D000] =	vst v63  }
0x27: {  	s1 =	simm.s32 $0x1000;
	s11 =	rddreg [dreg:$0xe]  }
0x28: {  	[tilespmem:s1], [sflag:$0x1] =	stream.linear.gather [hbm4b:s10+s5], $0x800, $0x38;
	[tilespmem:$0x1D000] =	vst v63  }
0x29: {  	s12 =	simm.s32 $0x2000;
	s13 =	rddreg [dreg:$0xf]  }
0x2a: {  	[tilespmem:s12], [sflag:$0x1] =	stream.linear.gather [hbm4b:s11+s5], $0x800, $0x38;
	[tilespmem:$0x1D000] =	vst v63  }
0x2b: {  	s14 =	simm.s32 $0x3000;
	s15 =	rddreg [dreg:$0x10]  }
0x2c: {  	[tilespmem:s14], [sflag:$0x1] =	stream.linear.gather [hbm4b:s13+s5], $0x800, $0x38;
	[tilespmem:$0x1D000] =	vst v63  }
0x2d: {  	s16 =	simm.s32 $0x4000;
	s17 =	rddreg [dreg:$0x11]  }
0x2e: {  	[tilespmem:s16], [sflag:$0x1] =	stream.linear.gather [hbm4b:s15+s5], $0x800, $0x38;
	[tilespmem:$0x1D000] =	vst v63  }
0x2f: {  	s18 =	simm.s32 $0x5000;
	s19 =	rddreg [dreg:$0x12]  }
0x30: {  	[tilespmem:s18], [sflag:$0x1] =	stream.linear.gather [hbm4b:s17+s5], $0x800, $0x38;
	[tilespmem:$0x1D000] =	vst v63  }
0x31: {  	s20 =	simm.s32 $0x6000;
	s21 =	rddreg [dreg:$0x13]  }
0x32: {  	[tilespmem:s20], [sflag:$0x1] =	stream.linear.gather [hbm4b:s19+s5], $0x800, $0x38;
	[tilespmem:$0x1D000] =	vst v63  }
0x33: {  	s22 =	simm.s32 $0x7000;
	s23 =	rddreg [dreg:$0x14]  }
0x34: {  	[tilespmem:s22], [sflag:$0x1] =	stream.linear.gather [hbm4b:s21+s5], $0x800, $0x38;
	[tilespmem:$0x1D000] =	vst v63  }
0x35: {  	s24 =	simm.s32 $0x8000;
	s25 =	rddreg [dreg:$0x15]  }
0x36: {  	[tilespmem:s24], [sflag:$0x1] =	stream.linear.gather [hbm4b:s23+s5], $0x800, $0x38;
	[tilespmem:$0x1D000] =	vst v63  }
0x37: {  	s26 =	simm.s32 $0x9000;
	s28 =	rddreg [dreg:$0x16]  }
0x38: {  	[tilespmem:s26], [sflag:$0x1] =	stream.linear.gather [hbm4b:s25+s5], $0x800, $0x38;
	[tilespmem:$0x1D000] =	vst v63  }
0x39: {  	s29 =	simm.s32 $0xA000;
	s30 =	rddreg [dreg:$0x17]  }
0x3a: {  	[tilespmem:s29], [sflag:$0x1] =	stream.linear.gather [hbm4b:s28+s5], $0x800, $0x38;
	[tilespmem:$0x1D000] =	vst v63  }
0x3b: {  	s31 =	simm.s32 $0xB000;
	s4 =	rddreg [dreg:$0xa]  }
0x3c: {  	[tilespmem:s31], [sflag:$0x1] =	stream.linear.gather [hbm4b:s30+s5], $0x800, $0x38;
	[tilespmem:$0x1D000] =	vst v63  }
0x3d: {  	s2 =	simm.s32 $0xC000;
	s1 =	rddreg [dreg:$0x18]  }
0x3e: {  	[tilespmem:s2], [sflag:$0x1] =	stream.linear.gather [hbm4b:s1+s5], $0x800, $0x38;
	[tilespmem:$0x1D000] =	vst v63  }
0x3f: {  	s6 =	simm.s32 $0x800;
	s7 =	rddreg [dreg:$0x19]  }
0x40: {  	[tilespmem:s6], [sflag:$0x2] =	stream.linear.gather [hbm4b:s4+s5], $0x800, $0x38;
	[tilespmem:$0x1D000] =	vst v63  }
0x41: {  	s8 =	simm.s32 $0x1800;
	s9 =	rddreg [dreg:$0x1a]  }
0x42: {  	[tilespmem:s8], [sflag:$0x2] =	stream.linear.gather [hbm4b:s7+s5], $0x800, $0x38;
	[tilespmem:$0x1D000] =	vst v63  }
0x43: {  	s10 =	simm.s32 $0x2800;
	s11 =	rddreg [dreg:$0x1b]  }
0x44: {  	[tilespmem:s10], [sflag:$0x2] =	stream.linear.gather [hbm4b:s9+s5], $0x800, $0x38;
	[tilespmem:$0x1D000] =	vst v63  }
0x45: {  	s12 =	simm.s32 $0x3800;
	s13 =	rddreg [dreg:$0x1c]  }
0x46: {  	[tilespmem:s12], [sflag:$0x2] =	stream.linear.gather [hbm4b:s11+s5], $0x800, $0x38;
	[tilespmem:$0x1D000] =	vst v63  }
0x47: {  	s14 =	simm.s32 $0x4800;
	s15 =	rddreg [dreg:$0x1d]  }
0x48: {  	[tilespmem:s14], [sflag:$0x2] =	stream.linear.gather [hbm4b:s13+s5], $0x800, $0x38;
	[tilespmem:$0x1D000] =	vst v63  }
0x49: {  	s16 =	simm.s32 $0x5800;
	s17 =	rddreg [dreg:$0x1e]  }
0x4a: {  	[tilespmem:s16], [sflag:$0x2] =	stream.linear.gather [hbm4b:s15+s5], $0x800, $0x38;
	[tilespmem:$0x1D000] =	vst v63  }
0x4b: {  	s18 =	simm.s32 $0x6800;
	s19 =	rddreg [dreg:$0x1f]  }
0x4c: {  	[tilespmem:s18], [sflag:$0x2] =	stream.linear.gather [hbm4b:s17+s5], $0x800, $0x38;
	[tilespmem:$0x1D000] =	vst v63  }
0x4d: {  	s20 =	simm.s32 $0x7800;
	s21 =	sld [smem:$0x7F9]  }
0x4e: {  	[tilespmem:s20], [sflag:$0x2] =	stream.linear.gather [hbm4b:s19+s5], $0x800, $0x38;
	[tilespmem:$0x1D000] =	vst v63  }
0x4f: {  	s22 =	simm.s32 $0x8800;
	s23 =	sld [smem:$0x7FA]  }
0x50: {  	[tilespmem:s22], [sflag:$0x2] =	stream.linear.gather [hbm4b:s21+s5], $0x800, $0x38;
	[tilespmem:$0x1D000] =	vst v63  }
0x51: {  	s24 =	simm.s32 $0x9800;
	s25 =	sld [smem:$0x7FB]  }
0x52: {  	[tilespmem:s24], [sflag:$0x2] =	stream.linear.gather [hbm4b:s23+s5], $0x800, $0x38;
	[tilespmem:$0x1D000] =	vst v63  }
0x53: {  	s26 =	simm.s32 $0xA800;
	s28 =	sld [smem:$0x7FC]  }
0x54: {  	[tilespmem:s26], [sflag:$0x2] =	stream.linear.gather [hbm4b:s25+s5], $0x800, $0x38;
	[tilespmem:$0x1D000] =	vst v63  }
0x55: {  	s29 =	simm.s32 $0xB800;
	s30 =	sld [smem:$0x7FD]  }
0x56: {  	[tilespmem:s29], [sflag:$0x2] =	stream.linear.gather [hbm4b:s28+s5], $0x800, $0x38;
	[tilespmem:$0x1D000] =	vst v63  }
0x57: {  	s0 =	simm.s32 $0x0;
	s31 =	simm.s32 $0xC800;
	s1 =	simm.s32 $0x1000  }
0x58: {  	[tilespmem:s31], [sflag:$0x2] =	stream.linear.gather [hbm4b:s30+s5], $0x800, $0x38;
	[tilespmem:$0x1D000] =	vst v63  }
.LBB2_2:
0x59: {  	p0 =	sne.s32 s1, $0x3F000;
	[tilespmem:s0+$0xD3F0] =	vst v0  }
0x5a: {  	[tilespmem:s0+$0xD000] =	vst v0  }
0x5b: {  	[tilespmem:s0+$0xD010] =	vst v0  }
0x5c: {  	[tilespmem:s0+$0xD020] =	vst v0  }
0x5d: {  	[tilespmem:s0+$0xD030] =	vst v0  }
0x5e: {  	[tilespmem:s0+$0xD040] =	vst v0  }
0x5f: {  	[tilespmem:s0+$0xD050] =	vst v0  }
0x60: {  	[tilespmem:s0+$0xD060] =	vst v0  }
0x61: {  	[tilespmem:s0+$0xD070] =	vst v0  }
0x62: {  	[tilespmem:s0+$0xD080] =	vst v0  }
0x63: {  	[tilespmem:s0+$0xD090] =	vst v0  }
0x64: {  	[tilespmem:s0+$0xD0A0] =	vst v0  }
0x65: {  	[tilespmem:s0+$0xD0B0] =	vst v0  }
0x66: {  	[tilespmem:s0+$0xD0C0] =	vst v0  }
0x67: {  	[tilespmem:s0+$0xD0D0] =	vst v0  }
0x68: {  	[tilespmem:s0+$0xD0E0] =	vst v0  }
0x69: {  	[tilespmem:s0+$0xD0F0] =	vst v0  }
0x6a: {  	[tilespmem:s0+$0xD100] =	vst v0  }
0x6b: {  	[tilespmem:s0+$0xD110] =	vst v0  }
0x6c: {  	[tilespmem:s0+$0xD120] =	vst v0  }
0x6d: {  	[tilespmem:s0+$0xD130] =	vst v0  }
0x6e: {  	[tilespmem:s0+$0xD140] =	vst v0  }
0x6f: {  	[tilespmem:s0+$0xD150] =	vst v0  }
0x70: {  	[tilespmem:s0+$0xD160] =	vst v0  }
0x71: {  	[tilespmem:s0+$0xD170] =	vst v0  }
0x72: {  	[tilespmem:s0+$0xD180] =	vst v0  }
0x73: {  	[tilespmem:s0+$0xD190] =	vst v0  }
0x74: {  	[tilespmem:s0+$0xD1A0] =	vst v0  }
0x75: {  	[tilespmem:s0+$0xD1B0] =	vst v0  }
0x76: {  	[tilespmem:s0+$0xD1C0] =	vst v0  }
0x77: {  	[tilespmem:s0+$0xD1D0] =	vst v0  }
0x78: {  	[tilespmem:s0+$0xD1E0] =	vst v0  }
0x79: {  	[tilespmem:s0+$0xD1F0] =	vst v0  }
0x7a: {  	[tilespmem:s0+$0xD200] =	vst v0  }
0x7b: {  	[tilespmem:s0+$0xD210] =	vst v0  }
0x7c: {  	[tilespmem:s0+$0xD220] =	vst v0  }
0x7d: {  	[tilespmem:s0+$0xD230] =	vst v0  }
0x7e: {  	[tilespmem:s0+$0xD240] =	vst v0  }
0x7f: {  	[tilespmem:s0+$0xD250] =	vst v0  }
0x80: {  	[tilespmem:s0+$0xD260] =	vst v0  }
0x81: {  	[tilespmem:s0+$0xD270] =	vst v0  }
0x82: {  	[tilespmem:s0+$0xD280] =	vst v0  }
0x83: {  	[tilespmem:s0+$0xD290] =	vst v0  }
0x84: {  	[tilespmem:s0+$0xD2A0] =	vst v0  }
0x85: {  	[tilespmem:s0+$0xD2B0] =	vst v0  }
0x86: {  	[tilespmem:s0+$0xD2C0] =	vst v0  }
0x87: {  	[tilespmem:s0+$0xD2D0] =	vst v0  }
0x88: {  	[tilespmem:s0+$0xD2E0] =	vst v0  }
0x89: {  	[tilespmem:s0+$0xD2F0] =	vst v0  }
0x8a: {  	[tilespmem:s0+$0xD300] =	vst v0  }
0x8b: {  	[tilespmem:s0+$0xD310] =	vst v0  }
0x8c: {  	[tilespmem:s0+$0xD320] =	vst v0  }
0x8d: {  	[tilespmem:s0+$0xD330] =	vst v0  }
0x8e: {  	[tilespmem:s0+$0xD340] =	vst v0  }
0x8f: {  	[tilespmem:s0+$0xD350] =	vst v0  }
0x90: {  	[tilespmem:s0+$0xD360] =	vst v0  }
0x91: {  	[tilespmem:s0+$0xD370] =	vst v0  }
0x92: {  	[tilespmem:s0+$0xD380] =	vst v0  }
0x93: {  	[tilespmem:s0+$0xD390] =	vst v0  }
.Ltmp0:
0x94: {  	[tilespmem:s0+$0xD3A0] =	vst v0;
	(pc) =	sbr.rel @p0 .LBB2_2-.Ltmp0, $4  }
0x95: {  	[tilespmem:s0+$0xD3B0] =	vst v0  }
0x96: {  	[tilespmem:s0+$0xD3C0] =	vst v0  }
0x97: {  	[tilespmem:s0+$0xD3D0] =	vst v0  }
0x98: {  	[tilespmem:s0+$0xD3E0] =	vst v0;
	s0 =	sshra.s32 s1, $0x2;
	s1 =	sadd.s32 $0x1000, s1  }
0x99: {  	[tilespmem:s0+$0xD3F0] =	vst v0  }
0x9a: {  	[tilespmem:s0+$0xD000] =	vst v0  }
0x9b: {  	[tilespmem:s0+$0xD010] =	vst v0  }
0x9c: {  	[tilespmem:s0+$0xD020] =	vst v0  }
0x9d: {  	[tilespmem:s0+$0xD030] =	vst v0  }
0x9e: {  	[tilespmem:s0+$0xD040] =	vst v0  }
0x9f: {  	[tilespmem:s0+$0xD050] =	vst v0  }
0xa0: {  	[tilespmem:s0+$0xD060] =	vst v0  }
0xa1: {  	[tilespmem:s0+$0xD070] =	vst v0  }
0xa2: {  	[tilespmem:s0+$0xD080] =	vst v0  }
0xa3: {  	[tilespmem:s0+$0xD090] =	vst v0  }
0xa4: {  	[tilespmem:s0+$0xD0A0] =	vst v0  }
0xa5: {  	[tilespmem:s0+$0xD0B0] =	vst v0  }
0xa6: {  	[tilespmem:s0+$0xD0C0] =	vst v0  }
0xa7: {  	[tilespmem:s0+$0xD0D0] =	vst v0  }
0xa8: {  	[tilespmem:s0+$0xD0E0] =	vst v0  }
0xa9: {  	[tilespmem:s0+$0xD0F0] =	vst v0  }
0xaa: {  	[tilespmem:s0+$0xD100] =	vst v0  }
0xab: {  	[tilespmem:s0+$0xD110] =	vst v0  }
0xac: {  	[tilespmem:s0+$0xD120] =	vst v0  }
0xad: {  	[tilespmem:s0+$0xD130] =	vst v0  }
0xae: {  	[tilespmem:s0+$0xD140] =	vst v0  }
0xaf: {  	[tilespmem:s0+$0xD150] =	vst v0  }
0xb0: {  	[tilespmem:s0+$0xD160] =	vst v0  }
0xb1: {  	[tilespmem:s0+$0xD170] =	vst v0  }
0xb2: {  	[tilespmem:s0+$0xD180] =	vst v0  }
0xb3: {  	[tilespmem:s0+$0xD190] =	vst v0  }
0xb4: {  	[tilespmem:s0+$0xD1A0] =	vst v0  }
0xb5: {  	[tilespmem:s0+$0xD1B0] =	vst v0  }
0xb6: {  	[tilespmem:s0+$0xD1C0] =	vst v0  }
0xb7: {  	[tilespmem:s0+$0xD1D0] =	vst v0  }
0xb8: {  	[tilespmem:s0+$0xD1E0] =	vst v0  }
0xb9: {  	[tilespmem:s0+$0xD1F0] =	vst v0  }
0xba: {  	[tilespmem:s0+$0xD200] =	vst v0  }
0xbb: {  	[tilespmem:s0+$0xD210] =	vst v0  }
0xbc: {  	[tilespmem:s0+$0xD220] =	vst v0  }
0xbd: {  	[tilespmem:s0+$0xD230] =	vst v0  }
0xbe: {  	[tilespmem:s0+$0xD240] =	vst v0  }
0xbf: {  	[tilespmem:s0+$0xD250] =	vst v0  }
0xc0: {  	[tilespmem:s0+$0xD260] =	vst v0  }
0xc1: {  	[tilespmem:s0+$0xD270] =	vst v0  }
0xc2: {  	[tilespmem:s0+$0xD280] =	vst v0  }
0xc3: {  	[tilespmem:s0+$0xD290] =	vst v0  }
0xc4: {  	[tilespmem:s0+$0xD2A0] =	vst v0  }
0xc5: {  	[tilespmem:s0+$0xD2B0] =	vst v0  }
0xc6: {  	[tilespmem:s0+$0xD2C0] =	vst v0  }
0xc7: {  	[tilespmem:s0+$0xD2D0] =	vst v0  }
0xc8: {  	[tilespmem:s0+$0xD2E0] =	vst v0  }
0xc9: {  	[tilespmem:s0+$0xD2F0] =	vst v0  }
0xca: {  	[tilespmem:s0+$0xD300] =	vst v0  }
0xcb: {  	[tilespmem:s0+$0xD310] =	vst v0  }
0xcc: {  	[tilespmem:s0+$0xD320] =	vst v0  }
0xcd: {  	[tilespmem:s0+$0xD330] =	vst v0  }
0xce: {  	[tilespmem:s0+$0xD340] =	vst v0  }
0xcf: {  	[tilespmem:s0+$0xD350] =	vst v0  }
0xd0: {  	[tilespmem:s0+$0xD360] =	vst v0  }
0xd1: {  	[tilespmem:s0+$0xD370] =	vst v0  }
0xd2: {  	[tilespmem:s0+$0xD380] =	vst v0  }
0xd3: {  	[tilespmem:s0+$0xD390] =	vst v0  }
0xd4: {  	[tilespmem:s0+$0xD3A0] =	vst v0  }
0xd5: {  	[tilespmem:s0+$0xD3B0] =	vst v0  }
0xd6: {  	[tilespmem:s0+$0xD3C0] =	vst v0  }
0xd7: {  	[tilespmem:s0+$0xD3D0] =	vst v0  }
0xd8: {  	[tilespmem:s0+$0xD3E0] =	vst v0;
	s22 =	simm.s32 $0x1  }
0xd9: {  	_ =	swait.ge [sflag:s22], $0x6800  }
0xda: {  	[sflag:s22] =	ssyncset.done $0x0  }
0xdb: {  	s2 =	simm.s32 $0x2;
	[sflag:s22] =	ssyncadd.s32 $0xFFFF9800  }
0xdc: {  	s0 =	simm.s32 $0x0;
	s1 =	simm.s32 $0x10;
	_ =	swait.ge [sflag:s2], $0x6800  }
0xdd: {  	s6 =	sand.u32 $0xC00, s0;
	s7 =	sand.u32 $0x70, s1;
	[sflag:s2] =	ssyncset.done $0x0  }
0xde: {  	s4 =	sor.u32 s7, s6;
	[sflag:s2] =	ssyncadd.s32 $0xFFFF9800  }
0xdf: {  	v3 =	vld [tilespmem:s4+$0x0];
	_ =	sdelay $0x2  }
0xe0: {  	v2 =	vmov s1  }
0xe1: {  	v2 =	vshll.u32 v2, $0x7  }
0xe2: {  	s5 =	sor.u32 $0x6100, s6;
	v2 =	vor.u32 v1, v2;
	v4 =	vand.u32 $0xFFFFFF80, v3  }
0xe3: {  	s23 =	sor.u32 s7, s5;
	v3 =	vand.u32 $0x7F, v3;
	v4 =	vadd.s32 v2, v4  }
0xe4: {  	v5 =	vld [tilespmem:s23+$0x0];
	v3 =	vor.u32 v3, v4;
	_ =	sdelay $0x4  }
0xe5: {  	[tilespmem:v3+s3+$0x0] =	vst.idx.add.f32.msk $0xffff, v5  }
0xe6: {  	v3 =	vld [tilespmem:s4+$0x80];
	_ =	sdelay $0x4  }
0xe7: {  	s9 =	sor.u32 $0x6180, s6;
	v4 =	vand.u32 $0xFFFFFF80, v3  }
0xe8: {  	s24 =	sor.u32 s7, s9;
	v3 =	vand.u32 $0x7F, v3;
	v4 =	vadd.s32 v2, v4  }
0xe9: {  	v5 =	vld [tilespmem:s24+$0x0];
	v3 =	vor.u32 v3, v4;
	_ =	sdelay $0x4  }
0xea: {  	[tilespmem:v3+s3+$0x0] =	vst.idx.add.f32.msk $0xffff, v5  }
0xeb: {  	v3 =	vld [tilespmem:s4+$0x100];
	_ =	sdelay $0x1  }
0xec: {  	s8 =	sand.u32 $0x60, s0  }
0xed: {  	s25 =	sor.u32 s8, s6  }
0xee: {  	v4 =	vld [tilespmem:s25+$0x0]  }
0xef: {  	s10 =	sor.u32 $0x6200, s6;
	v5 =	vand.u32 $0xFFFFFF80, v3  }
0xf0: {  	s11 =	sor.u32 s7, s10;
	v3 =	vand.u32 $0x7F, v3;
	v5 =	vadd.s32 v2, v5  }
0xf1: {  	v6 =	vmov s0;
	v7 =	vld [tilespmem:s11+$0x0];
	v5 =	vor.u32 v3, v5  }
0xf2: {  	v3 =	vshll.u32 v6, $0x7  }
0xf3: {  	v6 =	vand.u32 $0xFFFFFF80, v4;
	v3 =	vor.u32 v1, v3  }
0xf4: {  	s5 =	sor.u32 s8, s5;
	v4 =	vand.u32 $0x7F, v4;
	v6 =	vadd.s32 v3, v6  }
0xf5: {  	v8 =	vld [tilespmem:s5+$0x0];
	v4 =	vor.u32 v4, v6  }
0xf6: {  	[tilespmem:v5+s3+$0x0] =	vst.idx.add.f32.msk $0xffff, v7  }
0xf7: {  	v5 =	vld [tilespmem:s4+$0x180];
	_ =	sdelay $0x2  }
0xf8: {  	[tilespmem:v4+s3+$0x0] =	vst.idx.add.f32.msk $0xffff, v8  }
0xf9: {  	v4 =	vld [tilespmem:s25+$0x80]  }
0xfa: {  	s26 =	sor.u32 $0x6280, s6;
	v6 =	vand.u32 $0xFFFFFF80, v5  }
0xfb: {  	s28 =	sor.u32 s7, s26;
	v5 =	vand.u32 $0x7F, v5;
	v6 =	vadd.s32 v2, v6  }
0xfc: {  	v7 =	vld [tilespmem:s28+$0x0];
	v5 =	vor.u32 v5, v6;
	_ =	sdelay $0x1  }
0xfd: {  	v6 =	vand.u32 $0xFFFFFF80, v4  }
0xfe: {  	s9 =	sor.u32 s8, s9;
	v4 =	vand.u32 $0x7F, v4;
	v6 =	vadd.s32 v3, v6  }
0xff: {  	v8 =	vld [tilespmem:s9+$0x0];
	v4 =	vor.u32 v4, v6  }
0x100: {  	[tilespmem:v5+s3+$0x0] =	vst.idx.add.f32.msk $0xffff, v7  }
0x101: {  	v5 =	vld [tilespmem:s4+$0x200];
	_ =	sdelay $0x2  }
0x102: {  	[tilespmem:v4+s3+$0x0] =	vst.idx.add.f32.msk $0xffff, v8  }
0x103: {  	v4 =	vld [tilespmem:s25+$0x100]  }
0x104: {  	s30 =	sor.u32 $0x6300, s6;
	v6 =	vand.u32 $0xFFFFFF80, v5  }
0x105: {  	s31 =	sor.u32 s7, s30;
	v5 =	vand.u32 $0x7F, v5;
	v6 =	vadd.s32 v2, v6  }
0x106: {  	v7 =	vld [tilespmem:s31+$0x0];
	v5 =	vor.u32 v5, v6;
	_ =	sdelay $0x1  }
0x107: {  	v6 =	vand.u32 $0xFFFFFF80, v4  }
0x108: {  	s10 =	sor.u32 s8, s10;
	v4 =	vand.u32 $0x7F, v4;
	v6 =	vadd.s32 v3, v6  }
0x109: {  	v8 =	vld [tilespmem:s10+$0x0];
	v4 =	vor.u32 v4, v6  }
0x10a: {  	[tilespmem:v5+s3+$0x0] =	vst.idx.add.f32.msk $0xffff, v7  }
0x10b: {  	v5 =	vld [tilespmem:s4+$0x280];
	_ =	sdelay $0x2  }
0x10c: {  	[tilespmem:v4+s3+$0x0] =	vst.idx.add.f32.msk $0xffff, v8  }
0x10d: {  	v4 =	vld [tilespmem:s25+$0x180]  }
0x10e: {  	s12 =	sor.u32 $0x6380, s6;
	v6 =	vand.u32 $0xFFFFFF80, v5  }
0x10f: {  	s13 =	sor.u32 s7, s12;
	v5 =	vand.u32 $0x7F, v5;
	v6 =	vadd.s32 v2, v6  }
0x110: {  	v7 =	vld [tilespmem:s13+$0x0];
	v5 =	vor.u32 v5, v6  }
0x111: {  	s14 =	sand.u32 $0x7, s0  }
0x112: {  	s10 =	sshll.u32 s14, $0x4;
	v6 =	vand.u32 $0xFFFFFF80, v4  }
0x113: {  	s5 =	sor.u32 s8, s26;
	s10 =	sadd.s32 $0x0, s10;
	v4 =	vand.u32 $0x7F, v4;
	v6 =	vadd.s32 v3, v6  }
0x114: {  	s15 =	sadd.s32 $0x10, s10;
	v8 =	vld [tilespmem:s5+$0x0];
	v4 =	vor.u32 v4, v6  }
0x115: {  	s5 =	sor.u32 $0x300, s15;
	[tilespmem:v5+s3+$0x0] =	vst.idx.add.f32.msk $0xffff, v7  }
0x116: {  	v5 =	vld [tilespmem:s5+$0x0];
	_ =	sdelay $0x2  }
0x117: {  	[tilespmem:v4+s3+$0x0] =	vst.idx.add.f32.msk $0xffff, v8  }
0x118: {  	v4 =	vld [tilespmem:s25+$0x200]  }
0x119: {  	s16 =	sor.u32 $0x7000, s6;
	v6 =	vand.u32 $0xFFFFFF80, v5  }
0x11a: {  	s17 =	sor.u32 s7, s16;
	v5 =	vand.u32 $0x7F, v5;
	v6 =	vadd.s32 v2, v6  }
0x11b: {  	v7 =	vld [tilespmem:s17+$0x0];
	v5 =	vor.u32 v5, v6;
	_ =	sdelay $0x1  }
0x11c: {  	v6 =	vand.u32 $0xFFFFFF80, v4  }
0x11d: {  	s9 =	sor.u32 s8, s30;
	v4 =	vand.u32 $0x7F, v4;
	v6 =	vadd.s32 v3, v6  }
0x11e: {  	s1 =	sor.u32 s1, s0;
	v8 =	vld [tilespmem:s9+$0x0];
	v4 =	vor.u32 v4, v6  }
0x11f: {  	s1 =	sor.u32 $0x380, s1;
	[tilespmem:v5+s3+$0x0] =	vst.idx.add.f32.msk $0xffff, v7  }
0x120: {  	v5 =	vld [tilespmem:s1+$0x0];
	_ =	sdelay $0x2  }
0x121: {  	[tilespmem:v4+s3+$0x0] =	vst.idx.add.f32.msk $0xffff, v8  }
0x122: {  	v4 =	vld [tilespmem:s25+$0x280]  }
0x123: {  	s18 =	sor.u32 $0x7080, s6;
	v6 =	vand.u32 $0xFFFFFF80, v5  }
0x124: {  	s19 =	sor.u32 s7, s18;
	v5 =	vand.u32 $0x7F, v5;
	v6 =	vadd.s32 v2, v6  }
0x125: {  	v7 =	vld [tilespmem:s19+$0x0];
	v5 =	vor.u32 v5, v6;
	_ =	sdelay $0x1  }
0x126: {  	v6 =	vand.u32 $0xFFFFFF80, v4  }
0x127: {  	s20 =	sor.u32 s8, s12;
	v4 =	vand.u32 $0x7F, v4;
	v6 =	vadd.s32 v3, v6  }
0x128: {  	s21 =	sor.u32 $0x1000, s6;
	v8 =	vld [tilespmem:s20+$0x0];
	v4 =	vor.u32 v4, v6  }
0x129: {  	s22 =	sor.u32 s7, s21;
	[tilespmem:v5+s3+$0x0] =	vst.idx.add.f32.msk $0xffff, v7  }
0x12a: {  	s23 =	sand.u32 $0x3, s0;
	v5 =	vld [tilespmem:s22+$0x0]  }
0x12b: {  	s24 =	sshll.u32 s23, $0x5  }
0x12c: {  	s4 =	sadd.s32 $0x0, s24  }
0x12d: {  	s4 =	sor.u32 $0x300, s4;
	[tilespmem:v4+s3+$0x0] =	vst.idx.add.f32.msk $0xffff, v8  }
0x12e: {  	v4 =	vld [tilespmem:s4+$0x0]  }
0x12f: {  	s25 =	sor.u32 $0x7100, s6;
	v6 =	vand.u32 $0xFFFFFF80, v5  }
0x130: {  	s26 =	sor.u32 s7, s25;
	v5 =	vand.u32 $0x7F, v5;
	v6 =	vadd.s32 v2, v6  }
0x131: {  	v7 =	vld [tilespmem:s26+$0x0];
	v5 =	vor.u32 v5, v6;
	_ =	sdelay $0x1  }
0x132: {  	v6 =	vand.u32 $0xFFFFFF80, v4  }
0x133: {  	s5 =	sor.u32 s8, s16;
	v4 =	vand.u32 $0x7F, v4;
	v6 =	vadd.s32 v3, v6  }
0x134: {  	s28 =	sor.u32 $0x1080, s6;
	v8 =	vld [tilespmem:s5+$0x0];
	v4 =	vor.u32 v4, v6  }
0x135: {  	s30 =	sor.u32 s7, s28;
	[tilespmem:v5+s3+$0x0] =	vst.idx.add.f32.msk $0xffff, v7  }
0x136: {  	v5 =	vld [tilespmem:s30+$0x0];
	_ =	sdelay $0x1  }
0x137: {  	s0 =	sor.u32 s0, s0  }
0x138: {  	s0 =	sor.u32 $0x380, s0;
	[tilespmem:v4+s3+$0x0] =	vst.idx.add.f32.msk $0xffff, v8  }
0x139: {  	v4 =	vld [tilespmem:s0+$0x0]  }
0x13a: {  	s31 =	sor.u32 $0x7180, s6;
	v6 =	vand.u32 $0xFFFFFF80, v5  }
0x13b: {  	s10 =	sor.u32 s7, s31;
	v5 =	vand.u32 $0x7F, v5;
	v6 =	vadd.s32 v2, v6  }
0x13c: {  	v7 =	vld [tilespmem:s10+$0x0];
	v5 =	vor.u32 v5, v6;
	_ =	sdelay $0x1  }
0x13d: {  	v6 =	vand.u32 $0xFFFFFF80, v4  }
0x13e: {  	s1 =	sor.u32 s8, s18;
	v4 =	vand.u32 $0x7F, v4;
	v6 =	vadd.s32 v3, v6  }
0x13f: {  	s11 =	sor.u32 $0x1100, s6;
	v8 =	vld [tilespmem:s1+$0x0];
	v4 =	vor.u32 v4, v6  }
0x140: {  	s12 =	sor.u32 s7, s11;
	[tilespmem:v5+s3+$0x0] =	vst.idx.add.f32.msk $0xffff, v7  }
0x141: {  	v5 =	vld [tilespmem:s12+$0x0];
	_ =	sdelay $0x2  }
0x142: {  	s2 =	sor.u32 s8, s21;
	[tilespmem:v4+s3+$0x0] =	vst.idx.add.f32.msk $0xffff, v8  }
0x143: {  	v4 =	vld [tilespmem:s2+$0x0]  }
0x144: {  	s13 =	sor.u32 $0x7200, s6;
	v6 =	vand.u32 $0xFFFFFF80, v5  }
0x145: {  	s14 =	sor.u32 s7, s13;
	v5 =	vand.u32 $0x7F, v5;
	v6 =	vadd.s32 v2, v6  }
0x146: {  	v7 =	vld [tilespmem:s14+$0x0];
	v5 =	vor.u32 v5, v6;
	_ =	sdelay $0x1  }
0x147: {  	v6 =	vand.u32 $0xFFFFFF80, v4  }
0x148: {  	s4 =	sor.u32 s8, s25;
	v4 =	vand.u32 $0x7F, v4;
	v6 =	vadd.s32 v3, v6  }
0x149: {  	s15 =	sor.u32 $0x1180, s6;
	v8 =	vld [tilespmem:s4+$0x0];
	v4 =	vor.u32 v4, v6  }
0x14a: {  	s16 =	sor.u32 s7, s15;
	[tilespmem:v5+s3+$0x0] =	vst.idx.add.f32.msk $0xffff, v7  }
0x14b: {  	v5 =	vld [tilespmem:s16+$0x0];
	_ =	sdelay $0x2  }
0x14c: {  	s5 =	sor.u32 s8, s28;
	[tilespmem:v4+s3+$0x0] =	vst.idx.add.f32.msk $0xffff, v8  }
0x14d: {  	v4 =	vld [tilespmem:s5+$0x0]  }
0x14e: {  	s17 =	sor.u32 $0x7280, s6;
	v6 =	vand.u32 $0xFFFFFF80, v5  }
0x14f: {  	s18 =	sor.u32 s7, s17;
	v5 =	vand.u32 $0x7F, v5;
	v6 =	vadd.s32 v2, v6  }
0x150: {  	v7 =	vld [tilespmem:s18+$0x0];
	v5 =	vor.u32 v5, v6;
	_ =	sdelay $0x1  }
0x151: {  	v6 =	vand.u32 $0xFFFFFF80, v4  }
0x152: {  	s0 =	sor.u32 s8, s31;
	v4 =	vand.u32 $0x7F, v4;
	v6 =	vadd.s32 v3, v6  }
0x153: {  	s19 =	sor.u32 $0x1200, s6;
	v8 =	vld [tilespmem:s0+$0x0];
	v4 =	vor.u32 v4, v6  }
0x154: {  	s20 =	sor.u32 s7, s19;
	[tilespmem:v5+s3+$0x0] =	vst.idx.add.f32.msk $0xffff, v7  }
0x155: {  	v5 =	vld [tilespmem:s20+$0x0];
	_ =	sdelay $0x2  }
0x156: {  	s1 =	sor.u32 s8, s11;
	[tilespmem:v4+s3+$0x0] =	vst.idx.add.f32.msk $0xffff, v8  }
0x157: {  	v4 =	vld [tilespmem:s1+$0x0]  }
0x158: {  	s21 =	sor.u32 $0x7300, s6;
	v6 =	vand.u32 $0xFFFFFF80, v5  }
0x159: {  	s22 =	sor.u32 s7, s21;
	v5 =	vand.u32 $0x7F, v5;
	v6 =	vadd.s32 v2, v6  }
0x15a: {  	v7 =	vld [tilespmem:s22+$0x0];
	v5 =	vor.u32 v5, v6;
	_ =	sdelay $0x1  }
0x15b: {  	v6 =	vand.u32 $0xFFFFFF80, v4  }
0x15c: {  	s2 =	sor.u32 s8, s13;
	v4 =	vand.u32 $0x7F, v4;
	v6 =	vadd.s32 v3, v6  }
0x15d: {  	s23 =	sor.u32 $0x1280, s6;
	v8 =	vld [tilespmem:s2+$0x0];
	v4 =	vor.u32 v4, v6  }
0x15e: {  	s24 =	sor.u32 s7, s23;
	[tilespmem:v5+s3+$0x0] =	vst.idx.add.f32.msk $0xffff, v7  }
0x15f: {  	v5 =	vld [tilespmem:s24+$0x0];
	_ =	sdelay $0x2  }
0x160: {  	s4 =	sor.u32 s8, s15;
	[tilespmem:v4+s3+$0x0] =	vst.idx.add.f32.msk $0xffff, v8  }
0x161: {  	v4 =	vld [tilespmem:s4+$0x0]  }
0x162: {  	s25 =	sor.u32 $0x7380, s6;
	v6 =	vand.u32 $0xFFFFFF80, v5  }
0x163: {  	s26 =	sor.u32 s7, s25;
	v5 =	vand.u32 $0x7F, v5;
	v6 =	vadd.s32 v2, v6  }
0x164: {  	v7 =	vld [tilespmem:s26+$0x0];
	v5 =	vor.u32 v5, v6;
	_ =	sdelay $0x1  }
0x165: {  	v6 =	vand.u32 $0xFFFFFF80, v4  }
0x166: {  	s5 =	sor.u32 s8, s17;
	v4 =	vand.u32 $0x7F, v4;
	v6 =	vadd.s32 v3, v6  }
0x167: {  	s28 =	sor.u32 $0x1300, s6;
	v8 =	vld [tilespmem:s5+$0x0];
	v4 =	vor.u32 v4, v6  }
0x168: {  	s30 =	sor.u32 s7, s28;
	[tilespmem:v5+s3+$0x0] =	vst.idx.add.f32.msk $0xffff, v7  }
0x169: {  	v5 =	vld [tilespmem:s30+$0x0];
	_ =	sdelay $0x2  }
0x16a: {  	s0 =	sor.u32 s8, s19;
	[tilespmem:v4+s3+$0x0] =	vst.idx.add.f32.msk $0xffff, v8  }
0x16b: {  	v4 =	vld [tilespmem:s0+$0x0]  }
0x16c: {  	s31 =	sor.u32 $0x8000, s6;
	v6 =	vand.u32 $0xFFFFFF80, v5  }
0x16d: {  	s10 =	sor.u32 s7, s31;
	v5 =	vand.u32 $0x7F, v5;
	v6 =	vadd.s32 v2, v6  }
0x16e: {  	v7 =	vld [tilespmem:s10+$0x0];
	v5 =	vor.u32 v5, v6;
	_ =	sdelay $0x1  }
0x16f: {  	v6 =	vand.u32 $0xFFFFFF80, v4  }
0x170: {  	s1 =	sor.u32 s8, s21;
	v4 =	vand.u32 $0x7F, v4;
	v6 =	vadd.s32 v3, v6  }
0x171: {  	s11 =	sor.u32 $0x1380, s6;
	v8 =	vld [tilespmem:s1+$0x0];
	v4 =	vor.u32 v4, v6  }
0x172: {  	s12 =	sor.u32 s7, s11;
	[tilespmem:v5+s3+$0x0] =	vst.idx.add.f32.msk $0xffff, v7  }
0x173: {  	v5 =	vld [tilespmem:s12+$0x0];
	_ =	sdelay $0x2  }
0x174: {  	s2 =	sor.u32 s8, s23;
	[tilespmem:v4+s3+$0x0] =	vst.idx.add.f32.msk $0xffff, v8  }
0x175: {  	v4 =	vld [tilespmem:s2+$0x0]  }
0x176: {  	s13 =	sor.u32 $0x8080, s6;
	v6 =	vand.u32 $0xFFFFFF80, v5  }
0x177: {  	s14 =	sor.u32 s7, s13;
	v5 =	vand.u32 $0x7F, v5;
	v6 =	vadd.s32 v2, v6  }
0x178: {  	v7 =	vld [tilespmem:s14+$0x0];
	v5 =	vor.u32 v5, v6;
	_ =	sdelay $0x1  }
0x179: {  	v6 =	vand.u32 $0xFFFFFF80, v4  }
0x17a: {  	s4 =	sor.u32 s8, s25;
	v4 =	vand.u32 $0x7F, v4;
	v6 =	vadd.s32 v3, v6  }
0x17b: {  	s15 =	sor.u32 $0x2000, s6;
	v8 =	vld [tilespmem:s4+$0x0];
	v4 =	vor.u32 v4, v6  }
0x17c: {  	s16 =	sor.u32 s7, s15;
	[tilespmem:v5+s3+$0x0] =	vst.idx.add.f32.msk $0xffff, v7  }
0x17d: {  	v5 =	vld [tilespmem:s16+$0x0];
	_ =	sdelay $0x2  }
0x17e: {  	s5 =	sor.u32 s8, s28;
	[tilespmem:v4+s3+$0x0] =	vst.idx.add.f32.msk $0xffff, v8  }
0x17f: {  	v4 =	vld [tilespmem:s5+$0x0]  }
0x180: {  	s17 =	sor.u32 $0x8100, s6;
	v6 =	vand.u32 $0xFFFFFF80, v5  }
0x181: {  	s18 =	sor.u32 s7, s17;
	v5 =	vand.u32 $0x7F, v5;
	v6 =	vadd.s32 v2, v6  }
0x182: {  	v7 =	vld [tilespmem:s18+$0x0];
	v5 =	vor.u32 v5, v6;
	_ =	sdelay $0x1  }
0x183: {  	v6 =	vand.u32 $0xFFFFFF80, v4  }
0x184: {  	s0 =	sor.u32 s8, s31;
	v4 =	vand.u32 $0x7F, v4;
	v6 =	vadd.s32 v3, v6  }
0x185: {  	s19 =	sor.u32 $0x2080, s6;
	v8 =	vld [tilespmem:s0+$0x0];
	v4 =	vor.u32 v4, v6  }
0x186: {  	s20 =	sor.u32 s7, s19;
	[tilespmem:v5+s3+$0x0] =	vst.idx.add.f32.msk $0xffff, v7  }
0x187: {  	v5 =	vld [tilespmem:s20+$0x0];
	_ =	sdelay $0x2  }
0x188: {  	s1 =	sor.u32 s8, s11;
	[tilespmem:v4+s3+$0x0] =	vst.idx.add.f32.msk $0xffff, v8  }
0x189: {  	v4 =	vld [tilespmem:s1+$0x0]  }
0x18a: {  	s21 =	sor.u32 $0x8180, s6;
	v6 =	vand.u32 $0xFFFFFF80, v5  }
0x18b: {  	s22 =	sor.u32 s7, s21;
	v5 =	vand.u32 $0x7F, v5;
	v6 =	vadd.s32 v2, v6  }
0x18c: {  	v7 =	vld [tilespmem:s22+$0x0];
	v5 =	vor.u32 v5, v6;
	_ =	sdelay $0x1  }
0x18d: {  	v6 =	vand.u32 $0xFFFFFF80, v4  }
0x18e: {  	s2 =	sor.u32 s8, s13;
	v4 =	vand.u32 $0x7F, v4;
	v6 =	vadd.s32 v3, v6  }
0x18f: {  	s23 =	sor.u32 $0x2100, s6;
	v8 =	vld [tilespmem:s2+$0x0];
	v4 =	vor.u32 v4, v6  }
0x190: {  	s24 =	sor.u32 s7, s23;
	[tilespmem:v5+s3+$0x0] =	vst.idx.add.f32.msk $0xffff, v7  }
0x191: {  	v5 =	vld [tilespmem:s24+$0x0];
	_ =	sdelay $0x2  }
0x192: {  	s4 =	sor.u32 s8, s15;
	[tilespmem:v4+s3+$0x0] =	vst.idx.add.f32.msk $0xffff, v8  }
0x193: {  	v4 =	vld [tilespmem:s4+$0x0]  }
0x194: {  	s25 =	sor.u32 $0x8200, s6;
	v6 =	vand.u32 $0xFFFFFF80, v5  }
0x195: {  	s26 =	sor.u32 s7, s25;
	v5 =	vand.u32 $0x7F, v5;
	v6 =	vadd.s32 v2, v6  }
0x196: {  	v7 =	vld [tilespmem:s26+$0x0];
	v5 =	vor.u32 v5, v6;
	_ =	sdelay $0x1  }
0x197: {  	v6 =	vand.u32 $0xFFFFFF80, v4  }
0x198: {  	s5 =	sor.u32 s8, s17;
	v4 =	vand.u32 $0x7F, v4;
	v6 =	vadd.s32 v3, v6  }
0x199: {  	s28 =	sor.u32 $0x2180, s6;
	v8 =	vld [tilespmem:s5+$0x0];
	v4 =	vor.u32 v4, v6  }
0x19a: {  	s30 =	sor.u32 s7, s28;
	[tilespmem:v5+s3+$0x0] =	vst.idx.add.f32.msk $0xffff, v7  }
0x19b: {  	v5 =	vld [tilespmem:s30+$0x0];
	_ =	sdelay $0x2  }
0x19c: {  	s0 =	sor.u32 s8, s19;
	[tilespmem:v4+s3+$0x0] =	vst.idx.add.f32.msk $0xffff, v8  }
0x19d: {  	v4 =	vld [tilespmem:s0+$0x0]  }
0x19e: {  	s31 =	sor.u32 $0x8280, s6;
	v6 =	vand.u32 $0xFFFFFF80, v5  }
0x19f: {  	s10 =	sor.u32 s7, s31;
	v5 =	vand.u32 $0x7F, v5;
	v6 =	vadd.s32 v2, v6  }
0x1a0: {  	v7 =	vld [tilespmem:s10+$0x0];
	v5 =	vor.u32 v5, v6;
	_ =	sdelay $0x1  }
0x1a1: {  	v6 =	vand.u32 $0xFFFFFF80, v4  }
0x1a2: {  	s1 =	sor.u32 s8, s21;
	v4 =	vand.u32 $0x7F, v4;
	v6 =	vadd.s32 v3, v6  }
0x1a3: {  	s11 =	sor.u32 $0x2200, s6;
	v8 =	vld [tilespmem:s1+$0x0];
	v4 =	vor.u32 v4, v6  }
0x1a4: {  	s12 =	sor.u32 s7, s11;
	[tilespmem:v5+s3+$0x0] =	vst.idx.add.f32.msk $0xffff, v7  }
0x1a5: {  	v5 =	vld [tilespmem:s12+$0x0];
	_ =	sdelay $0x2  }
0x1a6: {  	s2 =	sor.u32 s8, s23;
	[tilespmem:v4+s3+$0x0] =	vst.idx.add.f32.msk $0xffff, v8  }
0x1a7: {  	v4 =	vld [tilespmem:s2+$0x0]  }
0x1a8: {  	s13 =	sor.u32 $0x8300, s6;
	v6 =	vand.u32 $0xFFFFFF80, v5  }
0x1a9: {  	s17 =	sor.u32 s7, s13;
	v5 =	vand.u32 $0x7F, v5;
	v6 =	vadd.s32 v2, v6  }
0x1aa: {  	v7 =	vld [tilespmem:s17+$0x0];
	v5 =	vor.u32 v5, v6;
	_ =	sdelay $0x1  }
0x1ab: {  	v6 =	vand.u32 $0xFFFFFF80, v4  }
0x1ac: {  	s4 =	sor.u32 s8, s25;
	v4 =	vand.u32 $0x7F, v4;
	v6 =	vadd.s32 v3, v6  }
0x1ad: {  	s14 =	sor.u32 $0x2280, s6;
	v8 =	vld [tilespmem:s4+$0x0];
	v4 =	vor.u32 v4, v6  }
0x1ae: {  	s18 =	sor.u32 s7, s14;
	[tilespmem:v5+s3+$0x0] =	vst.idx.add.f32.msk $0xffff, v7  }
0x1af: {  	v5 =	vld [tilespmem:s18+$0x0];
	_ =	sdelay $0x2  }
0x1b0: {  	s19 =	sor.u32 s8, s28;
	[tilespmem:v4+s3+$0x0] =	vst.idx.add.f32.msk $0xffff, v8  }
0x1b1: {  	v4 =	vld [tilespmem:s19+$0x0]  }
0x1b2: {  	s15 =	sor.u32 $0x8380, s6;
	v6 =	vand.u32 $0xFFFFFF80, v5  }
0x1b3: {  	s20 =	sor.u32 s7, s15;
	v5 =	vand.u32 $0x7F, v5;
	v6 =	vadd.s32 v2, v6  }
0x1b4: {  	v7 =	vld [tilespmem:s20+$0x0];
	v5 =	vor.u32 v5, v6;
	_ =	sdelay $0x1  }
0x1b5: {  	v6 =	vand.u32 $0xFFFFFF80, v4  }
0x1b6: {  	s0 =	sor.u32 s8, s31;
	v4 =	vand.u32 $0x7F, v4;
	v6 =	vadd.s32 v3, v6  }
0x1b7: {  	s16 =	sor.u32 $0x2300, s6;
	v8 =	vld [tilespmem:s0+$0x0];
	v4 =	vor.u32 v4, v6  }
0x1b8: {  	s21 =	sor.u32 s7, s16;
	[tilespmem:v5+s3+$0x0] =	vst.idx.add.f32.msk $0xffff, v7  }
0x1b9: {  	v5 =	vld [tilespmem:s21+$0x0];
	_ =	sdelay $0x2  }
0x1ba: {  	s22 =	sor.u32 s8, s11;
	[tilespmem:v4+s3+$0x0] =	vst.idx.add.f32.msk $0xffff, v8  }
0x1bb: {  	v4 =	vld [tilespmem:s22+$0x0]  }
0x1bc: {  	s23 =	sor.u32 $0x9000, s6;
	v6 =	vand.u32 $0xFFFFFF80, v5  }
0x1bd: {  	s24 =	sor.u32 s7, s23;
	v5 =	vand.u32 $0x7F, v5;
	v6 =	vadd.s32 v2, v6  }
0x1be: {  	v7 =	vld [tilespmem:s24+$0x0];
	v5 =	vor.u32 v5, v6  }
0x1bf: {  	s12 =	simm.s32 $0x100;
	s0 =	simm.s32 $0x30  }
0x1c0: {  	s25 =	sor.u32 s8, s13;
	s10 =	sand.u32 $0xC00, s12;
	s9 =	sand.u32 $0x70, s0;
	v6 =	vand.u32 $0xFFFFFF80, v4  }
0x1c1: {  	s1 =	sor.u32 s9, s10;
	v8 =	vld [tilespmem:s25+$0x0];
	v4 =	vand.u32 $0x7F, v4;
	v6 =	vadd.s32 v3, v6  }
0x1c2: {  	s26 =	sor.u32 $0x2380, s6;
	v4 =	vor.u32 v4, v6;
	v6 =	vld [tilespmem:s1+$0x0]  }
0x1c3: {  	s28 =	sor.u32 s7, s26;
	s13 =	simm.s32 $0x20;
	[tilespmem:v5+s3+$0x0] =	vst.idx.add.f32.msk $0xffff, v7  }
0x1c4: {  	s11 =	sand.u32 $0x60, s13;
	v5 =	vld [tilespmem:s28+$0x0]  }
0x1c5: {  	s2 =	sor.u32 s11, s10;
	v7 =	vmov s0  }
0x1c6: {  	v9 =	vld [tilespmem:s2+$0x0];
	v7 =	vshll.u32 v7, $0x7  }
0x1c7: {  	s14 =	sor.u32 s8, s14;
	s17 =	sor.u32 $0x6100, s10;
	[tilespmem:v4+s3+$0x0] =	vst.idx.add.f32.msk $0xffff, v8;
	v8 =	vand.u32 $0xFFFFFF80, v6;
	v4 =	vor.u32 v1, v7  }
0x1c8: {  	s30 =	sor.u32 s9, s17;
	v6 =	vand.u32 $0x7F, v6;
	v7 =	vld [tilespmem:s14+$0x0];
	v8 =	vadd.s32 v4, v8  }
0x1c9: {  	v10 =	vmov s13;
	s31 =	sor.u32 $0x9080, s6;
	v11 =	vld [tilespmem:s30+$0x0];
	v6 =	vor.u32 v6, v8;
	v8 =	vand.u32 $0xFFFFFF80, v5  }
0x1ca: {  	v10 =	vshll.u32 v10, $0x7;
	s18 =	sor.u32 s7, s31;
	v12 =	vand.u32 $0x7F, v5;
	v8 =	vadd.s32 v2, v8  }
0x1cb: {  	s15 =	sor.u32 s8, s15;
	v17 =	vand.u32 $0xFFFFFF80, v9;
	v5 =	vor.u32 v1, v10;
	v10 =	vld [tilespmem:s18+$0x0];
	v8 =	vor.u32 v12, v8  }
0x1cc: {  	v9 =	vand.u32 $0x7F, v9;
	v13 =	vld [tilespmem:s15+$0x0];
	s18 =	sor.u32 s11, s17;
	v12 =	vadd.s32 v5, v17  }
0x1cd: {  	v15 =	vld [tilespmem:s18+$0x0];
	v14 =	vand.u32 $0xFFFFFF80, v7;
	v9 =	vor.u32 v9, v12  }
0x1ce: {  	v7 =	vand.u32 $0x7F, v7;
	v18 =	vadd.s32 v3, v14;
	[tilespmem:v6+s3+$0x0] =	vst.idx.add.f32.msk $0xffff, v11  }
0x1cf: {  	s15 =	sor.u32 $0x3000, s6;
	v6 =	vor.u32 v7, v18;
	v7 =	vld [tilespmem:s1+$0x80]  }
0x1d0: {  	s19 =	sor.u32 s7, s15;
	[tilespmem:v8+s3+$0x0] =	vst.idx.add.f32.msk $0xffff, v10  }
0x1d1: {  	v8 =	vld [tilespmem:s19+$0x0]  }
0x1d2: {  	[tilespmem:v9+s3+$0x0] =	vst.idx.add.f32.msk $0xffff, v15  }
0x1d3: {  	v9 =	vld [tilespmem:s2+$0x80]  }
0x1d4: {  	s16 =	sor.u32 s8, s16;
	s20 =	sor.u32 $0x6180, s10;
	[tilespmem:v6+s3+$0x0] =	vst.idx.add.f32.msk $0xffff, v13;
	v6 =	vand.u32 $0xFFFFFF80, v7  }
0x1d5: {  	s21 =	sor.u32 s9, s20;
	v7 =	vand.u32 $0x7F, v7;
	v10 =	vld [tilespmem:s16+$0x0];
	v6 =	vadd.s32 v4, v6  }
0x1d6: {  	s17 =	sor.u32 $0x9100, s6;
	v11 =	vld [tilespmem:s21+$0x0];
	v6 =	vor.u32 v7, v6;
	v7 =	vand.u32 $0xFFFFFF80, v8  }
0x1d7: {  	s22 =	sor.u32 s7, s17;
	v8 =	vand.u32 $0x7F, v8;
	v7 =	vadd.s32 v2, v7  }
0x1d8: {  	s5 =	sor.u32 s8, s23;
	s23 =	sor.u32 s11, s20;
	v19 =	vld [tilespmem:s22+$0x0];
	v7 =	vor.u32 v8, v7;
	v8 =	vand.u32 $0xFFFFFF80, v9  }
0x1d9: {  	v15 =	vld [tilespmem:s23+$0x0];
	v9 =	vand.u32 $0x7F, v9;
	v8 =	vadd.s32 v5, v8  }
0x1da: {  	v13 =	vld [tilespmem:s5+$0x0];
	v20 =	vand.u32 $0xFFFFFF80, v10;
	v8 =	vor.u32 v9, v8  }
0x1db: {  	v9 =	vand.u32 $0x7F, v10;
	v10 =	vadd.s32 v3, v20;
	[tilespmem:v6+s3+$0x0] =	vst.idx.add.f32.msk $0xffff, v11  }
0x1dc: {  	s5 =	sor.u32 $0x3080, s6;
	v6 =	vor.u32 v9, v10;
	v9 =	vld [tilespmem:s1+$0x100]  }
0x1dd: {  	s24 =	sor.u32 s7, s5;
	[tilespmem:v7+s3+$0x0] =	vst.idx.add.f32.msk $0xffff, v19  }
0x1de: {  	v7 =	vld [tilespmem:s24+$0x0]  }
0x1df: {  	[tilespmem:v8+s3+$0x0] =	vst.idx.add.f32.msk $0xffff, v15  }
0x1e0: {  	v8 =	vld [tilespmem:s2+$0x100]  }
0x1e1: {  	s4 =	sor.u32 s8, s26;
	s25 =	sor.u32 $0x6200, s10;
	[tilespmem:v6+s3+$0x0] =	vst.idx.add.f32.msk $0xffff, v13;
	v6 =	vand.u32 $0xFFFFFF80, v9  }
0x1e2: {  	s26 =	sor.u32 s9, s25;
	v9 =	vand.u32 $0x7F, v9;
	v10 =	vld [tilespmem:s4+$0x0];
	v6 =	vadd.s32 v4, v6  }
0x1e3: {  	v11 =	vld [tilespmem:s26+$0x0];
	s4 =	sor.u32 $0x9180, s6;
	v6 =	vor.u32 v9, v6;
	v9 =	vand.u32 $0xFFFFFF80, v7  }
0x1e4: {  	s28 =	sor.u32 s7, s4;
	v7 =	vand.u32 $0x7F, v7;
	v9 =	vadd.s32 v2, v9  }
0x1e5: {  	s30 =	sor.u32 s11, s25;
	v12 =	vld [tilespmem:s28+$0x0];
	v7 =	vor.u32 v7, v9;
	v9 =	vand.u32 $0xFFFFFF80, v8  }
0x1e6: {  	s14 =	sor.u32 s8, s31;
	v15 =	vld [tilespmem:s30+$0x0];
	v8 =	vand.u32 $0x7F, v8;
	v9 =	vadd.s32 v5, v9  }
0x1e7: {  	v13 =	vld [tilespmem:s14+$0x0];
	v21 =	vand.u32 $0xFFFFFF80, v10;
	v8 =	vor.u32 v8, v9  }
0x1e8: {  	v9 =	vand.u32 $0x7F, v10;
	v10 =	vadd.s32 v3, v21;
	[tilespmem:v6+s3+$0x0] =	vst.idx.add.f32.msk $0xffff, v11  }
0x1e9: {  	s16 =	sor.u32 $0x3100, s6;
	v6 =	vor.u32 v9, v10;
	v9 =	vld [tilespmem:s1+$0x180]  }
0x1ea: {  	s31 =	sor.u32 s7, s16;
	[tilespmem:v7+s3+$0x0] =	vst.idx.add.f32.msk $0xffff, v12  }
0x1eb: {  	v7 =	vld [tilespmem:s31+$0x0]  }
0x1ec: {  	[tilespmem:v8+s3+$0x0] =	vst.idx.add.f32.msk $0xffff, v15  }
0x1ed: {  	v8 =	vld [tilespmem:s2+$0x180]  }
0x1ee: {  	s18 =	sor.u32 s8, s15;
	s19 =	sor.u32 $0x6280, s10;
	[tilespmem:v6+s3+$0x0] =	vst.idx.add.f32.msk $0xffff, v13;
	v6 =	vand.u32 $0xFFFFFF80, v9  }
0x1ef: {  	s20 =	sor.u32 s9, s19;
	v9 =	vand.u32 $0x7F, v9;
	v10 =	vld [tilespmem:s18+$0x0];
	v6 =	vadd.s32 v4, v6  }
0x1f0: {  	s21 =	sor.u32 $0x9200, s6;
	v11 =	vld [tilespmem:s20+$0x0];
	v6 =	vor.u32 v9, v6;
	v9 =	vand.u32 $0xFFFFFF80, v7  }
0x1f1: {  	s22 =	sor.u32 s7, s21;
	v7 =	vand.u32 $0x7F, v7;
	v9 =	vadd.s32 v2, v9  }
0x1f2: {  	s23 =	sor.u32 s11, s19;
	v23 =	vld [tilespmem:s22+$0x0];
	v22 =	vand.u32 $0xFFFFFF80, v8;
	v7 =	vor.u32 v7, v9  }
0x1f3: {  	s17 =	sor.u32 s8, s17;
	v15 =	vld [tilespmem:s23+$0x0];
	v8 =	vand.u32 $0x7F, v8;
	v12 =	vadd.s32 v5, v22  }
0x1f4: {  	v9 =	vld [tilespmem:s17+$0x0];
	v24 =	vand.u32 $0xFFFFFF80, v10;
	v8 =	vor.u32 v8, v12  }
0x1f5: {  	v10 =	vand.u32 $0x7F, v10;
	v25 =	vadd.s32 v3, v24;
	[tilespmem:v6+s3+$0x0] =	vst.idx.add.f32.msk $0xffff, v11  }
0x1f6: {  	s24 =	sor.u32 $0x3180, s6;
	v6 =	vor.u32 v10, v25;
	v10 =	vld [tilespmem:s1+$0x200]  }
0x1f7: {  	s25 =	sor.u32 s7, s24;
	[tilespmem:v7+s3+$0x0] =	vst.idx.add.f32.msk $0xffff, v23  }
0x1f8: {  	v7 =	vld [tilespmem:s25+$0x0]  }
0x1f9: {  	[tilespmem:v8+s3+$0x0] =	vst.idx.add.f32.msk $0xffff, v15  }
0x1fa: {  	v8 =	vld [tilespmem:s2+$0x200]  }
0x1fb: {  	s5 =	sor.u32 s8, s5;
	s26 =	sor.u32 $0x6300, s10;
	[tilespmem:v6+s3+$0x0] =	vst.idx.add.f32.msk $0xffff, v9;
	v6 =	vand.u32 $0xFFFFFF80, v10  }
0x1fc: {  	s28 =	sor.u32 s9, s26;
	v10 =	vand.u32 $0x7F, v10;
	v9 =	vld [tilespmem:s5+$0x0];
	v6 =	vadd.s32 v4, v6  }
0x1fd: {  	v11 =	vld [tilespmem:s28+$0x0];
	s5 =	sor.u32 $0x9280, s6;
	v6 =	vor.u32 v10, v6;
	v10 =	vand.u32 $0xFFFFFF80, v7  }
0x1fe: {  	s30 =	sor.u32 s7, s5;
	v7 =	vand.u32 $0x7F, v7;
	v10 =	vadd.s32 v2, v10  }
0x1ff: {  	s17 =	sor.u32 s11, s26;
	v13 =	vld [tilespmem:s30+$0x0];
	v26 =	vand.u32 $0xFFFFFF80, v8;
	v7 =	vor.u32 v7, v10  }
0x200: {  	s4 =	sor.u32 s8, s4;
	v27 =	vld [tilespmem:s17+$0x0];
	v8 =	vand.u32 $0x7F, v8;
	v12 =	vadd.s32 v5, v26  }
0x201: {  	v10 =	vld [tilespmem:s4+$0x0];
	v28 =	vand.u32 $0xFFFFFF80, v9;
	v8 =	vor.u32 v8, v12  }
0x202: {  	v9 =	vand.u32 $0x7F, v9;
	v29 =	vadd.s32 v3, v28;
	[tilespmem:v6+s3+$0x0] =	vst.idx.add.f32.msk $0xffff, v11  }
0x203: {  	s4 =	sor.u32 $0x3200, s6;
	v6 =	vor.u32 v9, v29;
	v9 =	vld [tilespmem:s1+$0x280]  }
0x204: {  	s31 =	sor.u32 s7, s4;
	[tilespmem:v7+s3+$0x0] =	vst.idx.add.f32.msk $0xffff, v13  }
0x205: {  	v7 =	vld [tilespmem:s31+$0x0]  }
0x206: {  	[tilespmem:v8+s3+$0x0] =	vst.idx.add.f32.msk $0xffff, v27  }
0x207: {  	v8 =	vld [tilespmem:s2+$0x280]  }
0x208: {  	s16 =	sor.u32 s8, s16;
	s17 =	sor.u32 $0x6380, s10;
	v11 =	vand.u32 $0xFFFFFF80, v9;
	[tilespmem:v6+s3+$0x0] =	vst.idx.add.f32.msk $0xffff, v10  }
0x209: {  	s18 =	sor.u32 s9, s17;
	v6 =	vand.u32 $0x7F, v9;
	v9 =	vadd.s32 v4, v11;
	v10 =	vld [tilespmem:s16+$0x0]  }
0x20a: {  	s25 =	simm.s32 $0x2;
	s1 =	sor.u32 $0x9300, s6;
	v11 =	vld [tilespmem:s18+$0x0];
	v6 =	vor.u32 v6, v9;
	v9 =	vand.u32 $0xFFFFFF80, v7  }
0x20b: {  	s19 =	sand.u32 $0x7, s25;
	s20 =	sor.u32 s7, s1;
	v7 =	vand.u32 $0x7F, v7;
	v9 =	vadd.s32 v2, v9  }
0x20c: {  	s15 =	sor.u32 s8, s21;
	v13 =	vld [tilespmem:s20+$0x0];
	s16 =	sshll.u32 s19, $0x4;
	v30 =	vand.u32 $0xFFFFFF80, v8;
	v7 =	vor.u32 v7, v9  }
0x20d: {  	s2 =	sor.u32 s11, s17;
	v31 =	vld [tilespmem:s15+$0x0];
	s21 =	sadd.s32 $0x100, s16;
	v8 =	vand.u32 $0x7F, v8;
	v12 =	vadd.s32 v5, v30  }
0x20e: {  	v9 =	vld [tilespmem:s2+$0x0];
	s2 =	sadd.s32 $0x10, s21;
	v32 =	vand.u32 $0xFFFFFF80, v10;
	v8 =	vor.u32 v8, v12  }
0x20f: {  	s22 =	simm.s32 $0x1;
	v10 =	vand.u32 $0x7F, v10;
	s2 =	sor.u32 $0x300, s2;
	[tilespmem:v6+s3+$0x0] =	vst.idx.add.f32.msk $0xffff, v11;
	v6 =	vadd.s32 v3, v32  }
0x210: {  	s15 =	sand.u32 $0x3, s22;
	v11 =	vld [tilespmem:s2+$0x0];
	v6 =	vor.u32 v10, v6;
	s2 =	sor.u32 $0x3280, s6  }
0x211: {  	s15 =	sshll.u32 s15, $0x5;
	s23 =	sor.u32 s7, s2;
	[tilespmem:v7+s3+$0x0] =	vst.idx.add.f32.msk $0xffff, v13  }
0x212: {  	s15 =	sadd.s32 $0x100, s15;
	v7 =	vld [tilespmem:s23+$0x0]  }
0x213: {  	s15 =	sor.u32 $0x300, s15;
	[tilespmem:v8+s3+$0x0] =	vst.idx.add.f32.msk $0xffff, v9  }
0x214: {  	v8 =	vld [tilespmem:s15+$0x0]  }
0x215: {  	s14 =	sor.u32 s8, s24;
	s24 =	sor.u32 $0x7000, s10;
	v9 =	vand.u32 $0xFFFFFF80, v11;
	[tilespmem:v6+s3+$0x0] =	vst.idx.add.f32.msk $0xffff, v31  }
0x216: {  	s26 =	sor.u32 s9, s24;
	v6 =	vand.u32 $0x7F, v11;
	v9 =	vadd.s32 v4, v9;
	v10 =	vld [tilespmem:s14+$0x0]  }
0x217: {  	v11 =	vld [tilespmem:s26+$0x0];
	s14 =	sor.u32 $0x9380, s6;
	v6 =	vor.u32 v6, v9;
	v9 =	vand.u32 $0xFFFFFF80, v7  }
0x218: {  	s28 =	sor.u32 s7, s14;
	v7 =	vand.u32 $0x7F, v7;
	v9 =	vadd.s32 v2, v9  }
0x219: {  	s5 =	sor.u32 s8, s5;
	v13 =	vld [tilespmem:s28+$0x0];
	v33 =	vand.u32 $0xFFFFFF80, v8;
	v7 =	vor.u32 v7, v9  }
0x21a: {  	s15 =	sor.u32 s11, s24;
	v14 =	vld [tilespmem:s5+$0x0];
	v8 =	vand.u32 $0x7F, v8;
	v12 =	vadd.s32 v5, v33  }
0x21b: {  	s0 =	sor.u32 s0, s12;
	v9 =	vld [tilespmem:s15+$0x0];
	v34 =	vand.u32 $0xFFFFFF80, v10;
	v8 =	vor.u32 v8, v12  }
0x21c: {  	s0 =	sor.u32 $0x380, s0;
	v10 =	vand.u32 $0x7F, v10;
	[tilespmem:v6+s3+$0x0] =	vst.idx.add.f32.msk $0xffff, v11;
	v6 =	vadd.s32 v3, v34  }
0x21d: {  	s5 =	sor.u32 $0x3300, s6;
	v11 =	vld [tilespmem:s0+$0x0];
	v6 =	vor.u32 v10, v6  }
0x21e: {  	s30 =	sor.u32 s7, s5;
	[tilespmem:v7+s3+$0x0] =	vst.idx.add.f32.msk $0xffff, v13  }
0x21f: {  	s31 =	sor.u32 s13, s12;
	v7 =	vld [tilespmem:s30+$0x0]  }
0x220: {  	s16 =	sor.u32 $0x380, s31;
	[tilespmem:v8+s3+$0x0] =	vst.idx.add.f32.msk $0xffff, v9  }
0x221: {  	v8 =	vld [tilespmem:s16+$0x0]  }
0x222: {  	s17 =	sor.u32 s8, s4;
	s18 =	sor.u32 $0x7080, s10;
	v9 =	vand.u32 $0xFFFFFF80, v11;
	[tilespmem:v6+s3+$0x0] =	vst.idx.add.f32.msk $0xffff, v14  }
0x223: {  	s19 =	sor.u32 s9, s18;
	v6 =	vand.u32 $0x7F, v11;
	v9 =	vadd.s32 v4, v9;
	v10 =	vld [tilespmem:s17+$0x0]  }
0x224: {  	s0 =	sor.u32 $0xA000, s6;
	v11 =	vld [tilespmem:s19+$0x0];
	v6 =	vor.u32 v6, v9;
	v9 =	vand.u32 $0xFFFFFF80, v7  }
0x225: {  	s20 =	sor.u32 s7, s0;
	v7 =	vand.u32 $0x7F, v7;
	v9 =	vadd.s32 v2, v9  }
0x226: {  	s1 =	sor.u32 s8, s1;
	v13 =	vld [tilespmem:s20+$0x0];
	v35 =	vand.u32 $0xFFFFFF80, v8;
	v7 =	vor.u32 v7, v9  }
0x227: {  	s4 =	sor.u32 s11, s18;
	v14 =	vld [tilespmem:s1+$0x0];
	v8 =	vand.u32 $0x7F, v8;
	v12 =	vadd.s32 v5, v35  }
0x228: {  	s21 =	sor.u32 $0x1000, s10;
	v9 =	vld [tilespmem:s4+$0x0];
	v36 =	vand.u32 $0xFFFFFF80, v10;
	v8 =	vor.u32 v8, v12  }
0x229: {  	s22 =	sor.u32 s9, s21;
	v10 =	vand.u32 $0x7F, v10;
	[tilespmem:v6+s3+$0x0] =	vst.idx.add.f32.msk $0xffff, v11;
	v6 =	vadd.s32 v3, v36  }
0x22a: {  	s4 =	sor.u32 $0x3380, s6;
	v11 =	vld [tilespmem:s22+$0x0];
	v6 =	vor.u32 v10, v6  }
0x22b: {  	s23 =	sor.u32 s7, s4;
	[tilespmem:v7+s3+$0x0] =	vst.idx.add.f32.msk $0xffff, v13  }
0x22c: {  	v7 =	vld [tilespmem:s23+$0x0]  }
0x22d: {  	s1 =	sor.u32 s11, s21;
	[tilespmem:v8+s3+$0x0] =	vst.idx.add.f32.msk $0xffff, v9  }
0x22e: {  	v8 =	vld [tilespmem:s1+$0x0]  }
0x22f: {  	s24 =	sor.u32 s8, s2;
	s26 =	sor.u32 $0x7100, s10;
	v9 =	vand.u32 $0xFFFFFF80, v11;
	[tilespmem:v6+s3+$0x0] =	vst.idx.add.f32.msk $0xffff, v14  }
0x230: {  	s28 =	sor.u32 s9, s26;
	v6 =	vand.u32 $0x7F, v11;
	v9 =	vadd.s32 v4, v9;
	v10 =	vld [tilespmem:s24+$0x0]  }
0x231: {  	v11 =	vld [tilespmem:s28+$0x0];
	s1 =	sor.u32 $0xA080, s6;
	v6 =	vor.u32 v6, v9;
	v9 =	vand.u32 $0xFFFFFF80, v7  }
0x232: {  	s30 =	sor.u32 s7, s1;
	v7 =	vand.u32 $0x7F, v7;
	v9 =	vadd.s32 v2, v9  }
0x233: {  	s14 =	sor.u32 s8, s14;
	v13 =	vld [tilespmem:s30+$0x0];
	v37 =	vand.u32 $0xFFFFFF80, v8;
	v7 =	vor.u32 v7, v9  }
0x234: {  	s2 =	sor.u32 s11, s26;
	v14 =	vld [tilespmem:s14+$0x0];
	v8 =	vand.u32 $0x7F, v8;
	v12 =	vadd.s32 v5, v37  }
0x235: {  	s31 =	sor.u32 $0x1080, s10;
	v9 =	vld [tilespmem:s2+$0x0];
	v38 =	vand.u32 $0xFFFFFF80, v10;
	v8 =	vor.u32 v8, v12  }
0x236: {  	s15 =	sor.u32 s9, s31;
	v10 =	vand.u32 $0x7F, v10;
	[tilespmem:v6+s3+$0x0] =	vst.idx.add.f32.msk $0xffff, v11;
	v6 =	vadd.s32 v3, v38  }
0x237: {  	s14 =	sor.u32 $0x4000, s6;
	v11 =	vld [tilespmem:s15+$0x0];
	v6 =	vor.u32 v10, v6  }
0x238: {  	s16 =	sor.u32 s7, s14;
	[tilespmem:v7+s3+$0x0] =	vst.idx.add.f32.msk $0xffff, v13  }
0x239: {  	v7 =	vld [tilespmem:s16+$0x0]  }
0x23a: {  	s2 =	sor.u32 s11, s31;
	[tilespmem:v8+s3+$0x0] =	vst.idx.add.f32.msk $0xffff, v9  }
0x23b: {  	v8 =	vld [tilespmem:s2+$0x0]  }
0x23c: {  	s18 =	sor.u32 $0x7180, s10;
	s17 =	sor.u32 s8, s5;
	v9 =	vand.u32 $0xFFFFFF80, v11;
	[tilespmem:v6+s3+$0x0] =	vst.idx.add.f32.msk $0xffff, v14  }
0x23d: {  	s19 =	sor.u32 s9, s18;
	v6 =	vand.u32 $0x7F, v11;
	v9 =	vadd.s32 v4, v9;
	v10 =	vld [tilespmem:s17+$0x0]  }
0x23e: {  	v11 =	vld [tilespmem:s19+$0x0];
	s2 =	sor.u32 $0xA100, s6;
	v6 =	vor.u32 v6, v9;
	v9 =	vand.u32 $0xFFFFFF80, v7  }
0x23f: {  	s20 =	sor.u32 s7, s2;
	v7 =	vand.u32 $0x7F, v7;
	v9 =	vadd.s32 v2, v9  }
0x240: {  	s0 =	sor.u32 s8, s0;
	v13 =	vld [tilespmem:s20+$0x0];
	v39 =	vand.u32 $0xFFFFFF80, v8;
	v7 =	vor.u32 v7, v9  }
0x241: {  	s5 =	sor.u32 s11, s18;
	v14 =	vld [tilespmem:s0+$0x0];
	v8 =	vand.u32 $0x7F, v8;
	v12 =	vadd.s32 v5, v39  }
0x242: {  	s21 =	sor.u32 $0x1100, s10;
	v9 =	vld [tilespmem:s5+$0x0];
	v40 =	vand.u32 $0xFFFFFF80, v10;
	v8 =	vor.u32 v8, v12  }
0x243: {  	s22 =	sor.u32 s9, s21;
	v10 =	vand.u32 $0x7F, v10;
	[tilespmem:v6+s3+$0x0] =	vst.idx.add.f32.msk $0xffff, v11;
	v6 =	vadd.s32 v3, v40  }
0x244: {  	s5 =	sor.u32 $0x4080, s6;
	v11 =	vld [tilespmem:s22+$0x0];
	v6 =	vor.u32 v10, v6  }
0x245: {  	s23 =	sor.u32 s7, s5;
	[tilespmem:v7+s3+$0x0] =	vst.idx.add.f32.msk $0xffff, v13  }
0x246: {  	v7 =	vld [tilespmem:s23+$0x0]  }
0x247: {  	s0 =	sor.u32 s11, s21;
	[tilespmem:v8+s3+$0x0] =	vst.idx.add.f32.msk $0xffff, v9  }
0x248: {  	v8 =	vld [tilespmem:s0+$0x0]  }
0x249: {  	s26 =	sor.u32 $0x7200, s10;
	s24 =	sor.u32 s8, s4;
	v9 =	vand.u32 $0xFFFFFF80, v11;
	[tilespmem:v6+s3+$0x0] =	vst.idx.add.f32.msk $0xffff, v14  }
0x24a: {  	s28 =	sor.u32 s9, s26;
	v6 =	vand.u32 $0x7F, v11;
	v9 =	vadd.s32 v4, v9;
	v10 =	vld [tilespmem:s24+$0x0]  }
0x24b: {  	v11 =	vld [tilespmem:s28+$0x0];
	s0 =	sor.u32 $0xA180, s6;
	v6 =	vor.u32 v6, v9;
	v9 =	vand.u32 $0xFFFFFF80, v7  }
0x24c: {  	s30 =	sor.u32 s7, s0;
	v7 =	vand.u32 $0x7F, v7;
	v9 =	vadd.s32 v2, v9  }
0x24d: {  	s1 =	sor.u32 s8, s1;
	v13 =	vld [tilespmem:s30+$0x0];
	v41 =	vand.u32 $0xFFFFFF80, v8;
	v7 =	vor.u32 v7, v9  }
0x24e: {  	s4 =	sor.u32 s11, s26;
	v14 =	vld [tilespmem:s1+$0x0];
	v8 =	vand.u32 $0x7F, v8;
	v12 =	vadd.s32 v5, v41  }
0x24f: {  	s31 =	sor.u32 $0x1180, s10;
	v9 =	vld [tilespmem:s4+$0x0];
	v42 =	vand.u32 $0xFFFFFF80, v10;
	v8 =	vor.u32 v8, v12  }
0x250: {  	s15 =	sor.u32 s9, s31;
	v10 =	vand.u32 $0x7F, v10;
	[tilespmem:v6+s3+$0x0] =	vst.idx.add.f32.msk $0xffff, v11;
	v6 =	vadd.s32 v3, v42  }
0x251: {  	s4 =	sor.u32 $0x4100, s6;
	v11 =	vld [tilespmem:s15+$0x0];
	v6 =	vor.u32 v10, v6  }
0x252: {  	s16 =	sor.u32 s7, s4;
	[tilespmem:v7+s3+$0x0] =	vst.idx.add.f32.msk $0xffff, v13  }
0x253: {  	v7 =	vld [tilespmem:s16+$0x0]  }
0x254: {  	s1 =	sor.u32 s11, s31;
	[tilespmem:v8+s3+$0x0] =	vst.idx.add.f32.msk $0xffff, v9  }
0x255: {  	v8 =	vld [tilespmem:s1+$0x0]  }
0x256: {  	s18 =	sor.u32 $0x7280, s10;
	s17 =	sor.u32 s8, s14;
	v9 =	vand.u32 $0xFFFFFF80, v11;
	[tilespmem:v6+s3+$0x0] =	vst.idx.add.f32.msk $0xffff, v14  }
0x257: {  	s19 =	sor.u32 s9, s18;
	v6 =	vand.u32 $0x7F, v11;
	v9 =	vadd.s32 v4, v9;
	v10 =	vld [tilespmem:s17+$0x0]  }
0x258: {  	v11 =	vld [tilespmem:s19+$0x0];
	s1 =	sor.u32 $0xA200, s6;
	v6 =	vor.u32 v6, v9;
	v9 =	vand.u32 $0xFFFFFF80, v7  }
0x259: {  	s20 =	sor.u32 s7, s1;
	v7 =	vand.u32 $0x7F, v7;
	v9 =	vadd.s32 v2, v9  }
0x25a: {  	s2 =	sor.u32 s8, s2;
	v13 =	vld [tilespmem:s20+$0x0];
	v43 =	vand.u32 $0xFFFFFF80, v8;
	v7 =	vor.u32 v7, v9  }
0x25b: {  	s14 =	sor.u32 s11, s18;
	v14 =	vld [tilespmem:s2+$0x0];
	v8 =	vand.u32 $0x7F, v8;
	v12 =	vadd.s32 v5, v43  }
0x25c: {  	s21 =	sor.u32 $0x1200, s10;
	v9 =	vld [tilespmem:s14+$0x0];
	v44 =	vand.u32 $0xFFFFFF80, v10;
	v8 =	vor.u32 v8, v12  }
0x25d: {  	s22 =	sor.u32 s9, s21;
	v10 =	vand.u32 $0x7F, v10;
	[tilespmem:v6+s3+$0x0] =	vst.idx.add.f32.msk $0xffff, v11;
	v6 =	vadd.s32 v3, v44  }
0x25e: {  	s14 =	sor.u32 $0x4180, s6;
	v11 =	vld [tilespmem:s22+$0x0];
	v6 =	vor.u32 v10, v6  }
0x25f: {  	s23 =	sor.u32 s7, s14;
	[tilespmem:v7+s3+$0x0] =	vst.idx.add.f32.msk $0xffff, v13  }
0x260: {  	v7 =	vld [tilespmem:s23+$0x0]  }
0x261: {  	s2 =	sor.u32 s11, s21;
	[tilespmem:v8+s3+$0x0] =	vst.idx.add.f32.msk $0xffff, v9  }
0x262: {  	v8 =	vld [tilespmem:s2+$0x0]  }
0x263: {  	s26 =	sor.u32 $0x7300, s10;
	s24 =	sor.u32 s8, s5;
	v9 =	vand.u32 $0xFFFFFF80, v11;
	[tilespmem:v6+s3+$0x0] =	vst.idx.add.f32.msk $0xffff, v14  }
0x264: {  	s28 =	sor.u32 s9, s26;
	v6 =	vand.u32 $0x7F, v11;
	v9 =	vadd.s32 v4, v9;
	v10 =	vld [tilespmem:s24+$0x0]  }
0x265: {  	v11 =	vld [tilespmem:s28+$0x0];
	s2 =	sor.u32 $0xA280, s6;
	v6 =	vor.u32 v6, v9;
	v9 =	vand.u32 $0xFFFFFF80, v7  }
0x266: {  	s30 =	sor.u32 s7, s2;
	v7 =	vand.u32 $0x7F, v7;
	v9 =	vadd.s32 v2, v9  }
0x267: {  	s0 =	sor.u32 s8, s0;
	v13 =	vld [tilespmem:s30+$0x0];
	v45 =	vand.u32 $0xFFFFFF80, v8;
	v7 =	vor.u32 v7, v9  }
0x268: {  	s5 =	sor.u32 s11, s26;
	v14 =	vld [tilespmem:s0+$0x0];
	v8 =	vand.u32 $0x7F, v8;
	v12 =	vadd.s32 v5, v45  }
0x269: {  	s31 =	sor.u32 $0x1280, s10;
	v9 =	vld [tilespmem:s5+$0x0];
	v46 =	vand.u32 $0xFFFFFF80, v10;
	v8 =	vor.u32 v8, v12  }
0x26a: {  	s15 =	sor.u32 s9, s31;
	v10 =	vand.u32 $0x7F, v10;
	[tilespmem:v6+s3+$0x0] =	vst.idx.add.f32.msk $0xffff, v11;
	v6 =	vadd.s32 v3, v46  }
0x26b: {  	s5 =	sor.u32 $0x4200, s6;
	v11 =	vld [tilespmem:s15+$0x0];
	v6 =	vor.u32 v10, v6  }
0x26c: {  	s16 =	sor.u32 s7, s5;
	[tilespmem:v7+s3+$0x0] =	vst.idx.add.f32.msk $0xffff, v13  }
0x26d: {  	v7 =	vld [tilespmem:s16+$0x0]  }
0x26e: {  	s0 =	sor.u32 s11, s31;
	[tilespmem:v8+s3+$0x0] =	vst.idx.add.f32.msk $0xffff, v9  }
0x26f: {  	v8 =	vld [tilespmem:s0+$0x0]  }
0x270: {  	s18 =	sor.u32 $0x7380, s10;
	s17 =	sor.u32 s8, s4;
	v9 =	vand.u32 $0xFFFFFF80, v11;
	[tilespmem:v6+s3+$0x0] =	vst.idx.add.f32.msk $0xffff, v14  }
0x271: {  	s19 =	sor.u32 s9, s18;
	v6 =	vand.u32 $0x7F, v11;
	v9 =	vadd.s32 v4, v9;
	v10 =	vld [tilespmem:s17+$0x0]  }
0x272: {  	v11 =	vld [tilespmem:s19+$0x0];
	s0 =	sor.u32 $0xA300, s6;
	v6 =	vor.u32 v6, v9;
	v9 =	vand.u32 $0xFFFFFF80, v7  }
0x273: {  	s20 =	sor.u32 s7, s0;
	v7 =	vand.u32 $0x7F, v7;
	v9 =	vadd.s32 v2, v9  }
0x274: {  	s1 =	sor.u32 s8, s1;
	v13 =	vld [tilespmem:s20+$0x0];
	v47 =	vand.u32 $0xFFFFFF80, v8;
	v7 =	vor.u32 v7, v9  }
0x275: {  	s4 =	sor.u32 s11, s18;
	v14 =	vld [tilespmem:s1+$0x0];
	v8 =	vand.u32 $0x7F, v8;
	v12 =	vadd.s32 v5, v47  }
0x276: {  	s21 =	sor.u32 $0x1300, s10;
	v9 =	vld [tilespmem:s4+$0x0];
	v48 =	vand.u32 $0xFFFFFF80, v10;
	v8 =	vor.u32 v8, v12  }
0x277: {  	s22 =	sor.u32 s9, s21;
	v10 =	vand.u32 $0x7F, v10;
	[tilespmem:v6+s3+$0x0] =	vst.idx.add.f32.msk $0xffff, v11;
	v6 =	vadd.s32 v3, v48  }
0x278: {  	s4 =	sor.u32 $0x4280, s6;
	v11 =	vld [tilespmem:s22+$0x0];
	v6 =	vor.u32 v10, v6  }
0x279: {  	s23 =	sor.u32 s7, s4;
	[tilespmem:v7+s3+$0x0] =	vst.idx.add.f32.msk $0xffff, v13  }
0x27a: {  	v7 =	vld [tilespmem:s23+$0x0]  }
0x27b: {  	s1 =	sor.u32 s11, s21;
	[tilespmem:v8+s3+$0x0] =	vst.idx.add.f32.msk $0xffff, v9  }
0x27c: {  	v8 =	vld [tilespmem:s1+$0x0]  }
0x27d: {  	s26 =	sor.u32 $0x8000, s10;
	s24 =	sor.u32 s8, s14;
	v9 =	vand.u32 $0xFFFFFF80, v11;
	[tilespmem:v6+s3+$0x0] =	vst.idx.add.f32.msk $0xffff, v14  }
0x27e: {  	s28 =	sor.u32 s9, s26;
	v6 =	vand.u32 $0x7F, v11;
	v9 =	vadd.s32 v4, v9;
	v10 =	vld [tilespmem:s24+$0x0]  }
0x27f: {  	v11 =	vld [tilespmem:s28+$0x0];
	s1 =	sor.u32 $0xA380, s6;
	v6 =	vor.u32 v6, v9;
	v9 =	vand.u32 $0xFFFFFF80, v7  }
0x280: {  	s30 =	sor.u32 s7, s1;
	v7 =	vand.u32 $0x7F, v7;
	v9 =	vadd.s32 v2, v9  }
0x281: {  	s2 =	sor.u32 s8, s2;
	v13 =	vld [tilespmem:s30+$0x0];
	v49 =	vand.u32 $0xFFFFFF80, v8;
	v7 =	vor.u32 v7, v9  }
0x282: {  	s14 =	sor.u32 s11, s26;
	v14 =	vld [tilespmem:s2+$0x0];
	v8 =	vand.u32 $0x7F, v8;
	v12 =	vadd.s32 v5, v49  }
0x283: {  	s31 =	sor.u32 $0x1380, s10;
	v9 =	vld [tilespmem:s14+$0x0];
	v50 =	vand.u32 $0xFFFFFF80, v10;
	v8 =	vor.u32 v8, v12  }
0x284: {  	s15 =	sor.u32 s9, s31;
	v10 =	vand.u32 $0x7F, v10;
	[tilespmem:v6+s3+$0x0] =	vst.idx.add.f32.msk $0xffff, v11;
	v6 =	vadd.s32 v3, v50  }
0x285: {  	s14 =	sor.u32 $0x4300, s6;
	v11 =	vld [tilespmem:s15+$0x0];
	v6 =	vor.u32 v10, v6  }
0x286: {  	s16 =	sor.u32 s7, s14;
	[tilespmem:v7+s3+$0x0] =	vst.idx.add.f32.msk $0xffff, v13  }
0x287: {  	v7 =	vld [tilespmem:s16+$0x0]  }
0x288: {  	s2 =	sor.u32 s11, s31;
	[tilespmem:v8+s3+$0x0] =	vst.idx.add.f32.msk $0xffff, v9  }
0x289: {  	v8 =	vld [tilespmem:s2+$0x0]  }
0x28a: {  	s18 =	sor.u32 $0x8080, s10;
	s17 =	sor.u32 s8, s5;
	v9 =	vand.u32 $0xFFFFFF80, v11;
	[tilespmem:v6+s3+$0x0] =	vst.idx.add.f32.msk $0xffff, v14  }
0x28b: {  	s19 =	sor.u32 s9, s18;
	v6 =	vand.u32 $0x7F, v11;
	v9 =	vadd.s32 v4, v9;
	v10 =	vld [tilespmem:s17+$0x0]  }
0x28c: {  	v11 =	vld [tilespmem:s19+$0x0];
	s2 =	sor.u32 $0xB000, s6;
	v6 =	vor.u32 v6, v9;
	v9 =	vand.u32 $0xFFFFFF80, v7  }
0x28d: {  	s20 =	sor.u32 s7, s2;
	v7 =	vand.u32 $0x7F, v7;
	v9 =	vadd.s32 v2, v9  }
0x28e: {  	s0 =	sor.u32 s8, s0;
	v13 =	vld [tilespmem:s20+$0x0];
	v51 =	vand.u32 $0xFFFFFF80, v8;
	v7 =	vor.u32 v7, v9  }
0x28f: {  	s5 =	sor.u32 s11, s18;
	v14 =	vld [tilespmem:s0+$0x0];
	v8 =	vand.u32 $0x7F, v8;
	v12 =	vadd.s32 v5, v51  }
0x290: {  	s21 =	sor.u32 $0x2000, s10;
	v9 =	vld [tilespmem:s5+$0x0];
	v52 =	vand.u32 $0xFFFFFF80, v10;
	v8 =	vor.u32 v8, v12  }
0x291: {  	s22 =	sor.u32 s9, s21;
	v10 =	vand.u32 $0x7F, v10;
	[tilespmem:v6+s3+$0x0] =	vst.idx.add.f32.msk $0xffff, v11;
	v6 =	vadd.s32 v3, v52  }
0x292: {  	s5 =	sor.u32 $0x4380, s6;
	v11 =	vld [tilespmem:s22+$0x0];
	v6 =	vor.u32 v10, v6  }
0x293: {  	s23 =	sor.u32 s7, s5;
	[tilespmem:v7+s3+$0x0] =	vst.idx.add.f32.msk $0xffff, v13  }
0x294: {  	v7 =	vld [tilespmem:s23+$0x0]  }
0x295: {  	s0 =	sor.u32 s11, s21;
	[tilespmem:v8+s3+$0x0] =	vst.idx.add.f32.msk $0xffff, v9  }
0x296: {  	v8 =	vld [tilespmem:s0+$0x0]  }
0x297: {  	s26 =	sor.u32 $0x8100, s10;
	s24 =	sor.u32 s8, s4;
	v9 =	vand.u32 $0xFFFFFF80, v11;
	[tilespmem:v6+s3+$0x0] =	vst.idx.add.f32.msk $0xffff, v14  }
0x298: {  	s28 =	sor.u32 s9, s26;
	v6 =	vand.u32 $0x7F, v11;
	v9 =	vadd.s32 v4, v9;
	v10 =	vld [tilespmem:s24+$0x0]  }
0x299: {  	v11 =	vld [tilespmem:s28+$0x0];
	s0 =	sor.u32 $0xB080, s6;
	v6 =	vor.u32 v6, v9;
	v9 =	vand.u32 $0xFFFFFF80, v7  }
0x29a: {  	s30 =	sor.u32 s7, s0;
	v7 =	vand.u32 $0x7F, v7;
	v9 =	vadd.s32 v2, v9  }
0x29b: {  	s1 =	sor.u32 s8, s1;
	v13 =	vld [tilespmem:s30+$0x0];
	v53 =	vand.u32 $0xFFFFFF80, v8;
	v7 =	vor.u32 v7, v9  }
0x29c: {  	s4 =	sor.u32 s11, s26;
	v14 =	vld [tilespmem:s1+$0x0];
	v8 =	vand.u32 $0x7F, v8;
	v12 =	vadd.s32 v5, v53  }
0x29d: {  	s31 =	sor.u32 $0x2080, s10;
	v9 =	vld [tilespmem:s4+$0x0];
	v54 =	vand.u32 $0xFFFFFF80, v10;
	v8 =	vor.u32 v8, v12  }
0x29e: {  	s15 =	sor.u32 s9, s31;
	v10 =	vand.u32 $0x7F, v10;
	[tilespmem:v6+s3+$0x0] =	vst.idx.add.f32.msk $0xffff, v11;
	v6 =	vadd.s32 v3, v54  }
0x29f: {  	s4 =	sor.u32 $0x5000, s6;
	v11 =	vld [tilespmem:s15+$0x0];
	v6 =	vor.u32 v10, v6  }
0x2a0: {  	s16 =	sor.u32 s7, s4;
	[tilespmem:v7+s3+$0x0] =	vst.idx.add.f32.msk $0xffff, v13  }
0x2a1: {  	v7 =	vld [tilespmem:s16+$0x0]  }
0x2a2: {  	s1 =	sor.u32 s11, s31;
	[tilespmem:v8+s3+$0x0] =	vst.idx.add.f32.msk $0xffff, v9  }
0x2a3: {  	v8 =	vld [tilespmem:s1+$0x0]  }
0x2a4: {  	s18 =	sor.u32 $0x8180, s10;
	s17 =	sor.u32 s8, s14;
	v9 =	vand.u32 $0xFFFFFF80, v11;
	[tilespmem:v6+s3+$0x0] =	vst.idx.add.f32.msk $0xffff, v14  }
0x2a5: {  	s19 =	sor.u32 s9, s18;
	v6 =	vand.u32 $0x7F, v11;
	v9 =	vadd.s32 v4, v9;
	v10 =	vld [tilespmem:s17+$0x0]  }
0x2a6: {  	v11 =	vld [tilespmem:s19+$0x0];
	s1 =	sor.u32 $0xB100, s6;
	v6 =	vor.u32 v6, v9;
	v9 =	vand.u32 $0xFFFFFF80, v7  }
0x2a7: {  	s20 =	sor.u32 s7, s1;
	v7 =	vand.u32 $0x7F, v7;
	v9 =	vadd.s32 v2, v9  }
0x2a8: {  	s2 =	sor.u32 s8, s2;
	v13 =	vld [tilespmem:s20+$0x0];
	v55 =	vand.u32 $0xFFFFFF80, v8;
	v7 =	vor.u32 v7, v9  }
0x2a9: {  	s14 =	sor.u32 s11, s18;
	v14 =	vld [tilespmem:s2+$0x0];
	v8 =	vand.u32 $0x7F, v8;
	v12 =	vadd.s32 v5, v55  }
0x2aa: {  	s21 =	sor.u32 $0x2100, s10;
	v9 =	vld [tilespmem:s14+$0x0];
	v56 =	vand.u32 $0xFFFFFF80, v10;
	v8 =	vor.u32 v8, v12  }
0x2ab: {  	s22 =	sor.u32 s9, s21;
	v10 =	vand.u32 $0x7F, v10;
	[tilespmem:v6+s3+$0x0] =	vst.idx.add.f32.msk $0xffff, v11;
	v6 =	vadd.s32 v3, v56  }
0x2ac: {  	s14 =	sor.u32 $0x5080, s6;
	v11 =	vld [tilespmem:s22+$0x0];
	v6 =	vor.u32 v10, v6  }
0x2ad: {  	s23 =	sor.u32 s7, s14;
	[tilespmem:v7+s3+$0x0] =	vst.idx.add.f32.msk $0xffff, v13  }
0x2ae: {  	v7 =	vld [tilespmem:s23+$0x0]  }
0x2af: {  	s2 =	sor.u32 s11, s21;
	[tilespmem:v8+s3+$0x0] =	vst.idx.add.f32.msk $0xffff, v9  }
0x2b0: {  	v8 =	vld [tilespmem:s2+$0x0]  }
0x2b1: {  	s26 =	sor.u32 $0x8200, s10;
	s24 =	sor.u32 s8, s5;
	v9 =	vand.u32 $0xFFFFFF80, v11;
	[tilespmem:v6+s3+$0x0] =	vst.idx.add.f32.msk $0xffff, v14  }
0x2b2: {  	s28 =	sor.u32 s9, s26;
	v6 =	vand.u32 $0x7F, v11;
	v9 =	vadd.s32 v4, v9;
	v10 =	vld [tilespmem:s24+$0x0]  }
0x2b3: {  	v11 =	vld [tilespmem:s28+$0x0];
	s2 =	sor.u32 $0xB180, s6;
	v6 =	vor.u32 v6, v9;
	v9 =	vand.u32 $0xFFFFFF80, v7  }
0x2b4: {  	s30 =	sor.u32 s7, s2;
	v7 =	vand.u32 $0x7F, v7;
	v9 =	vadd.s32 v2, v9  }
0x2b5: {  	s0 =	sor.u32 s8, s0;
	v13 =	vld [tilespmem:s30+$0x0];
	v57 =	vand.u32 $0xFFFFFF80, v8;
	v7 =	vor.u32 v7, v9  }
0x2b6: {  	s5 =	sor.u32 s11, s26;
	v14 =	vld [tilespmem:s0+$0x0];
	v8 =	vand.u32 $0x7F, v8;
	v12 =	vadd.s32 v5, v57  }
0x2b7: {  	s31 =	sor.u32 $0x2180, s10;
	v9 =	vld [tilespmem:s5+$0x0];
	v58 =	vand.u32 $0xFFFFFF80, v10;
	v8 =	vor.u32 v8, v12  }
0x2b8: {  	s16 =	sor.u32 s9, s31;
	v10 =	vand.u32 $0x7F, v10;
	[tilespmem:v6+s3+$0x0] =	vst.idx.add.f32.msk $0xffff, v11;
	v6 =	vadd.s32 v3, v58  }
0x2b9: {  	s5 =	sor.u32 $0x5100, s6;
	v11 =	vld [tilespmem:s16+$0x0];
	v6 =	vor.u32 v10, v6  }
0x2ba: {  	s17 =	sor.u32 s7, s5;
	[tilespmem:v7+s3+$0x0] =	vst.idx.add.f32.msk $0xffff, v13  }
0x2bb: {  	v7 =	vld [tilespmem:s17+$0x0]  }
0x2bc: {  	s0 =	sor.u32 s11, s31;
	[tilespmem:v8+s3+$0x0] =	vst.idx.add.f32.msk $0xffff, v9  }
0x2bd: {  	v8 =	vld [tilespmem:s0+$0x0]  }
0x2be: {  	s18 =	sor.u32 s8, s4;
	s19 =	sor.u32 $0x8280, s10;
	v9 =	vand.u32 $0xFFFFFF80, v11;
	[tilespmem:v6+s3+$0x0] =	vst.idx.add.f32.msk $0xffff, v14  }
0x2bf: {  	s20 =	sor.u32 s9, s19;
	v6 =	vand.u32 $0x7F, v11;
	v9 =	vadd.s32 v4, v9;
	v10 =	vld [tilespmem:s18+$0x0]  }
0x2c0: {  	v11 =	vld [tilespmem:s20+$0x0];
	s0 =	sor.u32 $0xB200, s6;
	v6 =	vor.u32 v6, v9;
	v9 =	vand.u32 $0xFFFFFF80, v7  }
0x2c1: {  	s21 =	sor.u32 s7, s0;
	v7 =	vand.u32 $0x7F, v7;
	v9 =	vadd.s32 v2, v9  }
0x2c2: {  	s1 =	sor.u32 s8, s1;
	v13 =	vld [tilespmem:s21+$0x0];
	v59 =	vand.u32 $0xFFFFFF80, v8;
	v7 =	vor.u32 v7, v9  }
0x2c3: {  	s4 =	sor.u32 s11, s19;
	v14 =	vld [tilespmem:s1+$0x0];
	v8 =	vand.u32 $0x7F, v8;
	v12 =	vadd.s32 v5, v59  }
0x2c4: {  	s22 =	sor.u32 $0x2200, s10;
	v9 =	vld [tilespmem:s4+$0x0];
	v60 =	vand.u32 $0xFFFFFF80, v10;
	v8 =	vor.u32 v8, v12  }
0x2c5: {  	s23 =	sor.u32 s9, s22;
	v10 =	vand.u32 $0x7F, v10;
	[tilespmem:v6+s3+$0x0] =	vst.idx.add.f32.msk $0xffff, v11;
	v6 =	vadd.s32 v3, v60  }
0x2c6: {  	s1 =	sor.u32 $0x5180, s6;
	v11 =	vld [tilespmem:s23+$0x0];
	v6 =	vor.u32 v10, v6  }
0x2c7: {  	s24 =	sor.u32 s7, s1;
	[tilespmem:v7+s3+$0x0] =	vst.idx.add.f32.msk $0xffff, v13  }
0x2c8: {  	v7 =	vld [tilespmem:s24+$0x0]  }
0x2c9: {  	s4 =	sor.u32 s11, s22;
	[tilespmem:v8+s3+$0x0] =	vst.idx.add.f32.msk $0xffff, v9  }
0x2ca: {  	v8 =	vld [tilespmem:s4+$0x0]  }
0x2cb: {  	s26 =	sor.u32 s8, s14;
	s28 =	sor.u32 $0x8300, s10;
	v9 =	vand.u32 $0xFFFFFF80, v11;
	[tilespmem:v6+s3+$0x0] =	vst.idx.add.f32.msk $0xffff, v14  }
0x2cc: {  	s30 =	sor.u32 s9, s28;
	v6 =	vand.u32 $0x7F, v11;
	v9 =	vadd.s32 v4, v9;
	v10 =	vld [tilespmem:s26+$0x0]  }
0x2cd: {  	v11 =	vld [tilespmem:s30+$0x0];
	s4 =	sor.u32 $0xB280, s6;
	v6 =	vor.u32 v6, v9;
	v9 =	vand.u32 $0xFFFFFF80, v7  }
0x2ce: {  	s31 =	sor.u32 s7, s4;
	v7 =	vand.u32 $0x7F, v7;
	v9 =	vadd.s32 v2, v9  }
0x2cf: {  	s2 =	sor.u32 s8, s2;
	v13 =	vld [tilespmem:s31+$0x0];
	v61 =	vand.u32 $0xFFFFFF80, v8;
	v7 =	vor.u32 v7, v9  }
0x2d0: {  	s14 =	sor.u32 s11, s28;
	v14 =	vld [tilespmem:s2+$0x0];
	v8 =	vand.u32 $0x7F, v8;
	v12 =	vadd.s32 v5, v61  }
0x2d1: {  	s16 =	sor.u32 $0x2280, s10;
	v9 =	vld [tilespmem:s14+$0x0];
	v62 =	vand.u32 $0xFFFFFF80, v10;
	v8 =	vor.u32 v8, v12  }
0x2d2: {  	s17 =	sor.u32 s9, s16;
	v10 =	vand.u32 $0x7F, v10;
	[tilespmem:v6+s3+$0x0] =	vst.idx.add.f32.msk $0xffff, v11;
	v6 =	vadd.s32 v3, v62  }
0x2d3: {  	s18 =	sor.u32 $0x5200, s6;
	v11 =	vld [tilespmem:s17+$0x0];
	v6 =	vor.u32 v10, v6  }
0x2d4: {  	s19 =	sor.u32 s7, s18;
	[tilespmem:v7+s3+$0x0] =	vst.idx.add.f32.msk $0xffff, v13  }
0x2d5: {  	v7 =	vld [tilespmem:s19+$0x0]  }
0x2d6: {  	s2 =	sor.u32 s11, s16;
	[tilespmem:v8+s3+$0x0] =	vst.idx.add.f32.msk $0xffff, v9  }
0x2d7: {  	v8 =	vld [tilespmem:s2+$0x0]  }
0x2d8: {  	s20 =	sor.u32 s8, s5;
	s21 =	sor.u32 $0x8380, s10;
	v9 =	vand.u32 $0xFFFFFF80, v11;
	[tilespmem:v6+s3+$0x0] =	vst.idx.add.f32.msk $0xffff, v14  }
0x2d9: {  	s22 =	sor.u32 s9, s21;
	v6 =	vand.u32 $0x7F, v11;
	v9 =	vadd.s32 v4, v9;
	v10 =	vld [tilespmem:s20+$0x0]  }
0x2da: {  	s23 =	sor.u32 $0xB300, s6;
	v11 =	vld [tilespmem:s22+$0x0];
	v6 =	vor.u32 v6, v9;
	v9 =	vand.u32 $0xFFFFFF80, v7  }
0x2db: {  	s24 =	sor.u32 s7, s23;
	v7 =	vand.u32 $0x7F, v7;
	v9 =	vadd.s32 v2, v9  }
0x2dc: {  	s0 =	sor.u32 s8, s0;
	v13 =	vld [tilespmem:s24+$0x0];
	v63 =	vand.u32 $0xFFFFFF80, v8;
	v7 =	vor.u32 v7, v9  }
0x2dd: {  	s5 =	sor.u32 s11, s21;
	v14 =	vld [tilespmem:s0+$0x0];
	v8 =	vand.u32 $0x7F, v8;
	v12 =	vadd.s32 v5, v63  }
0x2de: {  	s26 =	sor.u32 $0x2300, s10;
	v9 =	vld [tilespmem:s5+$0x0];
	v12 =	vor.u32 v8, v12;
	v8 =	vand.u32 $0xFFFFFF80, v10  }
0x2df: {  	s28 =	sor.u32 s9, s26;
	v10 =	vand.u32 $0x7F, v10;
	[tilespmem:v6+s3+$0x0] =	vst.idx.add.f32.msk $0xffff, v11;
	v6 =	vadd.s32 v3, v8  }
0x2e0: {  	s30 =	sor.u32 $0x5280, s6;
	v8 =	vld [tilespmem:s28+$0x0];
	v10 =	vor.u32 v10, v6  }
0x2e1: {  	s31 =	sor.u32 s7, s30;
	[tilespmem:v7+s3+$0x0] =	vst.idx.add.f32.msk $0xffff, v13  }
0x2e2: {  	v6 =	vld [tilespmem:s31+$0x0]  }
0x2e3: {  	s15 =	simm.s32 $0x2;
	s21 =	sor.u32 s8, s18;
	s0 =	sor.u32 s11, s26;
	[tilespmem:v12+s3+$0x0] =	vst.idx.add.f32.msk $0xffff, v9  }
0x2e4: {  	s29 =	sor.u32 s8, s30;
	s16 =	simm.s32 $0x2;
	s19 =	sor.u32 s8, s4;
	v7 =	vld [tilespmem:s0+$0x0]  }
0x2e5: {  	s22 =	sor.u32 s8, s1;
	s20 =	sor.u32 s8, s23;
	s0 =	sor.u32 $0x9000, s10;
	v9 =	vand.u32 $0xFFFFFF80, v8;
	[tilespmem:v10+s3+$0x0] =	vst.idx.add.f32.msk $0xffff, v14  }
.LBB2_4:
0x2e6: {  	s2 =	sor.u32 s11, s0;
	s14 =	sor.u32 s9, s0;
	v8 =	vand.u32 $0x7F, v8;
	v9 =	vadd.s32 v4, v9;
	v10 =	vld [tilespmem:s22+$0x0];
	s13 =	sadd.s32 $0x20, s13  }
0x2e7: {  	s12 =	sadd.s32 $0x100, s12;
	v11 =	vld [tilespmem:s14+$0x0];
	v8 =	vor.u32 v8, v9;
	s14 =	sor.u32 $0xB380, s6;
	s30 =	sadd.s32 $0x10, s13;
	v9 =	vand.u32 $0xFFFFFF80, v6  }
0x2e8: {  	v13 =	vld [tilespmem:s2+$0x0];
	s5 =	sand.u32 $0x60, s13;
	s18 =	sand.u32 $0xC00, s12;
	s17 =	sor.u32 s7, s14;
	v6 =	vand.u32 $0x7F, v6;
	v9 =	vadd.s32 v2, v9  }
0x2e9: {  	s2 =	sand.u32 $0x70, s30;
	s0 =	sor.u32 s5, s18;
	v15 =	vld [tilespmem:s17+$0x0];
	v9 =	vor.u32 v6, v9  }
0x2ea: {  	v12 =	vmov s13;
	s4 =	sor.u32 s2, s18;
	v50 =	vld [tilespmem:s0+$0x0];
	v14 =	vand.u32 $0xFFFFFF80, v7  }
0x2eb: {  	s23 =	sor.u32 $0x2380, s10;
	s22 =	sor.u32 s13, s12;
	v12 =	vshll.u32 v12, $0x7;
	v48 =	vand.u32 $0x7F, v7;
	v16 =	vld [tilespmem:s4+$0x0];
	v14 =	vadd.s32 v5, v14  }
0x2ec: {  	s31 =	sor.u32 $0x380, s22;
	s22 =	sor.u32 s9, s23;
	v49 =	vand.u32 $0xFFFFFF80, v10;
	v6 =	vor.u32 v1, v12;
	v12 =	vor.u32 v48, v14;
	[tilespmem:v8+s3+$0x0] =	vst.idx.add.f32.msk $0xffff, v11  }
0x2ed: {  	s24 =	sor.u32 $0x5300, s6;
	s14 =	sor.u32 s8, s14;
	v10 =	vand.u32 $0x7F, v10;
	v8 =	vadd.s32 v3, v49;
	v11 =	vld [tilespmem:s22+$0x0]  }
0x2ee: {  	[dreg:$0x8] =	wrdreg s14;
	s14 =	sor.u32 s7, s24;
	v8 =	vor.u32 v10, v8;
	v10 =	vmov s30;
	[tilespmem:v9+s3+$0x0] =	vst.idx.add.f32.msk $0xffff, v15  }
0x2ef: {  	v9 =	vshll.u32 v10, $0x7;
	v10 =	vld [tilespmem:s14+$0x0]  }
0x2f0: {  	s26 =	sor.u32 $0x6100, s18;
	v7 =	vld [tilespmem:s19+$0x0];
	v51 =	vand.u32 $0xFFFFFF80, v16;
	v9 =	vor.u32 v1, v9  }
0x2f1: {  	s17 =	sor.u32 s8, s24;
	v16 =	vand.u32 $0x7F, v16;
	[tilespmem:v12+s3+$0x0] =	vst.idx.add.f32.msk $0xffff, v13;
	s14 =	sor.u32 s2, s26;
	v15 =	vadd.s32 v9, v51  }
0x2f2: {  	s28 =	sor.u32 s5, s26;
	s19 =	sor.u32 s11, s23;
	s23 =	sor.u32 $0x9080, s10;
	v54 =	vand.u32 $0xFFFFFF80, v11;
	v52 =	vld [tilespmem:s14+$0x0];
	v53 =	vor.u32 v16, v15  }
0x2f3: {  	[dreg:$0x7] =	wrdreg s17;
	s17 =	sor.u32 s9, s23;
	v55 =	vld [tilespmem:s28+$0x0];
	v11 =	vand.u32 $0x7F, v11;
	v15 =	vadd.s32 v4, v54  }
0x2f4: {  	v17 =	vld [tilespmem:s17+$0x0];
	s14 =	sor.u32 s11, s23;
	s23 =	sor.u32 $0xC000, s6;
	v11 =	vor.u32 v11, v15;
	v56 =	vand.u32 $0xFFFFFF80, v10  }
0x2f5: {  	v19 =	vld [tilespmem:s19+$0x0];
	s22 =	sor.u32 s7, s23;
	v10 =	vand.u32 $0x7F, v10;
	v15 =	vadd.s32 v2, v56  }
0x2f6: {  	v18 =	vand.u32 $0xFFFFFF80, v50;
	v20 =	vld [tilespmem:s22+$0x0];
	v10 =	vor.u32 v10, v15  }
0x2f7: {  	v14 =	vand.u32 $0x7F, v50;
	v18 =	vadd.s32 v6, v18;
	[tilespmem:v53+s3+$0x0] =	vst.idx.add.f32.msk $0xffff, v52  }
0x2f8: {  	s24 =	sor.u32 $0x3000, s10;
	v14 =	vor.u32 v14, v18;
	v12 =	vld [tilespmem:s4+$0x80]  }
0x2f9: {  	s22 =	sor.u32 s9, s24;
	[tilespmem:v11+s3+$0x0] =	vst.idx.add.f32.msk $0xffff, v17  }
0x2fa: {  	s19 =	sor.u32 s8, s23;
	s23 =	sor.u32 s11, s24;
	s24 =	sor.u32 $0x5380, s6;
	v11 =	vand.u32 $0xFFFFFF80, v19;
	v58 =	vld [tilespmem:s22+$0x0]  }
0x2fb: {  	v57 =	vand.u32 $0x7F, v19;
	v11 =	vadd.s32 v5, v11;
	s22 =	sor.u32 s8, s24;
	s24 =	sor.u32 s7, s24;
	[tilespmem:v10+s3+$0x0] =	vst.idx.add.f32.msk $0xffff, v20  }
0x2fc: {  	v10 =	vor.u32 v57, v11;
	v11 =	vld [tilespmem:s24+$0x0]  }
0x2fd: {  	s26 =	sor.u32 $0x6180, s18;
	[tilespmem:v14+s3+$0x0] =	vst.idx.add.f32.msk $0xffff, v55;
	v59 =	vand.u32 $0xFFFFFF80, v12  }
0x2fe: {  	v14 =	vld [tilespmem:s0+$0x80];
	s24 =	sor.u32 s2, s26;
	v12 =	vand.u32 $0x7F, v12;
	v13 =	vadd.s32 v9, v59  }
0x2ff: {  	s28 =	sor.u32 s5, s26;
	s26 =	sor.u32 $0x9100, s10;
	v60 =	vld [tilespmem:s24+$0x0];
	v61 =	vand.u32 $0xFFFFFF80, v58;
	v12 =	vor.u32 v12, v13  }
0x300: {  	v62 =	vld [tilespmem:s28+$0x0];
	s28 =	sor.u32 s9, s26;
	v15 =	vand.u32 $0x7F, v58;
	v13 =	vadd.s32 v4, v61  }
0x301: {  	s24 =	sor.u32 s11, s26;
	s26 =	sor.u32 $0xC080, s6;
	v63 =	vld [tilespmem:s28+$0x0];
	v13 =	vor.u32 v15, v13;
	v23 =	vand.u32 $0xFFFFFF80, v11  }
0x302: {  	s17 =	smov.u32 s25;
	v24 =	vld [tilespmem:s14+$0x0];
	s25 =	sor.u32 s7, s26;
	v11 =	vand.u32 $0x7F, v11;
	v15 =	vadd.s32 v2, v23  }
0x303: {  	v25 =	vand.u32 $0xFFFFFF80, v14;
	v21 =	vld [tilespmem:s25+$0x0];
	v11 =	vor.u32 v11, v15  }
0x304: {  	v14 =	vand.u32 $0x7F, v14;
	v26 =	vadd.s32 v6, v25;
	[tilespmem:v12+s3+$0x0] =	vst.idx.add.f32.msk $0xffff, v60  }
0x305: {  	v27 =	vor.u32 v14, v26;
	s28 =	sor.u32 s8, s26;
	s26 =	sor.u32 $0x3080, s10;
	v28 =	vld [tilespmem:s4+$0x100]  }
0x306: {  	s25 =	sor.u32 s9, s26;
	[tilespmem:v13+s3+$0x0] =	vst.idx.add.f32.msk $0xffff, v63  }
0x307: {  	v13 =	vld [tilespmem:s25+$0x0];
	s25 =	sor.u32 $0x6000, s6  }
0x308: {  	[dreg:$0x6] =	wrdreg s28;
	s28 =	sor.u32 s8, s25;
	s25 =	sor.u32 s7, s25;
	[tilespmem:v11+s3+$0x0] =	vst.idx.add.f32.msk $0xffff, v21  }
0x309: {  	v11 =	vld [tilespmem:s25+$0x0]  }
0x30a: {  	[tilespmem:v27+s3+$0x0] =	vst.idx.add.f32.msk $0xffff, v62  }
0x30b: {  	v12 =	vld [tilespmem:s0+$0x100];
	[dreg:$0x5] =	wrdreg s28;
	s28 =	sor.u32 $0x6200, s18;
	v29 =	vand.u32 $0xFFFFFF80, v28  }
0x30c: {  	[tilespmem:v10+s3+$0x0] =	vst.idx.add.f32.msk $0xffff, v24;
	s25 =	sor.u32 s2, s28;
	v14 =	vand.u32 $0x7F, v28;
	v15 =	vadd.s32 v9, v29  }
0x30d: {  	s14 =	sor.u32 s11, s26;
	s26 =	sor.u32 s5, s28;
	s28 =	sor.u32 $0x9180, s10;
	v10 =	vld [tilespmem:s25+$0x0];
	v30 =	vand.u32 $0xFFFFFF80, v13;
	v14 =	vor.u32 v14, v15  }
0x30e: {  	v31 =	vld [tilespmem:s26+$0x0];
	s25 =	sor.u32 s11, s28;
	s26 =	sor.u32 s9, s28;
	v13 =	vand.u32 $0x7F, v13;
	s28 =	sor.u32 $0xC100, s6;
	v15 =	vadd.s32 v4, v30;
	v32 =	vand.u32 $0xFFFFFF80, v11  }
0x30f: {  	v18 =	vld [tilespmem:s26+$0x0];
	s26 =	sor.u32 s8, s28;
	s28 =	sor.u32 s7, s28;
	v13 =	vor.u32 v13, v15;
	v11 =	vand.u32 $0x7F, v11;
	v33 =	vadd.s32 v2, v32  }
0x310: {  	v35 =	vld [tilespmem:s28+$0x0];
	v11 =	vor.u32 v11, v33  }
0x311: {  	v37 =	vld [tilespmem:s23+$0x0];
	v34 =	vand.u32 $0xFFFFFF80, v12  }
0x312: {  	v12 =	vand.u32 $0x7F, v12;
	v36 =	vadd.s32 v6, v34;
	[tilespmem:v14+s3+$0x0] =	vst.idx.add.f32.msk $0xffff, v10  }
0x313: {  	s23 =	sor.u32 $0x6080, s6;
	v12 =	vor.u32 v12, v36;
	v10 =	vld [tilespmem:s4+$0x180]  }
0x314: {  	[dreg:$0x4] =	wrdreg s26;
	s28 =	sor.u32 s8, s23;
	[tilespmem:v13+s3+$0x0] =	vst.idx.add.f32.msk $0xffff, v18  }
0x315: {  	s26 =	sor.u32 $0x3100, s10;
	[dreg:$0x3] =	wrdreg s28;
	s28 =	sor.u32 s7, s23;
	[tilespmem:v11+s3+$0x0] =	vst.idx.add.f32.msk $0xffff, v35  }
0x316: {  	s23 =	sor.u32 s11, s26;
	s26 =	sor.u32 s9, s26;
	v14 =	vld [tilespmem:s28+$0x0]  }
0x317: {  	v39 =	vld [tilespmem:s26+$0x0]  }
0x318: {  	[tilespmem:v12+s3+$0x0] =	vst.idx.add.f32.msk $0xffff, v31;
	v11 =	vand.u32 $0xFFFFFF80, v37  }
0x319: {  	v38 =	vand.u32 $0x7F, v37;
	v12 =	vld [tilespmem:s0+$0x180];
	v11 =	vadd.s32 v5, v11;
	s26 =	sor.u32 $0x6280, s18;
	v40 =	vand.u32 $0xFFFFFF80, v10  }
0x31a: {  	v16 =	vld [tilespmem:s24+$0x0];
	v10 =	vand.u32 $0x7F, v10;
	v11 =	vor.u32 v38, v11;
	s28 =	sor.u32 s5, s26;
	s26 =	sor.u32 s2, s26;
	v13 =	vadd.s32 v9, v40  }
0x31b: {  	v41 =	vld [tilespmem:s26+$0x0];
	v10 =	vor.u32 v10, v13;
	s26 =	sor.u32 $0xC180, s6;
	s6 =	smov.u32 s10;
	s10 =	smov.u32 s18;
	v42 =	vand.u32 $0xFFFFFF80, v14  }
0x31c: {  	v43 =	vld [tilespmem:s28+$0x0];
	s28 =	sor.u32 $0x9200, s6;
	s18 =	sor.u32 s8, s26;
	s8 =	sor.u32 s7, s26;
	v44 =	vand.u32 $0xFFFFFF80, v39;
	v14 =	vand.u32 $0x7F, v14;
	v13 =	vadd.s32 v2, v42;
	v2 =	vmovc v4  }
0x31d: {  	s26 =	sor.u32 s9, s28;
	v46 =	vld [tilespmem:s8+$0x0];
	v4 =	vmovc v9;
	v9 =	vand.u32 $0x7F, v39;
	v45 =	vadd.s32 v2, v44;
	v13 =	vor.u32 v14, v13  }
0x31e: {  	v47 =	vand.u32 $0xFFFFFF80, v12;
	v48 =	vld [tilespmem:s26+$0x0];
	v9 =	vor.u32 v9, v45  }
0x31f: {  	v12 =	vand.u32 $0x7F, v12;
	[tilespmem:v11+s3+$0x0] =	vst.idx.add.f32.msk $0xffff, v16;
	v14 =	vadd.s32 v6, v47  }
0x320: {  	[tilespmem:v10+s3+$0x0] =	vst.idx.add.f32.msk $0xffff, v41;
	v11 =	vor.u32 v12, v14  }
0x321: {  	v10 =	vld [tilespmem:s4+$0x200]  }
0x322: {  	s7 =	smov.u32 s9;
	s24 =	sor.u32 s11, s28;
	s28 =	sor.u32 $0x3180, s6;
	[tilespmem:v13+s3+$0x0] =	vst.idx.add.f32.msk $0xffff, v46  }
0x323: {  	s9 =	smov.u32 s2;
	s2 =	sor.u32 s7, s28;
	[tilespmem:v9+s3+$0x0] =	vst.idx.add.f32.msk $0xffff, v48  }
0x324: {  	v9 =	vld [tilespmem:s2+$0x0]  }
0x325: {  	[tilespmem:v11+s3+$0x0] =	vst.idx.add.f32.msk $0xffff, v43  }
0x326: {  	s26 =	sor.u32 $0x6300, s10;
	v49 =	vand.u32 $0xFFFFFF80, v10;
	v11 =	vld [tilespmem:s0+$0x200]  }
0x327: {  	v10 =	vand.u32 $0x7F, v10;
	v50 =	vld [tilespmem:s14+$0x0];
	s2 =	sor.u32 s9, s26;
	v12 =	vadd.s32 v4, v49  }
0x328: {  	s8 =	smov.u32 s11;
	s11 =	smov.u32 s5;
	v52 =	vld [tilespmem:s2+$0x0];
	v10 =	vor.u32 v10, v12  }
0x329: {  	s5 =	sor.u32 s8, s28;
	s28 =	sor.u32 s11, s26;
	v51 =	vld [tilespmem:s25+$0x0];
	s26 =	sor.u32 $0x9280, s6;
	v53 =	vand.u32 $0xFFFFFF80, v9  }
0x32a: {  	v16 =	vld [tilespmem:s28+$0x0];
	s2 =	sor.u32 s7, s26;
	v9 =	vand.u32 $0x7F, v9;
	v12 =	vadd.s32 v2, v53  }
0x32b: {  	v55 =	vld [tilespmem:s2+$0x0];
	v54 =	vand.u32 $0xFFFFFF80, v11;
	v9 =	vor.u32 v9, v12  }
0x32c: {  	[tilespmem:v8+s3+$0x0] =	vst.idx.add.f32.msk $0xffff, v7;
	v11 =	vand.u32 $0x7F, v11;
	v56 =	vadd.s32 v6, v54  }
0x32d: {  	v57 =	vand.u32 $0xFFFFFF80, v50;
	[tilespmem:v10+s3+$0x0] =	vst.idx.add.f32.msk $0xffff, v52;
	v7 =	vor.u32 v11, v56  }
0x32e: {  	v13 =	vand.u32 $0x7F, v50;
	v8 =	vadd.s32 v5, v57;
	v11 =	vld [tilespmem:s21+$0x0]  }
0x32f: {  	s28 =	sor.u32 $0x3200, s6;
	v8 =	vor.u32 v13, v8;
	v10 =	vld [tilespmem:s4+$0x280]  }
0x330: {  	s4 =	sor.u32 s7, s28;
	[tilespmem:v9+s3+$0x0] =	vst.idx.add.f32.msk $0xffff, v55  }
0x331: {  	v9 =	vld [tilespmem:s4+$0x0]  }
0x332: {  	[tilespmem:v7+s3+$0x0] =	vst.idx.add.f32.msk $0xffff, v16  }
0x333: {  	v7 =	vand.u32 $0xFFFFFF80, v11;
	v58 =	vld [tilespmem:s0+$0x280]  }
0x334: {  	v11 =	vand.u32 $0x7F, v11;
	v59 =	vand.u32 $0xFFFFFF80, v10;
	v7 =	vadd.s32 v3, v7;
	s4 =	sor.u32 $0x6380, s10;
	[tilespmem:v8+s3+$0x0] =	vst.idx.add.f32.msk $0xffff, v51  }
0x335: {  	v8 =	vand.u32 $0x7F, v10;
	v10 =	vadd.s32 v4, v59;
	v7 =	vor.u32 v11, v7;
	s0 =	sor.u32 s9, s4;
	v11 =	vld [tilespmem:s23+$0x0]  }
0x336: {  	s25 =	sadd.s32 $0x2, s17;
	s14 =	sor.u32 s8, s26;
	s26 =	sor.u32 $0x9300, s6;
	v8 =	vor.u32 v8, v10;
	v60 =	vld [tilespmem:s0+$0x0];
	v10 =	vand.u32 $0xFFFFFF80, v9  }
0x337: {  	s2 =	sor.u32 s8, s28;
	s28 =	sand.u32 $0x7, s25;
	v63 =	vld [tilespmem:s24+$0x0];
	s0 =	sor.u32 s7, s26;
	v9 =	vand.u32 $0x7F, v9;
	v10 =	vadd.s32 v2, v10  }
0x338: {  	s17 =	sshll.u32 s28, $0x4;
	v62 =	vld [tilespmem:s0+$0x0];
	v61 =	vand.u32 $0xFFFFFF80, v58;
	v9 =	vor.u32 v9, v10  }
0x339: {  	s21 =	sor.u32 s11, s4;
	s23 =	sadd.s32 s12, s17;
	v21 =	vld [tilespmem:s20+$0x0];
	v12 =	vand.u32 $0x7F, v58;
	v10 =	vadd.s32 v6, v61  }
0x33a: {  	v14 =	vld [tilespmem:s21+$0x0];
	s0 =	sadd.s32 $0x10, s23;
	v20 =	vand.u32 $0xFFFFFF80, v11;
	v10 =	vor.u32 v12, v10  }
0x33b: {  	s0 =	sor.u32 $0x300, s0;
	v11 =	vand.u32 $0x7F, v11;
	[tilespmem:v8+s3+$0x0] =	vst.idx.add.f32.msk $0xffff, v60;
	v8 =	vadd.s32 v5, v20  }
0x33c: {  	s1 =	sand.u32 $0x3, s16;
	s24 =	sor.u32 $0x3280, s6;
	v22 =	vld [tilespmem:s0+$0x0];
	v8 =	vor.u32 v11, v8  }
0x33d: {  	s1 =	sshll.u32 s1, $0x5;
	s0 =	sor.u32 s7, s24;
	[tilespmem:v9+s3+$0x0] =	vst.idx.add.f32.msk $0xffff, v62  }
0x33e: {  	s1 =	sadd.s32 s1, s12;
	v9 =	vld [tilespmem:s0+$0x0]  }
0x33f: {  	s1 =	sor.u32 $0x300, s1;
	[tilespmem:v10+s3+$0x0] =	vst.idx.add.f32.msk $0xffff, v14  }
0x340: {  	v10 =	vld [tilespmem:s1+$0x0]  }
0x341: {  	s21 =	sor.u32 s8, s26;
	s26 =	sor.u32 $0x7000, s10;
	v11 =	vand.u32 $0xFFFFFF80, v22;
	[tilespmem:v8+s3+$0x0] =	vst.idx.add.f32.msk $0xffff, v63  }
0x342: {  	s0 =	sor.u32 s9, s26;
	v8 =	vand.u32 $0x7F, v22;
	v11 =	vadd.s32 v4, v11;
	v23 =	vld [tilespmem:s5+$0x0]  }
0x343: {  	s28 =	sor.u32 s11, s26;
	v13 =	vld [tilespmem:s0+$0x0];
	v8 =	vor.u32 v8, v11;
	s5 =	sor.u32 $0x9380, s6;
	v11 =	vand.u32 $0xFFFFFF80, v9  }
0x344: {  	v14 =	vld [tilespmem:s28+$0x0];
	s0 =	sor.u32 s7, s5;
	v9 =	vand.u32 $0x7F, v9;
	v11 =	vadd.s32 v2, v11  }
0x345: {  	v16 =	vld [tilespmem:s0+$0x0];
	v24 =	vand.u32 $0xFFFFFF80, v10;
	v9 =	vor.u32 v9, v11  }
0x346: {  	v25 =	vld [tilespmem:s14+$0x0];
	v10 =	vand.u32 $0x7F, v10;
	v11 =	vadd.s32 v6, v24  }
0x347: {  	s17 =	sor.u32 s30, s12;
	[tilespmem:v7+s3+$0x0] =	vst.idx.add.f32.msk $0xffff, v21;
	v10 =	vor.u32 v10, v11;
	v11 =	vand.u32 $0xFFFFFF80, v23  }
0x348: {  	s0 =	sor.u32 $0x380, s17;
	v12 =	vand.u32 $0x7F, v23;
	[tilespmem:v8+s3+$0x0] =	vst.idx.add.f32.msk $0xffff, v13;
	v7 =	vadd.s32 v5, v11  }
0x349: {  	s23 =	sor.u32 $0x3300, s6;
	v8 =	vld [tilespmem:s0+$0x0];
	v7 =	vor.u32 v12, v7  }
0x34a: {  	s1 =	sor.u32 s7, s23;
	[tilespmem:v9+s3+$0x0] =	vst.idx.add.f32.msk $0xffff, v16  }
0x34b: {  	v9 =	vld [tilespmem:s1+$0x0]  }
0x34c: {  	[tilespmem:v10+s3+$0x0] =	vst.idx.add.f32.msk $0xffff, v14  }
0x34d: {  	v10 =	vld [tilespmem:s31+$0x0]  }
0x34e: {  	s4 =	sor.u32 s8, s24;
	s24 =	sor.u32 $0x7080, s10;
	v11 =	vand.u32 $0xFFFFFF80, v8;
	[tilespmem:v7+s3+$0x0] =	vst.idx.add.f32.msk $0xffff, v25  }
0x34f: {  	s28 =	sor.u32 $0xA000, s6;
	s1 =	sor.u32 s9, s24;
	v7 =	vand.u32 $0x7F, v8;
	v8 =	vadd.s32 v4, v11;
	v11 =	vld [tilespmem:s2+$0x0]  }
0x350: {  	v26 =	vld [tilespmem:s1+$0x0];
	s1 =	sor.u32 s7, s28;
	v7 =	vor.u32 v7, v8;
	v8 =	vand.u32 $0xFFFFFF80, v9  }
0x351: {  	s26 =	sor.u32 s11, s24;
	v29 =	vld [tilespmem:s1+$0x0];
	v9 =	vand.u32 $0x7F, v9;
	v8 =	vadd.s32 v2, v8  }
0x352: {  	v27 =	vld [tilespmem:s26+$0x0];
	v28 =	vand.u32 $0xFFFFFF80, v10;
	v8 =	vor.u32 v9, v8  }
0x353: {  	v30 =	vld [tilespmem:s21+$0x0];
	v10 =	vand.u32 $0x7F, v10;
	v9 =	vadd.s32 v6, v28  }
0x354: {  	s30 =	sor.u32 $0x1000, s10;
	v31 =	vld [tilespmem:s29+$0x0];
	v9 =	vor.u32 v10, v9;
	v10 =	vand.u32 $0xFFFFFF80, v11  }
0x355: {  	s1 =	sor.u32 s9, s30;
	v11 =	vand.u32 $0x7F, v11;
	[tilespmem:v7+s3+$0x0] =	vst.idx.add.f32.msk $0xffff, v26;
	v7 =	vadd.s32 v5, v10  }
0x356: {  	s17 =	sor.u32 $0x3380, s6;
	v10 =	vld [tilespmem:s1+$0x0];
	v7 =	vor.u32 v11, v7  }
0x357: {  	s14 =	sor.u32 s7, s17;
	[tilespmem:v8+s3+$0x0] =	vst.idx.add.f32.msk $0xffff, v29  }
0x358: {  	v8 =	vld [tilespmem:s14+$0x0]  }
0x359: {  	s31 =	sor.u32 s11, s30;
	[tilespmem:v9+s3+$0x0] =	vst.idx.add.f32.msk $0xffff, v27  }
0x35a: {  	v9 =	vand.u32 $0xFFFFFF80, v31;
	v32 =	vld [tilespmem:s31+$0x0]  }
0x35b: {  	s21 =	sor.u32 $0x7100, s10;
	v11 =	vand.u32 $0x7F, v31;
	v9 =	vadd.s32 v3, v9;
	v33 =	vand.u32 $0xFFFFFF80, v10;
	[tilespmem:v7+s3+$0x0] =	vst.idx.add.f32.msk $0xffff, v30  }
0x35c: {  	s24 =	sor.u32 $0xA080, s6;
	s2 =	sor.u32 s9, s21;
	v7 =	vor.u32 v11, v9;
	v9 =	vand.u32 $0x7F, v10;
	v10 =	vadd.s32 v4, v33;
	v11 =	vld [tilespmem:s4+$0x0]  }
0x35d: {  	v34 =	vld [tilespmem:s2+$0x0];
	s2 =	sor.u32 s7, s24;
	v9 =	vor.u32 v9, v10;
	v10 =	vand.u32 $0xFFFFFF80, v8  }
0x35e: {  	s0 =	sor.u32 s8, s23;
	s23 =	sor.u32 s11, s21;
	v36 =	vld [tilespmem:s2+$0x0];
	v8 =	vand.u32 $0x7F, v8;
	v10 =	vadd.s32 v2, v10  }
0x35f: {  	s20 =	sor.u32 s8, s5;
	v14 =	vld [tilespmem:s23+$0x0];
	v35 =	vand.u32 $0xFFFFFF80, v32;
	v8 =	vor.u32 v8, v10  }
0x360: {  	s5 =	sor.u32 s8, s28;
	s28 =	rddreg [dreg:$0x8];
	v37 =	vld [tilespmem:s20+$0x0];
	v12 =	vand.u32 $0x7F, v32;
	v10 =	vadd.s32 v6, v35  }
0x361: {  	s26 =	sor.u32 $0x1080, s10;
	v17 =	vld [tilespmem:s28+$0x0];
	v10 =	vor.u32 v12, v10;
	v38 =	vand.u32 $0xFFFFFF80, v11  }
0x362: {  	s2 =	sor.u32 s9, s26;
	v11 =	vand.u32 $0x7F, v11;
	[tilespmem:v9+s3+$0x0] =	vst.idx.add.f32.msk $0xffff, v34;
	v9 =	vadd.s32 v5, v38  }
0x363: {  	s31 =	sor.u32 $0x4000, s6;
	v39 =	vld [tilespmem:s2+$0x0];
	v9 =	vor.u32 v11, v9  }
0x364: {  	s1 =	sor.u32 s8, s17;
	s17 =	sor.u32 s7, s31;
	[tilespmem:v8+s3+$0x0] =	vst.idx.add.f32.msk $0xffff, v36  }
0x365: {  	v8 =	vld [tilespmem:s17+$0x0]  }
0x366: {  	s30 =	sor.u32 s11, s26;
	[tilespmem:v10+s3+$0x0] =	vst.idx.add.f32.msk $0xffff, v14  }
0x367: {  	v10 =	vld [tilespmem:s30+$0x0]  }
0x368: {  	s20 =	sor.u32 $0x7180, s10;
	v11 =	vand.u32 $0xFFFFFF80, v39;
	[tilespmem:v9+s3+$0x0] =	vst.idx.add.f32.msk $0xffff, v37  }
0x369: {  	s4 =	sor.u32 s9, s20;
	v9 =	vand.u32 $0x7F, v39;
	v11 =	vadd.s32 v4, v11;
	v40 =	vld [tilespmem:s0+$0x0]  }
0x36a: {  	s23 =	sor.u32 $0xA100, s6;
	s21 =	sor.u32 s11, s20;
	v13 =	vld [tilespmem:s4+$0x0];
	v9 =	vor.u32 v9, v11;
	v11 =	vand.u32 $0xFFFFFF80, v8  }
0x36b: {  	v14 =	vld [tilespmem:s21+$0x0];
	s0 =	sor.u32 s7, s23;
	v8 =	vand.u32 $0x7F, v8;
	v11 =	vadd.s32 v2, v11  }
0x36c: {  	v16 =	vld [tilespmem:s0+$0x0];
	v41 =	vand.u32 $0xFFFFFF80, v10;
	v8 =	vor.u32 v8, v11  }
0x36d: {  	v42 =	vld [tilespmem:s5+$0x0];
	v10 =	vand.u32 $0x7F, v10;
	v11 =	vadd.s32 v6, v41  }
0x36e: {  	s14 =	sor.u32 s8, s24;
	s24 =	sor.u32 $0x1100, s10;
	[tilespmem:v7+s3+$0x0] =	vst.idx.add.f32.msk $0xffff, v17;
	v10 =	vor.u32 v10, v11;
	v11 =	vand.u32 $0xFFFFFF80, v40  }
0x36f: {  	s0 =	sor.u32 s9, s24;
	v12 =	vand.u32 $0x7F, v40;
	[tilespmem:v9+s3+$0x0] =	vst.idx.add.f32.msk $0xffff, v13;
	v7 =	vadd.s32 v5, v11  }
0x370: {  	s28 =	sor.u32 $0x4080, s6;
	v9 =	vld [tilespmem:s0+$0x0];
	v7 =	vor.u32 v12, v7  }
0x371: {  	s17 =	sor.u32 s7, s28;
	[tilespmem:v8+s3+$0x0] =	vst.idx.add.f32.msk $0xffff, v16  }
0x372: {  	v8 =	vld [tilespmem:s17+$0x0]  }
0x373: {  	s26 =	sor.u32 s11, s24;
	[tilespmem:v10+s3+$0x0] =	vst.idx.add.f32.msk $0xffff, v14  }
0x374: {  	v10 =	vld [tilespmem:s26+$0x0]  }
0x375: {  	s30 =	sor.u32 $0x7200, s10;
	v11 =	vand.u32 $0xFFFFFF80, v9;
	[tilespmem:v7+s3+$0x0] =	vst.idx.add.f32.msk $0xffff, v42  }
0x376: {  	s5 =	sor.u32 s9, s30;
	v7 =	vand.u32 $0x7F, v9;
	v9 =	vadd.s32 v4, v11;
	v11 =	vld [tilespmem:s1+$0x0]  }
0x377: {  	s20 =	sor.u32 $0xA180, s6;
	s2 =	sor.u32 s8, s31;
	s31 =	sor.u32 s11, s30;
	v43 =	vld [tilespmem:s5+$0x0];
	v7 =	vor.u32 v7, v9;
	v9 =	vand.u32 $0xFFFFFF80, v8  }
0x378: {  	v44 =	vld [tilespmem:s31+$0x0];
	s1 =	sor.u32 s7, s20;
	v8 =	vand.u32 $0x7F, v8;
	v9 =	vadd.s32 v2, v9  }
0x379: {  	v46 =	vld [tilespmem:s1+$0x0];
	v45 =	vand.u32 $0xFFFFFF80, v10;
	v8 =	vor.u32 v8, v9  }
0x37a: {  	s4 =	sor.u32 s8, s23;
	s23 =	rddreg [dreg:$0x7];
	v47 =	vld [tilespmem:s14+$0x0];
	v10 =	vand.u32 $0x7F, v10;
	v9 =	vadd.s32 v6, v45  }
0x37b: {  	s21 =	sor.u32 $0x1180, s10;
	v48 =	vld [tilespmem:s23+$0x0];
	v9 =	vor.u32 v10, v9;
	v10 =	vand.u32 $0xFFFFFF80, v11  }
0x37c: {  	s1 =	sor.u32 s9, s21;
	v11 =	vand.u32 $0x7F, v11;
	[tilespmem:v7+s3+$0x0] =	vst.idx.add.f32.msk $0xffff, v43;
	v7 =	vadd.s32 v5, v10  }
0x37d: {  	s26 =	sor.u32 $0x4100, s6;
	v10 =	vld [tilespmem:s1+$0x0];
	v7 =	vor.u32 v11, v7  }
0x37e: {  	s17 =	sor.u32 s7, s26;
	[tilespmem:v8+s3+$0x0] =	vst.idx.add.f32.msk $0xffff, v46  }
0x37f: {  	v8 =	vld [tilespmem:s17+$0x0]  }
0x380: {  	s24 =	sor.u32 s11, s21;
	[tilespmem:v9+s3+$0x0] =	vst.idx.add.f32.msk $0xffff, v44  }
0x381: {  	v9 =	vand.u32 $0xFFFFFF80, v48;
	v49 =	vld [tilespmem:s24+$0x0]  }
0x382: {  	s0 =	sor.u32 s8, s28;
	s28 =	sor.u32 $0x7280, s10;
	v11 =	vand.u32 $0x7F, v48;
	v9 =	vadd.s32 v3, v9;
	v50 =	vand.u32 $0xFFFFFF80, v10;
	[tilespmem:v7+s3+$0x0] =	vst.idx.add.f32.msk $0xffff, v47  }
0x383: {  	s14 =	sor.u32 s9, s28;
	v7 =	vor.u32 v11, v9;
	v9 =	vand.u32 $0x7F, v10;
	v10 =	vadd.s32 v4, v50;
	v11 =	vld [tilespmem:s2+$0x0]  }
0x384: {  	s30 =	sor.u32 s11, s28;
	s31 =	sor.u32 $0xA200, s6;
	v51 =	vld [tilespmem:s14+$0x0];
	v9 =	vor.u32 v9, v10;
	v10 =	vand.u32 $0xFFFFFF80, v8  }
0x385: {  	v14 =	vld [tilespmem:s30+$0x0];
	s2 =	sor.u32 s7, s31;
	v8 =	vand.u32 $0x7F, v8;
	v10 =	vadd.s32 v2, v10  }
0x386: {  	v53 =	vld [tilespmem:s2+$0x0];
	v52 =	vand.u32 $0xFFFFFF80, v49;
	v8 =	vor.u32 v8, v10  }
0x387: {  	v54 =	vld [tilespmem:s4+$0x0];
	v12 =	vand.u32 $0x7F, v49;
	v10 =	vadd.s32 v6, v52  }
0x388: {  	s5 =	sor.u32 s8, s20;
	s20 =	sor.u32 $0x1200, s10;
	v17 =	vld [tilespmem:s19+$0x0];
	v10 =	vor.u32 v12, v10;
	v55 =	vand.u32 $0xFFFFFF80, v11  }
0x389: {  	s2 =	sor.u32 s9, s20;
	v11 =	vand.u32 $0x7F, v11;
	[tilespmem:v9+s3+$0x0] =	vst.idx.add.f32.msk $0xffff, v51;
	v9 =	vadd.s32 v5, v55  }
0x38a: {  	s23 =	sor.u32 $0x4180, s6;
	v56 =	vld [tilespmem:s2+$0x0];
	v9 =	vor.u32 v11, v9  }
0x38b: {  	s17 =	sor.u32 s7, s23;
	[tilespmem:v8+s3+$0x0] =	vst.idx.add.f32.msk $0xffff, v53  }
0x38c: {  	v8 =	vld [tilespmem:s17+$0x0]  }
0x38d: {  	s21 =	sor.u32 s11, s20;
	[tilespmem:v10+s3+$0x0] =	vst.idx.add.f32.msk $0xffff, v14  }
0x38e: {  	v10 =	vld [tilespmem:s21+$0x0]  }
0x38f: {  	s24 =	sor.u32 $0x7300, s10;
	v11 =	vand.u32 $0xFFFFFF80, v56;
	[tilespmem:v9+s3+$0x0] =	vst.idx.add.f32.msk $0xffff, v54  }
0x390: {  	s4 =	sor.u32 s9, s24;
	v9 =	vand.u32 $0x7F, v56;
	v11 =	vadd.s32 v4, v11;
	v57 =	vld [tilespmem:s0+$0x0]  }
0x391: {  	s28 =	sor.u32 $0xA280, s6;
	s1 =	sor.u32 s8, s26;
	s26 =	sor.u32 s11, s24;
	v13 =	vld [tilespmem:s4+$0x0];
	v9 =	vor.u32 v9, v11;
	v11 =	vand.u32 $0xFFFFFF80, v8  }
0x392: {  	v14 =	vld [tilespmem:s26+$0x0];
	s0 =	sor.u32 s7, s28;
	v8 =	vand.u32 $0x7F, v8;
	v11 =	vadd.s32 v2, v11  }
0x393: {  	v16 =	vld [tilespmem:s0+$0x0];
	v58 =	vand.u32 $0xFFFFFF80, v10;
	v8 =	vor.u32 v8, v11  }
0x394: {  	v59 =	vld [tilespmem:s5+$0x0];
	v10 =	vand.u32 $0x7F, v10;
	v11 =	vadd.s32 v6, v58  }
0x395: {  	s30 =	sor.u32 $0x1280, s10;
	[tilespmem:v7+s3+$0x0] =	vst.idx.add.f32.msk $0xffff, v17;
	v10 =	vor.u32 v10, v11;
	v11 =	vand.u32 $0xFFFFFF80, v57  }
0x396: {  	s0 =	sor.u32 s9, s30;
	v12 =	vand.u32 $0x7F, v57;
	[tilespmem:v9+s3+$0x0] =	vst.idx.add.f32.msk $0xffff, v13;
	v7 =	vadd.s32 v5, v11  }
0x397: {  	s19 =	sor.u32 $0x4200, s6;
	v9 =	vld [tilespmem:s0+$0x0];
	v7 =	vor.u32 v12, v7  }
0x398: {  	s17 =	sor.u32 s7, s19;
	[tilespmem:v8+s3+$0x0] =	vst.idx.add.f32.msk $0xffff, v16  }
0x399: {  	v8 =	vld [tilespmem:s17+$0x0]  }
0x39a: {  	s14 =	sor.u32 s8, s31;
	s31 =	sor.u32 s11, s30;
	[tilespmem:v10+s3+$0x0] =	vst.idx.add.f32.msk $0xffff, v14  }
0x39b: {  	v10 =	vld [tilespmem:s31+$0x0]  }
0x39c: {  	s20 =	sor.u32 $0x7380, s10;
	v11 =	vand.u32 $0xFFFFFF80, v9;
	[tilespmem:v7+s3+$0x0] =	vst.idx.add.f32.msk $0xffff, v59  }
0x39d: {  	s5 =	sor.u32 s9, s20;
	v7 =	vand.u32 $0x7F, v9;
	v9 =	vadd.s32 v4, v11;
	v11 =	vld [tilespmem:s1+$0x0]  }
0x39e: {  	s2 =	sor.u32 s8, s23;
	s23 =	sor.u32 $0xA300, s6;
	s21 =	sor.u32 s11, s20;
	v60 =	vld [tilespmem:s5+$0x0];
	v7 =	vor.u32 v7, v9;
	v9 =	vand.u32 $0xFFFFFF80, v8  }
0x39f: {  	v61 =	vld [tilespmem:s21+$0x0];
	s1 =	sor.u32 s7, s23;
	v8 =	vand.u32 $0x7F, v8;
	v9 =	vadd.s32 v2, v9  }
0x3a0: {  	v63 =	vld [tilespmem:s1+$0x0];
	v62 =	vand.u32 $0xFFFFFF80, v10;
	v8 =	vor.u32 v8, v9  }
0x3a1: {  	v20 =	vld [tilespmem:s14+$0x0];
	v10 =	vand.u32 $0x7F, v10;
	v9 =	vadd.s32 v6, v62  }
0x3a2: {  	s24 =	sor.u32 $0x1300, s10;
	v21 =	vld [tilespmem:s22+$0x0];
	v9 =	vor.u32 v10, v9;
	v10 =	vand.u32 $0xFFFFFF80, v11  }
0x3a3: {  	s1 =	sor.u32 s9, s24;
	v11 =	vand.u32 $0x7F, v11;
	[tilespmem:v7+s3+$0x0] =	vst.idx.add.f32.msk $0xffff, v60;
	v7 =	vadd.s32 v5, v10  }
0x3a4: {  	s4 =	sor.u32 s8, s28;
	s28 =	sor.u32 $0x4280, s6;
	v10 =	vld [tilespmem:s1+$0x0];
	v7 =	vor.u32 v11, v7  }
0x3a5: {  	s17 =	sor.u32 s7, s28;
	[tilespmem:v8+s3+$0x0] =	vst.idx.add.f32.msk $0xffff, v63  }
0x3a6: {  	v8 =	vld [tilespmem:s17+$0x0]  }
0x3a7: {  	s26 =	sor.u32 s11, s24;
	[tilespmem:v9+s3+$0x0] =	vst.idx.add.f32.msk $0xffff, v61  }
0x3a8: {  	v9 =	vand.u32 $0xFFFFFF80, v21;
	v22 =	vld [tilespmem:s26+$0x0]  }
0x3a9: {  	s30 =	sor.u32 $0x8000, s10;
	v11 =	vand.u32 $0x7F, v21;
	v9 =	vadd.s32 v3, v9;
	v23 =	vand.u32 $0xFFFFFF80, v10;
	[tilespmem:v7+s3+$0x0] =	vst.idx.add.f32.msk $0xffff, v20  }
0x3aa: {  	s14 =	sor.u32 s9, s30;
	v7 =	vor.u32 v11, v9;
	v9 =	vand.u32 $0x7F, v10;
	v10 =	vadd.s32 v4, v23;
	v11 =	vld [tilespmem:s2+$0x0]  }
0x3ab: {  	s0 =	sor.u32 s8, s19;
	s19 =	sor.u32 $0xA380, s6;
	s31 =	sor.u32 s11, s30;
	v24 =	vld [tilespmem:s14+$0x0];
	v9 =	vor.u32 v9, v10;
	v10 =	vand.u32 $0xFFFFFF80, v8  }
0x3ac: {  	v14 =	vld [tilespmem:s31+$0x0];
	s2 =	sor.u32 s7, s19;
	v8 =	vand.u32 $0x7F, v8;
	v10 =	vadd.s32 v2, v10  }
0x3ad: {  	v26 =	vld [tilespmem:s2+$0x0];
	v25 =	vand.u32 $0xFFFFFF80, v22;
	v8 =	vor.u32 v8, v10  }
0x3ae: {  	s21 =	rddreg [dreg:$0x6];
	v27 =	vld [tilespmem:s4+$0x0];
	v12 =	vand.u32 $0x7F, v22;
	v10 =	vadd.s32 v6, v25  }
0x3af: {  	s20 =	sor.u32 $0x1380, s10;
	v17 =	vld [tilespmem:s21+$0x0];
	v10 =	vor.u32 v12, v10;
	v28 =	vand.u32 $0xFFFFFF80, v11  }
0x3b0: {  	s2 =	sor.u32 s9, s20;
	v11 =	vand.u32 $0x7F, v11;
	[tilespmem:v9+s3+$0x0] =	vst.idx.add.f32.msk $0xffff, v24;
	v9 =	vadd.s32 v5, v28  }
0x3b1: {  	s5 =	sor.u32 s8, s23;
	s23 =	sor.u32 $0x4300, s6;
	v29 =	vld [tilespmem:s2+$0x0];
	v9 =	vor.u32 v11, v9  }
0x3b2: {  	s17 =	sor.u32 s7, s23;
	[tilespmem:v8+s3+$0x0] =	vst.idx.add.f32.msk $0xffff, v26  }
0x3b3: {  	v8 =	vld [tilespmem:s17+$0x0]  }
0x3b4: {  	s22 =	sor.u32 s11, s20;
	[tilespmem:v10+s3+$0x0] =	vst.idx.add.f32.msk $0xffff, v14  }
0x3b5: {  	v10 =	vld [tilespmem:s22+$0x0]  }
0x3b6: {  	s24 =	sor.u32 $0x8080, s10;
	v11 =	vand.u32 $0xFFFFFF80, v29;
	[tilespmem:v9+s3+$0x0] =	vst.idx.add.f32.msk $0xffff, v27  }
0x3b7: {  	s1 =	sor.u32 s8, s28;
	s28 =	sor.u32 $0xB000, s6;
	s4 =	sor.u32 s9, s24;
	v9 =	vand.u32 $0x7F, v29;
	v11 =	vadd.s32 v4, v11;
	v30 =	vld [tilespmem:s0+$0x0]  }
0x3b8: {  	v13 =	vld [tilespmem:s4+$0x0];
	s4 =	sor.u32 s7, s28;
	v9 =	vor.u32 v9, v11;
	v11 =	vand.u32 $0xFFFFFF80, v8  }
0x3b9: {  	s26 =	sor.u32 s11, s24;
	v16 =	vld [tilespmem:s4+$0x0];
	v8 =	vand.u32 $0x7F, v8;
	v11 =	vadd.s32 v2, v11  }
0x3ba: {  	v14 =	vld [tilespmem:s26+$0x0];
	v31 =	vand.u32 $0xFFFFFF80, v10;
	v8 =	vor.u32 v8, v11  }
0x3bb: {  	v32 =	vld [tilespmem:s5+$0x0];
	v10 =	vand.u32 $0x7F, v10;
	v11 =	vadd.s32 v6, v31  }
0x3bc: {  	s30 =	sor.u32 $0x2000, s10;
	[tilespmem:v7+s3+$0x0] =	vst.idx.add.f32.msk $0xffff, v17;
	v10 =	vor.u32 v10, v11;
	v11 =	vand.u32 $0xFFFFFF80, v30  }
0x3bd: {  	s4 =	sor.u32 s9, s30;
	v12 =	vand.u32 $0x7F, v30;
	[tilespmem:v9+s3+$0x0] =	vst.idx.add.f32.msk $0xffff, v13;
	v7 =	vadd.s32 v5, v11  }
0x3be: {  	s14 =	sor.u32 s8, s19;
	s19 =	sor.u32 $0x4380, s6;
	v9 =	vld [tilespmem:s4+$0x0];
	v7 =	vor.u32 v12, v7  }
0x3bf: {  	s17 =	sor.u32 s7, s19;
	[tilespmem:v8+s3+$0x0] =	vst.idx.add.f32.msk $0xffff, v16  }
0x3c0: {  	v8 =	vld [tilespmem:s17+$0x0]  }
0x3c1: {  	s31 =	sor.u32 s11, s30;
	[tilespmem:v10+s3+$0x0] =	vst.idx.add.f32.msk $0xffff, v14  }
0x3c2: {  	v10 =	vld [tilespmem:s31+$0x0]  }
0x3c3: {  	s20 =	sor.u32 $0x8100, s10;
	v11 =	vand.u32 $0xFFFFFF80, v9;
	[tilespmem:v7+s3+$0x0] =	vst.idx.add.f32.msk $0xffff, v32  }
0x3c4: {  	s22 =	sor.u32 $0xB080, s6;
	s5 =	sor.u32 s9, s20;
	v7 =	vand.u32 $0x7F, v9;
	v9 =	vadd.s32 v4, v11;
	v11 =	vld [tilespmem:s1+$0x0]  }
0x3c5: {  	v33 =	vld [tilespmem:s5+$0x0];
	s5 =	sor.u32 s7, s22;
	v7 =	vor.u32 v7, v9;
	v9 =	vand.u32 $0xFFFFFF80, v8  }
0x3c6: {  	s21 =	sor.u32 s11, s20;
	v36 =	vld [tilespmem:s5+$0x0];
	v8 =	vand.u32 $0x7F, v8;
	v9 =	vadd.s32 v2, v9  }
0x3c7: {  	v34 =	vld [tilespmem:s21+$0x0];
	v35 =	vand.u32 $0xFFFFFF80, v10;
	v8 =	vor.u32 v8, v9  }
0x3c8: {  	s24 =	rddreg [dreg:$0x5];
	v37 =	vld [tilespmem:s14+$0x0];
	v10 =	vand.u32 $0x7F, v10;
	v9 =	vadd.s32 v6, v35  }
0x3c9: {  	s2 =	sor.u32 s8, s23;
	s23 =	sor.u32 $0x2080, s10;
	v38 =	vld [tilespmem:s24+$0x0];
	v9 =	vor.u32 v10, v9;
	v10 =	vand.u32 $0xFFFFFF80, v11  }
0x3ca: {  	s5 =	sor.u32 s9, s23;
	v11 =	vand.u32 $0x7F, v11;
	[tilespmem:v7+s3+$0x0] =	vst.idx.add.f32.msk $0xffff, v33;
	v7 =	vadd.s32 v5, v10  }
0x3cb: {  	s0 =	sor.u32 s8, s28;
	s28 =	sor.u32 $0x5000, s6;
	v10 =	vld [tilespmem:s5+$0x0];
	v7 =	vor.u32 v11, v7  }
0x3cc: {  	s17 =	sor.u32 s7, s28;
	[tilespmem:v8+s3+$0x0] =	vst.idx.add.f32.msk $0xffff, v36  }
0x3cd: {  	v8 =	vld [tilespmem:s17+$0x0]  }
0x3ce: {  	s26 =	sor.u32 s11, s23;
	[tilespmem:v9+s3+$0x0] =	vst.idx.add.f32.msk $0xffff, v34  }
0x3cf: {  	v9 =	vand.u32 $0xFFFFFF80, v38;
	v39 =	vld [tilespmem:s26+$0x0]  }
0x3d0: {  	s30 =	sor.u32 $0x8180, s10;
	v11 =	vand.u32 $0x7F, v38;
	v9 =	vadd.s32 v3, v9;
	v40 =	vand.u32 $0xFFFFFF80, v10;
	[tilespmem:v7+s3+$0x0] =	vst.idx.add.f32.msk $0xffff, v37  }
0x3d1: {  	s14 =	sor.u32 s9, s30;
	v7 =	vor.u32 v11, v9;
	v9 =	vand.u32 $0x7F, v10;
	v10 =	vadd.s32 v4, v40;
	v11 =	vld [tilespmem:s2+$0x0]  }
0x3d2: {  	s4 =	sor.u32 s8, s19;
	s19 =	sor.u32 $0xB100, s6;
	s31 =	sor.u32 s11, s30;
	v41 =	vld [tilespmem:s14+$0x0];
	v9 =	vor.u32 v9, v10;
	v10 =	vand.u32 $0xFFFFFF80, v8  }
0x3d3: {  	v14 =	vld [tilespmem:s31+$0x0];
	s2 =	sor.u32 s7, s19;
	v8 =	vand.u32 $0x7F, v8;
	v10 =	vadd.s32 v2, v10  }
0x3d4: {  	v43 =	vld [tilespmem:s2+$0x0];
	v42 =	vand.u32 $0xFFFFFF80, v39;
	v8 =	vor.u32 v8, v10  }
0x3d5: {  	s21 =	rddreg [dreg:$0x4];
	v44 =	vld [tilespmem:s0+$0x0];
	v12 =	vand.u32 $0x7F, v39;
	v10 =	vadd.s32 v6, v42  }
0x3d6: {  	s20 =	sor.u32 $0x2100, s10;
	v17 =	vld [tilespmem:s21+$0x0];
	v10 =	vor.u32 v12, v10;
	v45 =	vand.u32 $0xFFFFFF80, v11  }
0x3d7: {  	s0 =	sor.u32 s9, s20;
	v11 =	vand.u32 $0x7F, v11;
	[tilespmem:v9+s3+$0x0] =	vst.idx.add.f32.msk $0xffff, v41;
	v9 =	vadd.s32 v5, v45  }
0x3d8: {  	s23 =	sor.u32 $0x5080, s6;
	v46 =	vld [tilespmem:s0+$0x0];
	v9 =	vor.u32 v11, v9  }
0x3d9: {  	s17 =	sor.u32 s7, s23;
	[tilespmem:v8+s3+$0x0] =	vst.idx.add.f32.msk $0xffff, v43  }
0x3da: {  	v8 =	vld [tilespmem:s17+$0x0]  }
0x3db: {  	s1 =	sor.u32 s8, s22;
	s22 =	sor.u32 s11, s20;
	[tilespmem:v10+s3+$0x0] =	vst.idx.add.f32.msk $0xffff, v14  }
0x3dc: {  	v10 =	vld [tilespmem:s22+$0x0]  }
0x3dd: {  	s24 =	sor.u32 $0x8200, s10;
	v11 =	vand.u32 $0xFFFFFF80, v46;
	[tilespmem:v9+s3+$0x0] =	vst.idx.add.f32.msk $0xffff, v44  }
0x3de: {  	s2 =	sor.u32 s9, s24;
	v9 =	vand.u32 $0x7F, v46;
	v11 =	vadd.s32 v4, v11;
	v47 =	vld [tilespmem:s4+$0x0]  }
0x3df: {  	s5 =	sor.u32 s8, s28;
	s28 =	sor.u32 $0xB180, s6;
	s26 =	sor.u32 s11, s24;
	v13 =	vld [tilespmem:s2+$0x0];
	v9 =	vor.u32 v9, v11;
	v11 =	vand.u32 $0xFFFFFF80, v8  }
0x3e0: {  	v14 =	vld [tilespmem:s26+$0x0];
	s4 =	sor.u32 s7, s28;
	v8 =	vand.u32 $0x7F, v8;
	v11 =	vadd.s32 v2, v11  }
0x3e1: {  	v16 =	vld [tilespmem:s4+$0x0];
	v48 =	vand.u32 $0xFFFFFF80, v10;
	v8 =	vor.u32 v8, v11  }
0x3e2: {  	v49 =	vld [tilespmem:s1+$0x0];
	v10 =	vand.u32 $0x7F, v10;
	v11 =	vadd.s32 v6, v48  }
0x3e3: {  	s30 =	sor.u32 $0x2180, s10;
	[tilespmem:v7+s3+$0x0] =	vst.idx.add.f32.msk $0xffff, v17;
	v10 =	vor.u32 v10, v11;
	v11 =	vand.u32 $0xFFFFFF80, v47  }
0x3e4: {  	s1 =	sor.u32 s9, s30;
	v12 =	vand.u32 $0x7F, v47;
	[tilespmem:v9+s3+$0x0] =	vst.idx.add.f32.msk $0xffff, v13;
	v7 =	vadd.s32 v5, v11  }
0x3e5: {  	s14 =	sor.u32 s8, s19;
	s19 =	sor.u32 $0x5100, s6;
	v9 =	vld [tilespmem:s1+$0x0];
	v7 =	vor.u32 v12, v7  }
0x3e6: {  	s17 =	sor.u32 s7, s19;
	[tilespmem:v8+s3+$0x0] =	vst.idx.add.f32.msk $0xffff, v16  }
0x3e7: {  	v8 =	vld [tilespmem:s17+$0x0]  }
0x3e8: {  	s31 =	sor.u32 s11, s30;
	[tilespmem:v10+s3+$0x0] =	vst.idx.add.f32.msk $0xffff, v14  }
0x3e9: {  	v10 =	vld [tilespmem:s31+$0x0]  }
0x3ea: {  	s20 =	sor.u32 $0x8280, s10;
	v11 =	vand.u32 $0xFFFFFF80, v9;
	[tilespmem:v7+s3+$0x0] =	vst.idx.add.f32.msk $0xffff, v49  }
0x3eb: {  	s4 =	sor.u32 s9, s20;
	v7 =	vand.u32 $0x7F, v9;
	v9 =	vadd.s32 v4, v11;
	v11 =	vld [tilespmem:s5+$0x0]  }
0x3ec: {  	s21 =	sor.u32 s11, s20;
	s22 =	sor.u32 $0xB200, s6;
	v50 =	vld [tilespmem:s4+$0x0];
	v7 =	vor.u32 v7, v9;
	v9 =	vand.u32 $0xFFFFFF80, v8  }
0x3ed: {  	v51 =	vld [tilespmem:s21+$0x0];
	s5 =	sor.u32 s7, s22;
	v8 =	vand.u32 $0x7F, v8;
	v9 =	vadd.s32 v2, v9  }
0x3ee: {  	v53 =	vld [tilespmem:s5+$0x0];
	v52 =	vand.u32 $0xFFFFFF80, v10;
	v8 =	vor.u32 v8, v9  }
0x3ef: {  	s24 =	rddreg [dreg:$0x3];
	v54 =	vld [tilespmem:s14+$0x0];
	v10 =	vand.u32 $0x7F, v10;
	v9 =	vadd.s32 v6, v52  }
0x3f0: {  	s0 =	sor.u32 s8, s23;
	s23 =	sor.u32 $0x2200, s10;
	v55 =	vld [tilespmem:s24+$0x0];
	v9 =	vor.u32 v10, v9;
	v10 =	vand.u32 $0xFFFFFF80, v11  }
0x3f1: {  	s5 =	sor.u32 s9, s23;
	v11 =	vand.u32 $0x7F, v11;
	[tilespmem:v7+s3+$0x0] =	vst.idx.add.f32.msk $0xffff, v50;
	v7 =	vadd.s32 v5, v10  }
0x3f2: {  	s2 =	sor.u32 s8, s28;
	s28 =	sor.u32 $0x5180, s6;
	v10 =	vld [tilespmem:s5+$0x0];
	v7 =	vor.u32 v11, v7  }
0x3f3: {  	s5 =	sor.u32 s7, s28;
	[tilespmem:v8+s3+$0x0] =	vst.idx.add.f32.msk $0xffff, v53  }
0x3f4: {  	v8 =	vld [tilespmem:s5+$0x0]  }
0x3f5: {  	s26 =	sor.u32 s11, s23;
	[tilespmem:v9+s3+$0x0] =	vst.idx.add.f32.msk $0xffff, v51  }
0x3f6: {  	v11 =	vand.u32 $0x7F, v55;
	v9 =	vand.u32 $0xFFFFFF80, v55;
	v56 =	vld [tilespmem:s26+$0x0]  }
0x3f7: {  	s30 =	sor.u32 $0x8300, s10;
	v9 =	vadd.s32 v3, v9;
	v3 =	vmovc v5;
	v5 =	vmov v6;
	v6 =	vand.u32 $0xFFFFFF80, v10;
	[tilespmem:v7+s3+$0x0] =	vst.idx.add.f32.msk $0xffff, v54  }
0x3f8: {  	s5 =	sor.u32 s9, s30;
	v7 =	vor.u32 v11, v9;
	v9 =	vand.u32 $0x7F, v10;
	v6 =	vadd.s32 v4, v6;
	v10 =	vld [tilespmem:s0+$0x0]  }
0x3f9: {  	s31 =	sor.u32 s11, s30;
	v11 =	vld [tilespmem:s5+$0x0];
	s5 =	sor.u32 $0xB280, s6;
	v6 =	vor.u32 v9, v6;
	v9 =	vand.u32 $0xFFFFFF80, v8  }
0x3fa: {  	v13 =	vld [tilespmem:s31+$0x0];
	s0 =	sor.u32 s7, s5;
	v8 =	vand.u32 $0x7F, v8;
	v9 =	vadd.s32 v2, v9  }
0x3fb: {  	v15 =	vld [tilespmem:s0+$0x0];
	v57 =	vand.u32 $0xFFFFFF80, v56;
	v8 =	vor.u32 v8, v9  }
0x3fc: {  	v58 =	vld [tilespmem:s2+$0x0];
	v12 =	vand.u32 $0x7F, v56;
	v9 =	vadd.s32 v5, v57  }
0x3fd: {  	s17 =	sor.u32 $0x2280, s10;
	v60 =	vld [tilespmem:s18+$0x0];
	v9 =	vor.u32 v12, v9;
	v59 =	vand.u32 $0xFFFFFF80, v10  }
0x3fe: {  	s0 =	sor.u32 s9, s17;
	v10 =	vand.u32 $0x7F, v10;
	[tilespmem:v6+s3+$0x0] =	vst.idx.add.f32.msk $0xffff, v11;
	v6 =	vadd.s32 v3, v59  }
0x3ff: {  	s20 =	sor.u32 $0x5200, s6;
	v11 =	vld [tilespmem:s0+$0x0];
	v6 =	vor.u32 v10, v6  }
0x400: {  	s0 =	sor.u32 s7, s20;
	[tilespmem:v8+s3+$0x0] =	vst.idx.add.f32.msk $0xffff, v15  }
0x401: {  	v8 =	vld [tilespmem:s0+$0x0]  }
0x402: {  	s18 =	sor.u32 s11, s17;
	[tilespmem:v9+s3+$0x0] =	vst.idx.add.f32.msk $0xffff, v13  }
0x403: {  	v9 =	vld [tilespmem:s18+$0x0]  }
0x404: {  	s1 =	sor.u32 s8, s19;
	s23 =	sor.u32 $0x8380, s10;
	v10 =	vand.u32 $0xFFFFFF80, v11;
	[tilespmem:v6+s3+$0x0] =	vst.idx.add.f32.msk $0xffff, v58  }
0x405: {  	s26 =	sor.u32 $0xB300, s6;
	s0 =	sor.u32 s9, s23;
	v6 =	vand.u32 $0x7F, v11;
	v10 =	vadd.s32 v4, v10;
	v11 =	vld [tilespmem:s1+$0x0]  }
0x406: {  	v61 =	vld [tilespmem:s0+$0x0];
	s0 =	sor.u32 s7, s26;
	v6 =	vor.u32 v6, v10;
	v10 =	vand.u32 $0xFFFFFF80, v8  }
0x407: {  	s24 =	sor.u32 s11, s23;
	v15 =	vld [tilespmem:s0+$0x0];
	v8 =	vand.u32 $0x7F, v8;
	v10 =	vadd.s32 v2, v10  }
0x408: {  	s4 =	sor.u32 s8, s22;
	v13 =	vld [tilespmem:s24+$0x0];
	v62 =	vand.u32 $0xFFFFFF80, v9;
	v10 =	vor.u32 v8, v10  }
0x409: {  	v63 =	vld [tilespmem:s4+$0x0];
	v9 =	vand.u32 $0x7F, v9;
	v8 =	vadd.s32 v5, v62  }
0x40a: {  	s22 =	sor.u32 s8, s28;
	s28 =	sor.u32 $0x2300, s10;
	[tilespmem:v7+s3+$0x0] =	vst.idx.add.f32.msk $0xffff, v60;
	v9 =	vor.u32 v9, v8;
	v8 =	vand.u32 $0xFFFFFF80, v11  }
0x40b: {  	s15 =	sadd.s32 $0x2, s15;
	s0 =	sor.u32 s9, s28;
	v11 =	vand.u32 $0x7F, v11;
	[tilespmem:v6+s3+$0x0] =	vst.idx.add.f32.msk $0xffff, v61;
	v6 =	vadd.s32 v3, v8  }
0x40c: {  	p0 =	slt.u32 s15, $0x1E;
	s31 =	sor.u32 $0x5280, s6;
	v8 =	vld [tilespmem:s0+$0x0];
	v11 =	vor.u32 v11, v6  }
.Ltmp1:
0x40d: {  	s0 =	sor.u32 s7, s31;
	[tilespmem:v10+s3+$0x0] =	vst.idx.add.f32.msk $0xffff, v15;
	(pc) =	sbr.rel @p0 .LBB2_4-.Ltmp1, $4  }
0x40e: {  	v6 =	vld [tilespmem:s0+$0x0]  }
0x40f: {  	s30 =	sor.u32 s11, s28;
	[tilespmem:v9+s3+$0x0] =	vst.idx.add.f32.msk $0xffff, v13  }
0x410: {  	s16 =	sadd.s32 $0x1, s16;
	s21 =	sor.u32 s8, s20;
	s19 =	sor.u32 s8, s5;
	v7 =	vld [tilespmem:s30+$0x0]  }
0x411: {  	s29 =	sor.u32 s8, s31;
	s20 =	sor.u32 s8, s26;
	s0 =	sor.u32 $0x9000, s10;
	v9 =	vand.u32 $0xFFFFFF80, v8;
	[tilespmem:v11+s3+$0x0] =	vst.idx.add.f32.msk $0xffff, v63  }
0x412: {  	_ =	sdelay $0x1  }
0x413: {  	s1 =	sor.u32 s9, s0;
	v8 =	vand.u32 $0x7F, v8;
	v9 =	vadd.s32 v4, v9  }
0x414: {  	v10 =	vld [tilespmem:s1+$0x0];
	v8 =	vor.u32 v8, v9;
	v61 =	vand.u32 $0xFFFFFF80, v7  }
0x415: {  	s24 =	sor.u32 s11, s0;
	v62 =	vand.u32 $0x7F, v7;
	v9 =	vadd.s32 v5, v61  }
0x416: {  	v11 =	vld [tilespmem:s24+$0x0];
	v7 =	vor.u32 v62, v9;
	_ =	sdelay $0x1  }
0x417: {  	s25 =	sor.u32 $0x2380, s10  }
0x418: {  	s26 =	sor.u32 s9, s25;
	[tilespmem:v8+s3+$0x0] =	vst.idx.add.f32.msk $0xffff, v10  }
0x419: {  	v8 =	vld [tilespmem:s26+$0x0]  }
0x41a: {  	s0 =	sor.u32 s11, s25;
	[tilespmem:v7+s3+$0x0] =	vst.idx.add.f32.msk $0xffff, v11  }
0x41b: {  	v7 =	vld [tilespmem:s0+$0x0];
	_ =	sdelay $0x2  }
0x41c: {  	s28 =	sor.u32 $0x9080, s10;
	v63 =	vand.u32 $0xFFFFFF80, v8  }
0x41d: {  	s30 =	sor.u32 s9, s28;
	v8 =	vand.u32 $0x7F, v8;
	v9 =	vadd.s32 v4, v63  }
0x41e: {  	v10 =	vld [tilespmem:s30+$0x0];
	v8 =	vor.u32 v8, v9;
	v12 =	vand.u32 $0xFFFFFF80, v7  }
0x41f: {  	s0 =	sor.u32 s11, s28;
	v7 =	vand.u32 $0x7F, v7;
	v9 =	vadd.s32 v5, v12  }
0x420: {  	v13 =	vld [tilespmem:s0+$0x0];
	v7 =	vor.u32 v7, v9;
	_ =	sdelay $0x1  }
0x421: {  	s31 =	sor.u32 $0x3000, s10  }
0x422: {  	s2 =	sor.u32 s9, s31;
	[tilespmem:v8+s3+$0x0] =	vst.idx.add.f32.msk $0xffff, v10  }
0x423: {  	v8 =	vld [tilespmem:s2+$0x0]  }
0x424: {  	s0 =	sor.u32 s11, s31;
	[tilespmem:v7+s3+$0x0] =	vst.idx.add.f32.msk $0xffff, v13  }
0x425: {  	v7 =	vld [tilespmem:s0+$0x0];
	_ =	sdelay $0x2  }
0x426: {  	s4 =	sor.u32 $0x9100, s10;
	v14 =	vand.u32 $0xFFFFFF80, v8  }
0x427: {  	s5 =	sor.u32 s9, s4;
	v8 =	vand.u32 $0x7F, v8;
	v9 =	vadd.s32 v4, v14  }
0x428: {  	v10 =	vld [tilespmem:s5+$0x0];
	v8 =	vor.u32 v8, v9;
	v15 =	vand.u32 $0xFFFFFF80, v7  }
0x429: {  	s0 =	sor.u32 s11, s4;
	v7 =	vand.u32 $0x7F, v7;
	v9 =	vadd.s32 v5, v15  }
0x42a: {  	v16 =	vld [tilespmem:s0+$0x0];
	v7 =	vor.u32 v7, v9;
	_ =	sdelay $0x1  }
0x42b: {  	s12 =	sor.u32 $0x3080, s10  }
0x42c: {  	s13 =	sor.u32 s9, s12;
	[tilespmem:v8+s3+$0x0] =	vst.idx.add.f32.msk $0xffff, v10  }
0x42d: {  	v8 =	vld [tilespmem:s13+$0x0]  }
0x42e: {  	s0 =	sor.u32 s11, s12;
	[tilespmem:v7+s3+$0x0] =	vst.idx.add.f32.msk $0xffff, v16  }
0x42f: {  	v7 =	vld [tilespmem:s0+$0x0];
	_ =	sdelay $0x2  }
0x430: {  	s14 =	sor.u32 $0x9180, s10;
	v17 =	vand.u32 $0xFFFFFF80, v8  }
0x431: {  	s15 =	sor.u32 s9, s14;
	v8 =	vand.u32 $0x7F, v8;
	v9 =	vadd.s32 v4, v17  }
0x432: {  	v10 =	vld [tilespmem:s15+$0x0];
	v8 =	vor.u32 v8, v9;
	v18 =	vand.u32 $0xFFFFFF80, v7  }
0x433: {  	s0 =	sor.u32 s11, s14;
	v7 =	vand.u32 $0x7F, v7;
	v9 =	vadd.s32 v5, v18  }
0x434: {  	v11 =	vld [tilespmem:s0+$0x0];
	v7 =	vor.u32 v7, v9;
	_ =	sdelay $0x1  }
0x435: {  	s16 =	sor.u32 $0x3100, s10  }
0x436: {  	s17 =	sor.u32 s9, s16;
	[tilespmem:v8+s3+$0x0] =	vst.idx.add.f32.msk $0xffff, v10  }
0x437: {  	v8 =	vld [tilespmem:s17+$0x0]  }
0x438: {  	s0 =	sor.u32 s11, s16;
	[tilespmem:v7+s3+$0x0] =	vst.idx.add.f32.msk $0xffff, v11  }
0x439: {  	v7 =	vld [tilespmem:s0+$0x0];
	_ =	sdelay $0x2  }
0x43a: {  	s18 =	sor.u32 $0x9200, s10;
	v19 =	vand.u32 $0xFFFFFF80, v8  }
0x43b: {  	s23 =	sor.u32 s9, s18;
	v8 =	vand.u32 $0x7F, v8;
	v9 =	vadd.s32 v4, v19  }
0x43c: {  	v10 =	vld [tilespmem:s23+$0x0];
	v8 =	vor.u32 v8, v9;
	v20 =	vand.u32 $0xFFFFFF80, v7  }
0x43d: {  	s0 =	sor.u32 s11, s18;
	v7 =	vand.u32 $0x7F, v7;
	v9 =	vadd.s32 v5, v20  }
0x43e: {  	v11 =	vld [tilespmem:s0+$0x0];
	v7 =	vor.u32 v7, v9;
	_ =	sdelay $0x1  }
0x43f: {  	s24 =	sor.u32 $0x3180, s10  }
0x440: {  	s25 =	sor.u32 s9, s24;
	[tilespmem:v8+s3+$0x0] =	vst.idx.add.f32.msk $0xffff, v10  }
0x441: {  	v8 =	vld [tilespmem:s25+$0x0]  }
0x442: {  	s0 =	sor.u32 s11, s24;
	[tilespmem:v7+s3+$0x0] =	vst.idx.add.f32.msk $0xffff, v11  }
0x443: {  	v7 =	vld [tilespmem:s0+$0x0];
	_ =	sdelay $0x2  }
0x444: {  	s26 =	sor.u32 $0x9280, s10;
	v21 =	vand.u32 $0xFFFFFF80, v8  }
0x445: {  	s28 =	sor.u32 s9, s26;
	v8 =	vand.u32 $0x7F, v8;
	v9 =	vadd.s32 v4, v21  }
0x446: {  	v10 =	vld [tilespmem:s28+$0x0];
	v8 =	vor.u32 v8, v9;
	v22 =	vand.u32 $0xFFFFFF80, v7  }
0x447: {  	s0 =	sor.u32 s11, s26;
	v7 =	vand.u32 $0x7F, v7;
	v9 =	vadd.s32 v5, v22  }
0x448: {  	v11 =	vld [tilespmem:s0+$0x0];
	v7 =	vor.u32 v7, v9;
	_ =	sdelay $0x1  }
0x449: {  	s30 =	sor.u32 $0x3200, s10  }
0x44a: {  	s31 =	sor.u32 s9, s30;
	[tilespmem:v8+s3+$0x0] =	vst.idx.add.f32.msk $0xffff, v10  }
0x44b: {  	v8 =	vld [tilespmem:s31+$0x0]  }
0x44c: {  	s0 =	sor.u32 s11, s30;
	[tilespmem:v7+s3+$0x0] =	vst.idx.add.f32.msk $0xffff, v11  }
0x44d: {  	v7 =	vld [tilespmem:s0+$0x0];
	_ =	sdelay $0x2  }
0x44e: {  	s2 =	sor.u32 $0x9300, s10;
	v23 =	vand.u32 $0xFFFFFF80, v8  }
0x44f: {  	s4 =	sor.u32 s9, s2;
	v8 =	vand.u32 $0x7F, v8;
	v9 =	vadd.s32 v4, v23  }
0x450: {  	v10 =	vld [tilespmem:s4+$0x0];
	v8 =	vor.u32 v8, v9;
	v24 =	vand.u32 $0xFFFFFF80, v7  }
0x451: {  	s0 =	sor.u32 s11, s2;
	v7 =	vand.u32 $0x7F, v7;
	v9 =	vadd.s32 v5, v24  }
0x452: {  	v11 =	vld [tilespmem:s0+$0x0];
	v7 =	vor.u32 v7, v9;
	_ =	sdelay $0x1  }
0x453: {  	s5 =	sor.u32 $0x3280, s10  }
0x454: {  	s12 =	sor.u32 s9, s5;
	[tilespmem:v8+s3+$0x0] =	vst.idx.add.f32.msk $0xffff, v10  }
0x455: {  	v8 =	vld [tilespmem:s12+$0x0]  }
0x456: {  	s0 =	sor.u32 s11, s5;
	[tilespmem:v7+s3+$0x0] =	vst.idx.add.f32.msk $0xffff, v11  }
0x457: {  	v7 =	vld [tilespmem:s0+$0x0];
	_ =	sdelay $0x2  }
0x458: {  	s13 =	sor.u32 $0x9380, s10;
	v25 =	vand.u32 $0xFFFFFF80, v8  }
0x459: {  	s14 =	sor.u32 s9, s13;
	v8 =	vand.u32 $0x7F, v8;
	v9 =	vadd.s32 v4, v25  }
0x45a: {  	v10 =	vld [tilespmem:s14+$0x0];
	v8 =	vor.u32 v8, v9;
	v26 =	vand.u32 $0xFFFFFF80, v7  }
0x45b: {  	s0 =	sor.u32 s11, s13;
	v7 =	vand.u32 $0x7F, v7;
	v9 =	vadd.s32 v5, v26  }
0x45c: {  	v11 =	vld [tilespmem:s0+$0x0];
	v7 =	vor.u32 v7, v9;
	_ =	sdelay $0x1  }
0x45d: {  	s15 =	sor.u32 $0x3300, s10  }
0x45e: {  	s16 =	sor.u32 s9, s15;
	[tilespmem:v8+s3+$0x0] =	vst.idx.add.f32.msk $0xffff, v10  }
0x45f: {  	v8 =	vld [tilespmem:s16+$0x0]  }
0x460: {  	s0 =	sor.u32 s11, s15;
	[tilespmem:v7+s3+$0x0] =	vst.idx.add.f32.msk $0xffff, v11  }
0x461: {  	v7 =	vld [tilespmem:s0+$0x0];
	_ =	sdelay $0x2  }
0x462: {  	s17 =	sor.u32 $0xA000, s10;
	v27 =	vand.u32 $0xFFFFFF80, v8  }
0x463: {  	s18 =	sor.u32 s9, s17;
	v8 =	vand.u32 $0x7F, v8;
	v9 =	vadd.s32 v4, v27  }
0x464: {  	v10 =	vld [tilespmem:s18+$0x0];
	v8 =	vor.u32 v8, v9;
	v28 =	vand.u32 $0xFFFFFF80, v7  }
0x465: {  	s0 =	sor.u32 s11, s17;
	v7 =	vand.u32 $0x7F, v7;
	v9 =	vadd.s32 v5, v28  }
0x466: {  	v11 =	vld [tilespmem:s0+$0x0];
	v7 =	vor.u32 v7, v9;
	_ =	sdelay $0x1  }
0x467: {  	s23 =	sor.u32 $0x3380, s10  }
0x468: {  	s24 =	sor.u32 s9, s23;
	[tilespmem:v8+s3+$0x0] =	vst.idx.add.f32.msk $0xffff, v10  }
0x469: {  	v8 =	vld [tilespmem:s24+$0x0]  }
0x46a: {  	s0 =	sor.u32 s11, s23;
	[tilespmem:v7+s3+$0x0] =	vst.idx.add.f32.msk $0xffff, v11  }
0x46b: {  	v7 =	vld [tilespmem:s0+$0x0];
	_ =	sdelay $0x2  }
0x46c: {  	s25 =	sor.u32 $0xA080, s10;
	v29 =	vand.u32 $0xFFFFFF80, v8  }
0x46d: {  	s26 =	sor.u32 s9, s25;
	v8 =	vand.u32 $0x7F, v8;
	v9 =	vadd.s32 v4, v29  }
0x46e: {  	v10 =	vld [tilespmem:s26+$0x0];
	v8 =	vor.u32 v8, v9;
	v30 =	vand.u32 $0xFFFFFF80, v7  }
0x46f: {  	s0 =	sor.u32 s11, s25;
	v7 =	vand.u32 $0x7F, v7;
	v9 =	vadd.s32 v5, v30  }
0x470: {  	v11 =	vld [tilespmem:s0+$0x0];
	v7 =	vor.u32 v7, v9;
	_ =	sdelay $0x1  }
0x471: {  	s28 =	sor.u32 $0x4000, s10  }
0x472: {  	s30 =	sor.u32 s9, s28;
	[tilespmem:v8+s3+$0x0] =	vst.idx.add.f32.msk $0xffff, v10  }
0x473: {  	v8 =	vld [tilespmem:s30+$0x0]  }
0x474: {  	s0 =	sor.u32 s11, s28;
	[tilespmem:v7+s3+$0x0] =	vst.idx.add.f32.msk $0xffff, v11  }
0x475: {  	v7 =	vld [tilespmem:s0+$0x0];
	_ =	sdelay $0x2  }
0x476: {  	s31 =	sor.u32 $0xA100, s10;
	v31 =	vand.u32 $0xFFFFFF80, v8  }
0x477: {  	s2 =	sor.u32 s9, s31;
	v8 =	vand.u32 $0x7F, v8;
	v9 =	vadd.s32 v4, v31  }
0x478: {  	v10 =	vld [tilespmem:s2+$0x0];
	v8 =	vor.u32 v8, v9;
	v32 =	vand.u32 $0xFFFFFF80, v7  }
0x479: {  	s0 =	sor.u32 s11, s31;
	v7 =	vand.u32 $0x7F, v7;
	v9 =	vadd.s32 v5, v32  }
0x47a: {  	v11 =	vld [tilespmem:s0+$0x0];
	v7 =	vor.u32 v7, v9;
	_ =	sdelay $0x1  }
0x47b: {  	s4 =	sor.u32 $0x4080, s10  }
0x47c: {  	s5 =	sor.u32 s9, s4;
	[tilespmem:v8+s3+$0x0] =	vst.idx.add.f32.msk $0xffff, v10  }
0x47d: {  	v8 =	vld [tilespmem:s5+$0x0]  }
0x47e: {  	s0 =	sor.u32 s11, s4;
	[tilespmem:v7+s3+$0x0] =	vst.idx.add.f32.msk $0xffff, v11  }
0x47f: {  	v7 =	vld [tilespmem:s0+$0x0];
	_ =	sdelay $0x2  }
0x480: {  	s12 =	sor.u32 $0xA180, s10;
	v33 =	vand.u32 $0xFFFFFF80, v8  }
0x481: {  	s13 =	sor.u32 s9, s12;
	v8 =	vand.u32 $0x7F, v8;
	v9 =	vadd.s32 v4, v33  }
0x482: {  	v10 =	vld [tilespmem:s13+$0x0];
	v8 =	vor.u32 v8, v9;
	v34 =	vand.u32 $0xFFFFFF80, v7  }
0x483: {  	s0 =	sor.u32 s11, s12;
	v7 =	vand.u32 $0x7F, v7;
	v9 =	vadd.s32 v5, v34  }
0x484: {  	v11 =	vld [tilespmem:s0+$0x0];
	v7 =	vor.u32 v7, v9;
	_ =	sdelay $0x1  }
0x485: {  	s14 =	sor.u32 $0x4100, s10  }
0x486: {  	s15 =	sor.u32 s9, s14;
	[tilespmem:v8+s3+$0x0] =	vst.idx.add.f32.msk $0xffff, v10  }
0x487: {  	v8 =	vld [tilespmem:s15+$0x0]  }
0x488: {  	s0 =	sor.u32 s11, s14;
	[tilespmem:v7+s3+$0x0] =	vst.idx.add.f32.msk $0xffff, v11  }
0x489: {  	v7 =	vld [tilespmem:s0+$0x0];
	_ =	sdelay $0x2  }
0x48a: {  	s16 =	sor.u32 $0xA200, s10;
	v35 =	vand.u32 $0xFFFFFF80, v8  }
0x48b: {  	s17 =	sor.u32 s9, s16;
	v8 =	vand.u32 $0x7F, v8;
	v9 =	vadd.s32 v4, v35  }
0x48c: {  	v10 =	vld [tilespmem:s17+$0x0];
	v8 =	vor.u32 v8, v9;
	v36 =	vand.u32 $0xFFFFFF80, v7  }
0x48d: {  	s0 =	sor.u32 s11, s16;
	v7 =	vand.u32 $0x7F, v7;
	v9 =	vadd.s32 v5, v36  }
0x48e: {  	v11 =	vld [tilespmem:s0+$0x0];
	v7 =	vor.u32 v7, v9;
	_ =	sdelay $0x1  }
0x48f: {  	s18 =	sor.u32 $0x4180, s10  }
0x490: {  	s23 =	sor.u32 s9, s18;
	[tilespmem:v8+s3+$0x0] =	vst.idx.add.f32.msk $0xffff, v10  }
0x491: {  	v8 =	vld [tilespmem:s23+$0x0]  }
0x492: {  	s0 =	sor.u32 s11, s18;
	[tilespmem:v7+s3+$0x0] =	vst.idx.add.f32.msk $0xffff, v11  }
0x493: {  	v7 =	vld [tilespmem:s0+$0x0];
	_ =	sdelay $0x2  }
0x494: {  	s24 =	sor.u32 $0xA280, s10;
	v37 =	vand.u32 $0xFFFFFF80, v8  }
0x495: {  	s25 =	sor.u32 s9, s24;
	v8 =	vand.u32 $0x7F, v8;
	v9 =	vadd.s32 v4, v37  }
0x496: {  	v10 =	vld [tilespmem:s25+$0x0];
	v8 =	vor.u32 v8, v9;
	v38 =	vand.u32 $0xFFFFFF80, v7  }
0x497: {  	s0 =	sor.u32 s11, s24;
	v7 =	vand.u32 $0x7F, v7;
	v9 =	vadd.s32 v5, v38  }
0x498: {  	v11 =	vld [tilespmem:s0+$0x0];
	v7 =	vor.u32 v7, v9;
	_ =	sdelay $0x1  }
0x499: {  	s26 =	sor.u32 $0x4200, s10  }
0x49a: {  	s28 =	sor.u32 s9, s26;
	[tilespmem:v8+s3+$0x0] =	vst.idx.add.f32.msk $0xffff, v10  }
0x49b: {  	v8 =	vld [tilespmem:s28+$0x0]  }
0x49c: {  	s0 =	sor.u32 s11, s26;
	[tilespmem:v7+s3+$0x0] =	vst.idx.add.f32.msk $0xffff, v11  }
0x49d: {  	v7 =	vld [tilespmem:s0+$0x0];
	_ =	sdelay $0x2  }
0x49e: {  	s30 =	sor.u32 $0xA300, s10;
	v39 =	vand.u32 $0xFFFFFF80, v8  }
0x49f: {  	s31 =	sor.u32 s9, s30;
	v8 =	vand.u32 $0x7F, v8;
	v9 =	vadd.s32 v4, v39  }
0x4a0: {  	v10 =	vld [tilespmem:s31+$0x0];
	v8 =	vor.u32 v8, v9;
	v40 =	vand.u32 $0xFFFFFF80, v7  }
0x4a1: {  	s0 =	sor.u32 s11, s30;
	v7 =	vand.u32 $0x7F, v7;
	v9 =	vadd.s32 v5, v40  }
0x4a2: {  	v11 =	vld [tilespmem:s0+$0x0];
	v7 =	vor.u32 v7, v9;
	_ =	sdelay $0x1  }
0x4a3: {  	s2 =	sor.u32 $0x4280, s10  }
0x4a4: {  	s4 =	sor.u32 s9, s2;
	[tilespmem:v8+s3+$0x0] =	vst.idx.add.f32.msk $0xffff, v10  }
0x4a5: {  	v8 =	vld [tilespmem:s4+$0x0]  }
0x4a6: {  	s0 =	sor.u32 s11, s2;
	[tilespmem:v7+s3+$0x0] =	vst.idx.add.f32.msk $0xffff, v11  }
0x4a7: {  	v7 =	vld [tilespmem:s0+$0x0];
	_ =	sdelay $0x2  }
0x4a8: {  	s5 =	sor.u32 $0xA380, s10;
	v41 =	vand.u32 $0xFFFFFF80, v8  }
0x4a9: {  	s12 =	sor.u32 s9, s5;
	v8 =	vand.u32 $0x7F, v8;
	v9 =	vadd.s32 v4, v41  }
0x4aa: {  	v10 =	vld [tilespmem:s12+$0x0];
	v8 =	vor.u32 v8, v9;
	v42 =	vand.u32 $0xFFFFFF80, v7  }
0x4ab: {  	s0 =	sor.u32 s11, s5;
	v7 =	vand.u32 $0x7F, v7;
	v9 =	vadd.s32 v5, v42  }
0x4ac: {  	v11 =	vld [tilespmem:s0+$0x0];
	v7 =	vor.u32 v7, v9;
	_ =	sdelay $0x1  }
0x4ad: {  	s13 =	sor.u32 $0x4300, s10  }
0x4ae: {  	s14 =	sor.u32 s9, s13;
	[tilespmem:v8+s3+$0x0] =	vst.idx.add.f32.msk $0xffff, v10  }
0x4af: {  	v8 =	vld [tilespmem:s14+$0x0]  }
0x4b0: {  	s0 =	sor.u32 s11, s13;
	[tilespmem:v7+s3+$0x0] =	vst.idx.add.f32.msk $0xffff, v11  }
0x4b1: {  	v7 =	vld [tilespmem:s0+$0x0];
	_ =	sdelay $0x2  }
0x4b2: {  	s15 =	sor.u32 $0xB000, s10;
	v43 =	vand.u32 $0xFFFFFF80, v8  }
0x4b3: {  	s16 =	sor.u32 s9, s15;
	v8 =	vand.u32 $0x7F, v8;
	v9 =	vadd.s32 v4, v43  }
0x4b4: {  	v10 =	vld [tilespmem:s16+$0x0];
	v8 =	vor.u32 v8, v9;
	v44 =	vand.u32 $0xFFFFFF80, v7  }
0x4b5: {  	s0 =	sor.u32 s11, s15;
	v7 =	vand.u32 $0x7F, v7;
	v9 =	vadd.s32 v5, v44  }
0x4b6: {  	v11 =	vld [tilespmem:s0+$0x0];
	v7 =	vor.u32 v7, v9;
	_ =	sdelay $0x1  }
0x4b7: {  	s17 =	sor.u32 $0x4380, s10  }
0x4b8: {  	s18 =	sor.u32 s9, s17;
	[tilespmem:v8+s3+$0x0] =	vst.idx.add.f32.msk $0xffff, v10  }
0x4b9: {  	v8 =	vld [tilespmem:s18+$0x0]  }
0x4ba: {  	s0 =	sor.u32 s11, s17;
	[tilespmem:v7+s3+$0x0] =	vst.idx.add.f32.msk $0xffff, v11  }
0x4bb: {  	v7 =	vld [tilespmem:s0+$0x0];
	_ =	sdelay $0x2  }
0x4bc: {  	s23 =	sor.u32 $0xB080, s10;
	v45 =	vand.u32 $0xFFFFFF80, v8  }
0x4bd: {  	s24 =	sor.u32 s9, s23;
	v8 =	vand.u32 $0x7F, v8;
	v9 =	vadd.s32 v4, v45  }
0x4be: {  	v10 =	vld [tilespmem:s24+$0x0];
	v8 =	vor.u32 v8, v9;
	v46 =	vand.u32 $0xFFFFFF80, v7  }
0x4bf: {  	s0 =	sor.u32 s11, s23;
	v7 =	vand.u32 $0x7F, v7;
	v9 =	vadd.s32 v5, v46  }
0x4c0: {  	v11 =	vld [tilespmem:s0+$0x0];
	v7 =	vor.u32 v7, v9;
	_ =	sdelay $0x1  }
0x4c1: {  	s25 =	sor.u32 $0x5000, s10  }
0x4c2: {  	s26 =	sor.u32 s9, s25;
	[tilespmem:v8+s3+$0x0] =	vst.idx.add.f32.msk $0xffff, v10  }
0x4c3: {  	v8 =	vld [tilespmem:s26+$0x0]  }
0x4c4: {  	s0 =	sor.u32 s11, s25;
	[tilespmem:v7+s3+$0x0] =	vst.idx.add.f32.msk $0xffff, v11  }
0x4c5: {  	v7 =	vld [tilespmem:s0+$0x0];
	_ =	sdelay $0x2  }
0x4c6: {  	s28 =	sor.u32 $0xB100, s10;
	v47 =	vand.u32 $0xFFFFFF80, v8  }
0x4c7: {  	s30 =	sor.u32 s9, s28;
	v8 =	vand.u32 $0x7F, v8;
	v9 =	vadd.s32 v4, v47  }
0x4c8: {  	v10 =	vld [tilespmem:s30+$0x0];
	v8 =	vor.u32 v8, v9;
	v48 =	vand.u32 $0xFFFFFF80, v7  }
0x4c9: {  	s0 =	sor.u32 s11, s28;
	v7 =	vand.u32 $0x7F, v7;
	v9 =	vadd.s32 v5, v48  }
0x4ca: {  	v11 =	vld [tilespmem:s0+$0x0];
	v7 =	vor.u32 v7, v9;
	_ =	sdelay $0x1  }
0x4cb: {  	s31 =	sor.u32 $0x5080, s10  }
0x4cc: {  	s2 =	sor.u32 s9, s31;
	[tilespmem:v8+s3+$0x0] =	vst.idx.add.f32.msk $0xffff, v10  }
0x4cd: {  	v8 =	vld [tilespmem:s2+$0x0]  }
0x4ce: {  	s0 =	sor.u32 s11, s31;
	[tilespmem:v7+s3+$0x0] =	vst.idx.add.f32.msk $0xffff, v11  }
0x4cf: {  	v7 =	vld [tilespmem:s0+$0x0];
	_ =	sdelay $0x2  }
0x4d0: {  	s4 =	sor.u32 $0xB180, s10;
	v49 =	vand.u32 $0xFFFFFF80, v8  }
0x4d1: {  	s5 =	sor.u32 s9, s4;
	v8 =	vand.u32 $0x7F, v8;
	v9 =	vadd.s32 v4, v49  }
0x4d2: {  	v10 =	vld [tilespmem:s5+$0x0];
	v8 =	vor.u32 v8, v9;
	v50 =	vand.u32 $0xFFFFFF80, v7  }
0x4d3: {  	s0 =	sor.u32 s11, s4;
	v7 =	vand.u32 $0x7F, v7;
	v9 =	vadd.s32 v5, v50  }
0x4d4: {  	v11 =	vld [tilespmem:s0+$0x0];
	v7 =	vor.u32 v7, v9;
	_ =	sdelay $0x1  }
0x4d5: {  	s12 =	sor.u32 $0x5100, s10  }
0x4d6: {  	s13 =	sor.u32 s9, s12;
	[tilespmem:v8+s3+$0x0] =	vst.idx.add.f32.msk $0xffff, v10  }
0x4d7: {  	v8 =	vld [tilespmem:s13+$0x0]  }
0x4d8: {  	s0 =	sor.u32 s11, s12;
	[tilespmem:v7+s3+$0x0] =	vst.idx.add.f32.msk $0xffff, v11  }
0x4d9: {  	v7 =	vld [tilespmem:s0+$0x0];
	_ =	sdelay $0x2  }
0x4da: {  	s14 =	sor.u32 $0xB200, s10;
	v51 =	vand.u32 $0xFFFFFF80, v8  }
0x4db: {  	s15 =	sor.u32 s9, s14;
	v8 =	vand.u32 $0x7F, v8;
	v9 =	vadd.s32 v4, v51  }
0x4dc: {  	v10 =	vld [tilespmem:s15+$0x0];
	v8 =	vor.u32 v8, v9;
	v52 =	vand.u32 $0xFFFFFF80, v7  }
0x4dd: {  	s0 =	sor.u32 s11, s14;
	v7 =	vand.u32 $0x7F, v7;
	v9 =	vadd.s32 v5, v52  }
0x4de: {  	v11 =	vld [tilespmem:s0+$0x0];
	v7 =	vor.u32 v7, v9;
	_ =	sdelay $0x1  }
0x4df: {  	v53 =	vld [tilespmem:s22+$0x0];
	s16 =	sor.u32 $0x5180, s10  }
0x4e0: {  	s17 =	sor.u32 s9, s16;
	[tilespmem:v8+s3+$0x0] =	vst.idx.add.f32.msk $0xffff, v10  }
0x4e1: {  	v8 =	vld [tilespmem:s17+$0x0]  }
0x4e2: {  	s0 =	sor.u32 s11, s16;
	[tilespmem:v7+s3+$0x0] =	vst.idx.add.f32.msk $0xffff, v11  }
0x4e3: {  	v7 =	vld [tilespmem:s0+$0x0]  }
0x4e4: {  	v54 =	vand.u32 $0xFFFFFF80, v53  }
0x4e5: {  	v9 =	vand.u32 $0x7F, v53;
	v10 =	vadd.s32 v3, v54  }
0x4e6: {  	v55 =	vld [tilespmem:s19+$0x0];
	s18 =	sor.u32 $0xB280, s10;
	v9 =	vor.u32 v9, v10;
	v56 =	vand.u32 $0xFFFFFF80, v8  }
0x4e7: {  	s19 =	sor.u32 s9, s18;
	v8 =	vand.u32 $0x7F, v8;
	v10 =	vadd.s32 v4, v56  }
0x4e8: {  	v12 =	vld [tilespmem:s19+$0x0];
	v8 =	vor.u32 v8, v10;
	v57 =	vand.u32 $0xFFFFFF80, v7  }
0x4e9: {  	s0 =	sor.u32 s11, s18;
	v7 =	vand.u32 $0x7F, v7;
	v10 =	vadd.s32 v5, v57  }
0x4ea: {  	v13 =	vld [tilespmem:s0+$0x0];
	v7 =	vor.u32 v7, v10  }
0x4eb: {  	[tilespmem:v9+s3+$0x0] =	vst.idx.add.f32.msk $0xffff, v55  }
0x4ec: {  	s22 =	sor.u32 $0x5200, s10;
	v9 =	vld [tilespmem:s21+$0x0]  }
0x4ed: {  	s23 =	sor.u32 s9, s22;
	[tilespmem:v8+s3+$0x0] =	vst.idx.add.f32.msk $0xffff, v12  }
0x4ee: {  	v8 =	vld [tilespmem:s23+$0x0]  }
0x4ef: {  	s0 =	sor.u32 s11, s22;
	[tilespmem:v7+s3+$0x0] =	vst.idx.add.f32.msk $0xffff, v13  }
0x4f0: {  	v7 =	vld [tilespmem:s0+$0x0]  }
0x4f1: {  	v58 =	vand.u32 $0xFFFFFF80, v9  }
0x4f2: {  	v9 =	vand.u32 $0x7F, v9;
	v10 =	vadd.s32 v3, v58  }
0x4f3: {  	s24 =	sor.u32 $0xB300, s10;
	v59 =	vld [tilespmem:s20+$0x0];
	v9 =	vor.u32 v9, v10;
	v60 =	vand.u32 $0xFFFFFF80, v8  }
0x4f4: {  	s25 =	sor.u32 $0xB380, s6;
	s2 =	sor.u32 s9, s24;
	v8 =	vand.u32 $0x7F, v8;
	v11 =	vadd.s32 v4, v60  }
0x4f5: {  	s26 =	sor.u32 s7, s25;
	v12 =	vld [tilespmem:s2+$0x0];
	v8 =	vor.u32 v8, v11;
	v61 =	vand.u32 $0xFFFFFF80, v7  }
0x4f6: {  	v62 =	vld [tilespmem:s26+$0x0];
	s0 =	sor.u32 s11, s24;
	v7 =	vand.u32 $0x7F, v7;
	v11 =	vadd.s32 v5, v61  }
0x4f7: {  	v14 =	vand.u32 $0xFFFFFF80, v6;
	v63 =	vld [tilespmem:s0+$0x0];
	v7 =	vor.u32 v7, v11  }
0x4f8: {  	v14 =	vadd.s32 v2, v14;
	v16 =	vand.u32 $0x7F, v6;
	[tilespmem:v9+s3+$0x0] =	vst.idx.add.f32.msk $0xffff, v59  }
0x4f9: {  	v6 =	vor.u32 v16, v14;
	s28 =	sor.u32 $0x5280, s10;
	v9 =	vld [tilespmem:s29+$0x0]  }
0x4fa: {  	s29 =	sor.u32 s9, s28;
	[tilespmem:v8+s3+$0x0] =	vst.idx.add.f32.msk $0xffff, v12  }
0x4fb: {  	v8 =	vld [tilespmem:s29+$0x0]  }
0x4fc: {  	s0 =	sor.u32 s11, s28;
	[tilespmem:v7+s3+$0x0] =	vst.idx.add.f32.msk $0xffff, v63  }
0x4fd: {  	s30 =	sor.u32 $0x5300, s6;
	v7 =	vld [tilespmem:s0+$0x0]  }
0x4fe: {  	s31 =	sor.u32 s7, s30;
	[tilespmem:v6+s3+$0x0] =	vst.idx.add.f32.msk $0xffff, v62;
	v17 =	vand.u32 $0xFFFFFF80, v9  }
0x4ff: {  	s1 =	sor.u32 s8, s25;
	v18 =	vld [tilespmem:s31+$0x0];
	v9 =	vand.u32 $0x7F, v9;
	v6 =	vadd.s32 v3, v17  }
0x500: {  	v19 =	vld [tilespmem:s1+$0x0];
	s1 =	sor.u32 $0xB380, s10;
	v6 =	vor.u32 v9, v6;
	v20 =	vand.u32 $0xFFFFFF80, v8  }
0x501: {  	s5 =	sor.u32 $0xC000, s6;
	s4 =	sor.u32 s9, s1;
	v8 =	vand.u32 $0x7F, v8;
	v11 =	vadd.s32 v4, v20  }
0x502: {  	s12 =	sor.u32 s7, s5;
	v12 =	vld [tilespmem:s4+$0x0];
	v8 =	vor.u32 v8, v11;
	v21 =	vand.u32 $0xFFFFFF80, v7  }
0x503: {  	v13 =	vld [tilespmem:s12+$0x0];
	s0 =	sor.u32 s11, s1;
	v7 =	vand.u32 $0x7F, v7;
	v11 =	vadd.s32 v5, v21  }
0x504: {  	v23 =	vld [tilespmem:s0+$0x0];
	v7 =	vor.u32 v7, v11  }
0x505: {  	v22 =	vand.u32 $0xFFFFFF80, v18;
	s13 =	sor.u32 s8, s30;
	[tilespmem:v6+s3+$0x0] =	vst.idx.add.f32.msk $0xffff, v19  }
0x506: {  	v14 =	vadd.s32 v2, v22;
	s14 =	sor.u32 $0x5300, s10;
	v10 =	vand.u32 $0x7F, v18;
	v9 =	vld [tilespmem:s13+$0x0]  }
0x507: {  	s15 =	sor.u32 s9, s14;
	v24 =	vor.u32 v10, v14;
	[tilespmem:v8+s3+$0x0] =	vst.idx.add.f32.msk $0xffff, v12  }
0x508: {  	v8 =	vld [tilespmem:s15+$0x0]  }
0x509: {  	s0 =	sor.u32 s11, s14;
	[tilespmem:v7+s3+$0x0] =	vst.idx.add.f32.msk $0xffff, v23  }
0x50a: {  	v7 =	vld [tilespmem:s0+$0x0]  }
0x50b: {  	v25 =	vand.u32 $0xFFFFFF80, v9  }
0x50c: {  	s16 =	sor.u32 $0x5380, s6;
	[tilespmem:v24+s3+$0x0] =	vst.idx.add.f32.msk $0xffff, v13;
	s1 =	sor.u32 s8, s5;
	v9 =	vand.u32 $0x7F, v9;
	v6 =	vadd.s32 v3, v25  }
0x50d: {  	s17 =	sor.u32 s7, s16;
	s18 =	sor.u32 $0xC000, s10;
	v27 =	vld [tilespmem:s1+$0x0];
	v6 =	vor.u32 v9, v6;
	v28 =	vand.u32 $0xFFFFFF80, v8  }
0x50e: {  	s19 =	sor.u32 $0xC080, s6;
	s20 =	sor.u32 s9, s18;
	v26 =	vld [tilespmem:s17+$0x0];
	v8 =	vand.u32 $0x7F, v8;
	v11 =	vadd.s32 v4, v28  }
0x50f: {  	s21 =	sor.u32 s7, s19;
	v12 =	vld [tilespmem:s20+$0x0];
	v8 =	vor.u32 v8, v11;
	v29 =	vand.u32 $0xFFFFFF80, v7  }
0x510: {  	v13 =	vld [tilespmem:s21+$0x0];
	s0 =	sor.u32 s11, s18;
	v7 =	vand.u32 $0x7F, v7;
	v11 =	vadd.s32 v5, v29  }
0x511: {  	v30 =	vld [tilespmem:s0+$0x0];
	v7 =	vor.u32 v7, v11  }
0x512: {  	s22 =	sor.u32 s8, s16;
	[tilespmem:v6+s3+$0x0] =	vst.idx.add.f32.msk $0xffff, v27  }
0x513: {  	s23 =	sor.u32 $0x5380, s10;
	v31 =	vand.u32 $0xFFFFFF80, v26;
	v34 =	vld [tilespmem:s22+$0x0]  }
0x514: {  	s24 =	sor.u32 s9, s23;
	v32 =	vand.u32 $0x7F, v26;
	v33 =	vadd.s32 v2, v31;
	[tilespmem:v8+s3+$0x0] =	vst.idx.add.f32.msk $0xffff, v12  }
0x515: {  	v6 =	vor.u32 v32, v33;
	v8 =	vld [tilespmem:s24+$0x0]  }
0x516: {  	s0 =	sor.u32 s11, s23;
	[tilespmem:v7+s3+$0x0] =	vst.idx.add.f32.msk $0xffff, v30  }
0x517: {  	v7 =	vld [tilespmem:s0+$0x0]  }
0x518: {  	s25 =	sor.u32 s8, s19;
	v35 =	vand.u32 $0xFFFFFF80, v34  }
0x519: {  	s26 =	sor.u32 $0x6000, s6;
	v37 =	vld [tilespmem:s25+$0x0];
	v36 =	vand.u32 $0x7F, v34;
	v9 =	vadd.s32 v3, v35  }
0x51a: {  	s28 =	sor.u32 s7, s26;
	s29 =	sor.u32 $0xC080, s10;
	[tilespmem:v6+s3+$0x0] =	vst.idx.add.f32.msk $0xffff, v13;
	v6 =	vor.u32 v36, v9;
	v38 =	vand.u32 $0xFFFFFF80, v8  }
0x51b: {  	s30 =	sor.u32 $0xC100, s6;
	s31 =	sor.u32 s9, s29;
	v39 =	vld [tilespmem:s28+$0x0];
	v8 =	vand.u32 $0x7F, v8;
	v10 =	vadd.s32 v4, v38  }
0x51c: {  	s5 =	sor.u32 s7, s30;
	v12 =	vld [tilespmem:s31+$0x0];
	v8 =	vor.u32 v8, v10;
	v40 =	vand.u32 $0xFFFFFF80, v7  }
0x51d: {  	v13 =	vld [tilespmem:s5+$0x0];
	s0 =	sor.u32 s11, s29;
	v7 =	vand.u32 $0x7F, v7;
	v10 =	vadd.s32 v5, v40  }
0x51e: {  	v41 =	vld [tilespmem:s0+$0x0];
	v7 =	vor.u32 v7, v10  }
0x51f: {  	s12 =	sor.u32 s8, s26;
	[tilespmem:v6+s3+$0x0] =	vst.idx.add.f32.msk $0xffff, v37  }
0x520: {  	s13 =	sor.u32 $0x6000, s10;
	v6 =	vld [tilespmem:s12+$0x0]  }
0x521: {  	s14 =	sor.u32 s9, s13;
	[tilespmem:v8+s3+$0x0] =	vst.idx.add.f32.msk $0xffff, v12  }
0x522: {  	v42 =	vand.u32 $0xFFFFFF80, v39;
	v44 =	vld [tilespmem:s14+$0x0]  }
0x523: {  	v43 =	vand.u32 $0x7F, v39;
	v9 =	vadd.s32 v2, v42;
	s0 =	sor.u32 s11, s13;
	[tilespmem:v7+s3+$0x0] =	vst.idx.add.f32.msk $0xffff, v41  }
0x524: {  	v8 =	vor.u32 v43, v9;
	v7 =	vld [tilespmem:s0+$0x0]  }
0x525: {  	v45 =	vand.u32 $0xFFFFFF80, v6  }
0x526: {  	s16 =	sor.u32 $0xC100, s10;
	s15 =	sor.u32 s8, s30;
	v6 =	vand.u32 $0x7F, v6;
	v9 =	vadd.s32 v3, v45  }
0x527: {  	s18 =	sor.u32 s9, s16;
	v46 =	vld [tilespmem:s15+$0x0];
	v6 =	vor.u32 v6, v9;
	v47 =	vand.u32 $0xFFFFFF80, v44  }
0x528: {  	s17 =	sor.u32 $0x6080, s6;
	v49 =	vld [tilespmem:s18+$0x0];
	v48 =	vand.u32 $0x7F, v44;
	v10 =	vadd.s32 v4, v47  }
0x529: {  	s19 =	sor.u32 s7, s17;
	[tilespmem:v8+s3+$0x0] =	vst.idx.add.f32.msk $0xffff, v13;
	v8 =	vor.u32 v48, v10;
	v50 =	vand.u32 $0xFFFFFF80, v7  }
0x52a: {  	s0 =	sor.u32 s11, s16;
	v51 =	vld [tilespmem:s19+$0x0];
	v7 =	vand.u32 $0x7F, v7;
	v10 =	vadd.s32 v5, v50  }
0x52b: {  	v52 =	vld [tilespmem:s0+$0x0];
	v7 =	vor.u32 v7, v10  }
0x52c: {  	s20 =	sor.u32 s8, s17;
	[tilespmem:v6+s3+$0x0] =	vst.idx.add.f32.msk $0xffff, v46  }
0x52d: {  	s21 =	sor.u32 $0x6080, s10;
	v6 =	vld [tilespmem:s20+$0x0]  }
0x52e: {  	s22 =	sor.u32 s9, s21;
	[tilespmem:v8+s3+$0x0] =	vst.idx.add.f32.msk $0xffff, v49  }
0x52f: {  	v8 =	vld [tilespmem:s22+$0x0]  }
0x530: {  	s0 =	sor.u32 s11, s21;
	[tilespmem:v7+s3+$0x0] =	vst.idx.add.f32.msk $0xffff, v52  }
0x531: {  	v7 =	vld [tilespmem:s0+$0x0];
	_ =	sdelay $0x1  }
0x532: {  	s23 =	sor.u32 $0xC180, s6;
	v53 =	vand.u32 $0xFFFFFF80, v51;
	v54 =	vand.u32 $0x7F, v51;
	v55 =	vand.u32 $0xFFFFFF80, v6  }
0x533: {  	s24 =	sor.u32 s7, s23;
	v2 =	vadd.s32 v2, v53;
	v6 =	vand.u32 $0x7F, v6;
	v3 =	vadd.s32 v3, v55  }
0x534: {  	s25 =	sor.u32 $0xC180, s10;
	v56 =	vld [tilespmem:s24+$0x0];
	v2 =	vor.u32 v54, v2;
	v3 =	vor.u32 v6, v3;
	s0 =	sor.u32 s8, s23;
	v57 =	vand.u32 $0xFFFFFF80, v8  }
0x535: {  	s26 =	sor.u32 s9, s25;
	v58 =	vld [tilespmem:s0+$0x0];
	v8 =	vand.u32 $0x7F, v8;
	v59 =	vadd.s32 v4, v57;
	v60 =	vand.u32 $0xFFFFFF80, v7  }
0x536: {  	s1 =	sor.u32 s11, s25;
	v61 =	vld [tilespmem:s26+$0x0];
	v4 =	vor.u32 v8, v59;
	v7 =	vand.u32 $0x7F, v7;
	v62 =	vadd.s32 v5, v60  }
0x537: {  	v63 =	vld [tilespmem:s1+$0x0];
	v5 =	vor.u32 v7, v62;
	_ =	sdelay $0x1  }
0x538: {  	[tilespmem:v2+s3+$0x0] =	vst.idx.add.f32.msk $0xffff, v56  }
0x539: {  	[tilespmem:v3+s3+$0x0] =	vst.idx.add.f32.msk $0xffff, v58  }
0x53a: {  	[tilespmem:v4+s3+$0x0] =	vst.idx.add.f32.msk $0xffff, v61  }
0x53b: {  	[tilespmem:v5+s3+$0x0] =	vst.idx.add.f32.msk $0xffff, v63  }
0x53c: {  	s5 =	simm.s32 $0x0;
	s29 =	simm.s32 $0x3;
	s28 =	rddreg [dreg:$0xb]  }
0x53d: {  	[hbm4b:s28+s5] =	stream.linear.scatter [tilespmem:s3], [sflag:$0x3], $0x10000, $0x38;
	[tilespmem:$0x1D000] =	vst v63  }
0x53e: {  	_ =	swait.ge [sflag:s29], $0x10000  }
0x53f: {  	s30 =	sld [smem:$0x7F8];
	_ =	sdelay $0x2  }
0x540: {  	s31 =	rddreg [dreg:$0xc];
	s2 =	sadd.s32 $0x1, s30  }
0x541: {  	p0 =	sne.s32 s2, s31  }
.Ltmp2:
0x542: {  	_ = 	snop;
	(pc) =	sbr.rel @p0 .LBB2_1-.Ltmp2, $3  }
0x543: {  	_ =	sdelay $0x1  }
0x544: {  	[sflag:s29] =	ssyncset.done $0x0  }
0x545: {  	[sflag:s29] =	ssyncadd.s32 $0xFFFF0000  }
0x546: {  	_ =	sfence.sel $0x180000  }
0x547: {  	[bflag:$0x0] =	sbarrier.arrive $0xFFFF  }
0x548: {  	_ =	strace $0x90000047  }
0x549: {  	s0 =	stileid.u32;
	[bflag:$0x2] =	sbarrier.arrive $0xFFFF  }
0x54a: {  	p0 =	sne.s32 s0, $0x0;
	s0 =	rddreg [dreg:$0x2]  }
0x54b: {  	s0 =	sadd.s32 @!p0 $0x100000, s0  }
0x54c: {  	[sflag:s0] =	ssyncadd.tile.s32 @!p0 $0x1;
	_ =	shalt  }
.Lfunc_end2:
_tile_overlayer_lowered:
.L_overlay_start_2:
0x54d: {  	(tag) =	ssettag $0x2  }
0x54e: {  	s0 =	rddreg [dreg:$0x0];
	s2 =	stileid.u32  }
0x54f: {  	s1 =	rddreg [dreg:$0x1];
	p0 =	sne.s32 s2, $0x0  }
0x550: {  	s3 =	rddreg [dreg:$0x2];
	[bflag:$0x3] =	sbarrier.arrive $0xFFFF;
	s2 =	simm.s32 @!p0 $0x1C03  }
0x551: {  	[timem:s3], [sflag:s2] =	dma.local @!p0 [hbm:s0], s1  }
0x552: {  	s0 =	simm.s32 @!p0 $0x3  }
0x553: {  	_ =	swait.ge @!p0 [sflag:s0], s1  }
0x554: {  	s1 =	ssub.s32 @!p0 $0x0, s1;
	[sflag:s0] =	ssyncset.done @!p0 $0x0  }
0x555: {  	[sflag:s0] =	ssyncadd.s32 @!p0 s1  }
0x556: {  	[bflag:$0x3] =	sbarrier.arrive $0xFFFF  }
0x557: {  	_ =	shalt  }

</sc_bundles>
